<compile_context>
chip_gen: v7x
topology: tpu7x:2x2x1
jax: 0.10.2.dev20260603
libtpu: 0.0.44.dev20260713+nightly
codegen_flags: <defaults>
</compile_context>

<pallas_src>
import jax
import jax.numpy as jnp
from jax import lax
from jax.experimental import pallas as pl
from jax.experimental.pallas import tpu as pltpu
from jax.experimental.pallas import tpu_sc as plsc

N = 10000
D = 128
H = 16
C = 40
E = 320000

NPAD = 10240
NC = 2
NS = 16
NW = NC * NS
CHUNK = 128
TOTCH = E // CHUNK
BASECH = TOTCH // NW
EXTRA = TOTCH - BASECH * NW
RPT = NPAD // NS


P = N // 8
PL = 8 * H
PC = 8 * C


def _mm1_body(x_ref, wb_ref, y1_ref, xr_ref):
    o = jnp.dot(x_ref[...], wb_ref[...], preferred_element_type=jnp.float32)
    y1_ref[...] = o[:, :PL]
    xr_ref[...] = o[:, PL:]


def _mm1(x1024, w1big):
    return pl.pallas_call(
        _mm1_body,
        out_shape=[
            jax.ShapeDtypeStruct((P, PL), jnp.float32),
            jax.ShapeDtypeStruct((P, PL), jnp.float32),
        ],
    )(x1024, w1big)


NB = 6


def _make_seg(with_count):
    mesh = plsc.VectorSubcoreMesh(core_axis_name="c", subcore_axis_name="s")
    out_type = [jax.ShapeDtypeStruct((NC, NPAD, H), jnp.float32)]
    scratch = (
        [pltpu.VMEM((BASECH + 1, CHUNK), jnp.int32)] * 2
        + [pltpu.VMEM((CHUNK, H), jnp.float32)] * NB
        + [pltpu.VMEM_SHARED((NPAD, H), jnp.float32)]
        + [pltpu.SemaphoreType.DMA] * (2 * NB)
    )
    if with_count:
        out_type.append(jax.ShapeDtypeStruct((NC, NPAD, H), jnp.float32))
        scratch += (
            [pltpu.VMEM((CHUNK, H), jnp.float32)]
            + [pltpu.VMEM_SHARED((NPAD, H), jnp.float32)]
            + [pltpu.SemaphoreType.DMA] * NB
        )

    def body(table, ei3, zagg, zcnt, ones, agg_out, cnt_out, scr):
        src_v, dst_v = scr[0], scr[1]
        rows = scr[2:2 + NB]
        sh_agg = scr[2 + NB]
        gsems = scr[3 + NB:3 + 2 * NB]
        ssems = scr[3 + 2 * NB:3 + 3 * NB]
        if with_count:
            ones_v = scr[3 + 3 * NB]
            sh_cnt = scr[4 + 3 * NB]
            csems = scr[5 + 3 * NB:5 + 4 * NB]
        else:
            ones_v = sh_cnt = None
            csems = [None] * NB
        cid = lax.axis_index("c")
        sid = lax.axis_index("s")
        wid = sid * NC + cid
        r0 = sid * RPT
        pltpu.sync_copy(zagg.at[pl.ds(r0, RPT)], sh_agg.at[pl.ds(r0, RPT)])
        base = wid * BASECH
        pltpu.sync_copy(ei3.at[0, pl.ds(base, BASECH)],
                        src_v.at[pl.ds(0, BASECH)])
        pltpu.sync_copy(ei3.at[1, pl.ds(base, BASECH)],
                        dst_v.at[pl.ds(0, BASECH)])

        @pl.when(wid < EXTRA)
        def _():
            pltpu.sync_copy(ei3.at[0, BASECH * NW + wid], src_v.at[BASECH])
            pltpu.sync_copy(ei3.at[1, BASECH * NW + wid], dst_v.at[BASECH])

        if with_count:
            pltpu.sync_copy(zcnt.at[pl.ds(r0, RPT)], sh_cnt.at[pl.ds(r0, RPT)])
            pltpu.sync_copy(ones, ones_v)
        plsc.subcore_barrier()

        for b in range(NB):
            pltpu.async_copy(table.at[src_v.at[b]], rows[b], gsems[b])

        def ring_body(i, carry):
            for b in range(NB):
                c = NB * i + b
                bp = (b - 1) % NB
                cp = c - 1
                pltpu.make_async_copy(table.at[src_v.at[c]], rows[b],
                                      gsems[b]).wait()
                pltpu.async_copy(rows[b], sh_agg.at[dst_v.at[c]],
                                 ssems[b], add=True)
                if with_count:
                    pltpu.async_copy(ones_v, sh_cnt.at[dst_v.at[c]],
                                     csems[b], add=True)

                @pl.when(cp >= 0)
                def _():
                    pltpu.make_async_copy(rows[bp], sh_agg.at[dst_v.at[cp]],
                                          ssems[bp]).wait()

                    @pl.when(cp + NB < BASECH)
                    def _():
                        pltpu.async_copy(table.at[src_v.at[cp + NB]],
                                         rows[bp], gsems[bp])

                    if with_count:
                        pltpu.make_async_copy(ones_v,
                                              sh_cnt.at[dst_v.at[cp]],
                                              csems[bp]).wait()
            return carry

        lax.fori_loop(0, BASECH // NB, ring_body, 0)

        lastb = (BASECH - 1) % NB
        pltpu.make_async_copy(rows[lastb], sh_agg.at[dst_v.at[BASECH - 1]],
                              ssems[lastb]).wait()
        if with_count:
            pltpu.make_async_copy(ones_v, sh_cnt.at[dst_v.at[BASECH - 1]],
                                  csems[lastb]).wait()

        @pl.when(wid < EXTRA)
        def _():
            pltpu.async_copy(table.at[src_v.at[BASECH]], rows[0],
                             gsems[0]).wait()
            sc = pltpu.async_copy(rows[0], sh_agg.at[dst_v.at[BASECH]],
                                  ssems[0], add=True)
            if with_count:
                pltpu.async_copy(ones_v, sh_cnt.at[dst_v.at[BASECH]],
                                 csems[0], add=True).wait()
            sc.wait()

        plsc.subcore_barrier()
        pltpu.sync_copy(sh_agg.at[pl.ds(r0, RPT)],
                        agg_out.at[cid, pl.ds(r0, RPT)])
        if with_count:
            pltpu.sync_copy(sh_cnt.at[pl.ds(r0, RPT)],
                            cnt_out.at[cid, pl.ds(r0, RPT)])

    if with_count:
        def entry(table, ei3, zagg, zcnt, ones, agg_out, cnt_out, *scr):
            body(table, ei3, zagg, zcnt, ones, agg_out, cnt_out, scr)
    else:
        def entry(table, ei3, zagg, agg_out, *scr):
            body(table, ei3, zagg, None, None, agg_out, None, scr)
    fn = pl.kernel(entry, out_type=out_type, mesh=mesh,
                   scratch_types=scratch,
                   compiler_params=pltpu.CompilerParams(
                       use_tc_tiling_on_sc=False))

    if with_count:
        def run(table, ei3, zagg, zcnt, ones):
            return fn(table, ei3, zagg, zcnt, ones)
    else:
        def run(table, ei3, zagg, zcnt, ones):
            return fn(table, ei3, zagg)
    return run


_seg_count = _make_seg(True)
_seg_plain = _make_seg(False)


def _act_body(agg_ref, cnt_ref, xr_ref, b1_ref, w_ref, h_ref, hr_ref):
    aggs = agg_ref[0, :P] + agg_ref[1, :P]
    cnts = cnt_ref[0, :P] + cnt_ref[1, :P]
    inv = 1.0 / jnp.maximum(cnts, 1.0)
    h = jnp.maximum(aggs * inv + b1_ref[...] + xr_ref[...], 0.0)
    h_ref[...] = h
    hr_ref[...] = jnp.dot(h, w_ref[...], preferred_element_type=jnp.float32)


def _act(aggp, cntp, xrp, b1t, w2rbig):
    return pl.pallas_call(
        _act_body,
        out_shape=[
            jax.ShapeDtypeStruct((P, PL), jnp.float32),
            jax.ShapeDtypeStruct((P, PC), jnp.float32),
        ],
    )(aggp, cntp, xrp, b1t, w2rbig)


def _out_body(agg_ref, cnt_ref, hr_ref, b2_ref, w_ref, s_ref, o_ref):
    aggs = agg_ref[0, :P] + agg_ref[1, :P]
    cnts = cnt_ref[0, :P] + cnt_ref[1, :P]
    mean2 = aggs * (1.0 / jnp.maximum(cnts, 1.0))
    o = (jnp.dot(mean2, w_ref[...], preferred_element_type=jnp.float32)
         + b2_ref[...] + hr_ref[...])
    m = jnp.max(o, axis=1, keepdims=True)
    e = jnp.exp(o - m)
    s = jnp.dot(e, s_ref[...], preferred_element_type=jnp.float32)
    o_ref[...] = o - m - jnp.log(s)


def _outk(agg2p, cntp, hr2p, b2t, w2lbig, smat):
    return pl.pallas_call(
        _out_body,
        out_shape=jax.ShapeDtypeStruct((P, PC), jnp.float32),
    )(agg2p, cntp, hr2p, b2t, w2lbig, smat)


@jax.jit
def kernel(x, edge_index, W1l, b1, W1r, W2l, b2, W2r):
    ei3 = edge_index.reshape(2, TOTCH, CHUNK)
    zagg = jnp.zeros((NPAD, H), jnp.float32)
    zcnt = jnp.zeros((NPAD, H), jnp.float32)
    ones = jnp.ones((CHUNK, H), jnp.float32)
    eye8 = jnp.eye(8, dtype=jnp.float32)
    x1024 = x.reshape(P, 8 * D)
    w1big = jnp.concatenate(
        [jnp.kron(eye8, W1l.T), jnp.kron(eye8, W1r.T)], axis=1)
    w2rbig = jnp.kron(eye8, W2r.T)
    w2lbig = jnp.kron(eye8, W2l.T)
    smat = jnp.kron(eye8, jnp.ones((C, C), jnp.float32))
    b1t = jnp.tile(b1, 8).reshape(1, PL)
    b2t = jnp.tile(b2, 8).reshape(1, PC)

    y1p, xrp = _mm1(x1024, w1big)
    agg1, cnt = _seg_count(y1p.reshape(N, H), ei3, zagg, zcnt, ones)
    hp, hr2p = _act(agg1.reshape(NC, NPAD // 8, PL),
                    cnt.reshape(NC, NPAD // 8, PL), xrp, b1t, w2rbig)

    (agg2,) = _seg_plain(hp.reshape(N, H), ei3, zagg, zcnt, ones)
    outp = _outk(agg2.reshape(NC, NPAD // 8, PL),
                 cnt.reshape(NC, NPAD // 8, PL), hr2p, b2t, w2lbig, smat)
    return outp.reshape(N, C)

# --- scband reference (transcript-rebuilt; emitter-appended) ---
"""Pipeline reference for scband-simple-gnn-sage-76175539962203 (READ-ONLY COPY).

The authoritative reference and input builder live on the scoring server;
editing this copy changes nothing except your own understanding.
"""

import jax, jax.numpy as jnp
import numpy as np

N = 10000
E = 320000
D = 128
H = 16
C = 40


def setup_inputs(seed: int = 0) -> dict:
    key = jax.random.key(seed)
    ks = jax.random.split(key, 9)
    x = jax.random.normal(ks[0], (N, D), dtype=jnp.float32)
    edge_index = jax.random.randint(ks[1], (2, E), 0, N, dtype=jnp.int32)
    # SAGEConv params: lin_l (aggregated neighbors, with bias), lin_r (root, no bias)
    W1l = jax.random.normal(ks[2], (H, D), dtype=jnp.float32) * (1.0 / np.sqrt(D))
    b1 = jnp.zeros((H,), dtype=jnp.float32)
    W1r = jax.random.normal(ks[3], (H, D), dtype=jnp.float32) * (1.0 / np.sqrt(D))
    W2l = jax.random.normal(ks[4], (C, H), dtype=jnp.float32) * (1.0 / np.sqrt(H))
    b2 = jnp.zeros((C,), dtype=jnp.float32)
    W2r = jax.random.normal(ks[5], (C, H), dtype=jnp.float32) * (1.0 / np.sqrt(H))
    return {"x": x, "edge_index": edge_index, "W1l": W1l, "b1": b1, "W1r": W1r,
            "W2l": W2l, "b2": b2, "W2r": W2r}


def _sage_conv(x, edge_index, Wl, bl, Wr):
    # PyG SAGEConv with mean aggregation:
    # out = lin_l(mean_{j in N(i)} x_j) + lin_r(x_i)
    src = edge_index[0]
    dst = edge_index[1]
    msg = jnp.take(x, src, axis=0)                          # gather
    agg = jax.ops.segment_sum(msg, dst, num_segments=x.shape[0])  # scatter-add
    cnt = jax.ops.segment_sum(jnp.ones((edge_index.shape[1],), dtype=x.dtype),
                              dst, num_segments=x.shape[0])
    mean = agg / jnp.maximum(cnt, 1.0)[:, None]
    return mean @ Wl.T + bl + x @ Wr.T


def reference(x, edge_index, W1l, b1, W1r, W2l, b2, W2r):
    h = _sage_conv(x, edge_index, W1l, b1, W1r)
    h = jax.nn.relu(h)
    out = _sage_conv(h, edge_index, W2l, b2, W2r)
    return jax.nn.log_softmax(out, axis=1)

if __name__ == "__main__":
    import jax
    _d = setup_inputs()
    print(jax.jit(kernel)(*tuple(_d.values())))

</pallas_src>

<mosaic_0001>
#map = affine_map<(d0, d1) -> (0, 0)>
#map1 = affine_map<(d0, d1) -> (0, 0, 0)>
module attributes {stable_mosaic.version = 14 : i64} {
  func.func @entry(%arg0: i32, %arg1: i32, %arg2: memref<10000x16xf32, #tpu.memory_space<hbm>>, %arg3: memref<2x2500x128xi32, #tpu.memory_space<hbm>>, %arg4: memref<10240x16xf32, #tpu.memory_space<hbm>>, %arg5: memref<10240x16xf32, #tpu.memory_space<hbm>>, %arg6: memref<128x16xf32, #tpu.memory_space<hbm>>, %arg7: memref<2x10240x16xf32, #tpu.memory_space<hbm>>, %arg8: memref<2x10240x16xf32, #tpu.memory_space<hbm>>, %arg9: memref<79x128xi32, #tpu.memory_space<vmem>>, %arg10: memref<79x128xi32, #tpu.memory_space<vmem>>, %arg11: memref<128x16xf32, #tpu.memory_space<vmem>>, %arg12: memref<128x16xf32, #tpu.memory_space<vmem>>, %arg13: memref<128x16xf32, #tpu.memory_space<vmem>>, %arg14: memref<128x16xf32, #tpu.memory_space<vmem>>, %arg15: memref<128x16xf32, #tpu.memory_space<vmem>>, %arg16: memref<128x16xf32, #tpu.memory_space<vmem>>, %arg17: memref<10240x16xf32, #tpu.memory_space<vmem_shared>>, %arg18: memref<!tpu.dma_semaphore, #tpu.memory_space<semaphore_mem>>, %arg19: memref<!tpu.dma_semaphore, #tpu.memory_space<semaphore_mem>>, %arg20: memref<!tpu.dma_semaphore, #tpu.memory_space<semaphore_mem>>, %arg21: memref<!tpu.dma_semaphore, #tpu.memory_space<semaphore_mem>>, %arg22: memref<!tpu.dma_semaphore, #tpu.memory_space<semaphore_mem>>, %arg23: memref<!tpu.dma_semaphore, #tpu.memory_space<semaphore_mem>>, %arg24: memref<!tpu.dma_semaphore, #tpu.memory_space<semaphore_mem>>, %arg25: memref<!tpu.dma_semaphore, #tpu.memory_space<semaphore_mem>>, %arg26: memref<!tpu.dma_semaphore, #tpu.memory_space<semaphore_mem>>, %arg27: memref<!tpu.dma_semaphore, #tpu.memory_space<semaphore_mem>>, %arg28: memref<!tpu.dma_semaphore, #tpu.memory_space<semaphore_mem>>, %arg29: memref<!tpu.dma_semaphore, #tpu.memory_space<semaphore_mem>>, %arg30: memref<128x16xf32, #tpu.memory_space<vmem>>, %arg31: memref<10240x16xf32, #tpu.memory_space<vmem_shared>>, %arg32: memref<!tpu.dma_semaphore, #tpu.memory_space<semaphore_mem>>, %arg33: memref<!tpu.dma_semaphore, #tpu.memory_space<semaphore_mem>>, %arg34: memref<!tpu.dma_semaphore, #tpu.memory_space<semaphore_mem>>, %arg35: memref<!tpu.dma_semaphore, #tpu.memory_space<semaphore_mem>>, %arg36: memref<!tpu.dma_semaphore, #tpu.memory_space<semaphore_mem>>, %arg37: memref<!tpu.dma_semaphore, #tpu.memory_space<semaphore_mem>>) attributes {dimension_semantics = [#tpu.dimension_semantics<core_parallel>, #tpu.dimension_semantics<subcore_parallel>], iteration_bounds = array<i64: 2, 16>, scalar_prefetch = 0 : i64, scratch_operands = 29 : i64, tpu.core_type = #tpu.core_type<sc_vector_subcore>, window_params = [{transform_indices = #map}, {transform_indices = #map1}, {transform_indices = #map}, {transform_indices = #map}, {transform_indices = #map}, {transform_indices = #map1}, {transform_indices = #map1}]} {
    %mul3A = arith.constant 2 : i32
    %mul3A_0 = arith.muli %arg1, %mul3A : i32
    %add3A = arith.addi %mul3A_0, %arg0 : i32
    %mul3A_1 = arith.constant 640 : i32
    %mul3A_2 = arith.muli %arg1, %mul3A_1 : i32
    "tpu.region"() ({
      %run_scoped3A_73 = tpu.sem_alloc : memref<!tpu.dma_semaphore, #tpu.memory_space<semaphore_mem>>
      %dma_start3A_74 = arith.constant 0 : i32
      %dma_start3A_75 = tpu.memref_slice %arg17[%mul3A_2, %dma_start3A_74] : memref<10240x16xf32, #tpu.memory_space<vmem_shared>> -> memref<640x16xf32, #tpu.memory_space<vmem_shared>>
      %dma_start3A_76 = arith.constant 0 : i32
      %dma_start3A_77 = tpu.memref_slice %arg4[%mul3A_2, %dma_start3A_76] : memref<10240x16xf32, #tpu.memory_space<hbm>> -> memref<640x16xf32, #tpu.memory_space<hbm>>
      tpu.enqueue_dma source(%dma_start3A_77 : memref<640x16xf32, #tpu.memory_space<hbm>>) target(%dma_start3A_75 : memref<640x16xf32, #tpu.memory_space<vmem_shared>>) target_semaphore(%run_scoped3A_73 : memref<!tpu.dma_semaphore, #tpu.memory_space<semaphore_mem>>)
      %dma_wait3A_78 = arith.constant 0 : i32
      %dma_wait3A_79 = tpu.memref_slice %arg17[%mul3A_2, %dma_wait3A_78] : memref<10240x16xf32, #tpu.memory_space<vmem_shared>> -> memref<640x16xf32, #tpu.memory_space<vmem_shared>>
      %dma_wait3A_80 = arith.constant 0 : i32
      %dma_wait3A_81 = tpu.memref_slice %arg4[%mul3A_2, %dma_wait3A_80] : memref<10240x16xf32, #tpu.memory_space<hbm>> -> memref<640x16xf32, #tpu.memory_space<hbm>>
      tpu.wait_dma2 semaphore(%run_scoped3A_73 : memref<!tpu.dma_semaphore, #tpu.memory_space<semaphore_mem>>) src(%dma_wait3A_81 : memref<640x16xf32, #tpu.memory_space<hbm>>) dst(%dma_wait3A_79 : memref<640x16xf32, #tpu.memory_space<vmem_shared>>)
      tpu.yield
    }) : () -> ()
    %mul3A_3 = arith.constant 78 : i32
    %mul3A_4 = arith.muli %add3A, %mul3A_3 : i32
    %run_scoped3A = arith.constant 0 : i32
    "tpu.region"() ({
      %run_scoped3A_73 = tpu.sem_alloc : memref<!tpu.dma_semaphore, #tpu.memory_space<semaphore_mem>>
      %dma_start3A_74 = arith.constant 0 : i32
      %dma_start3A_75 = arith.constant 0 : i32
      %dma_start3A_76 = tpu.memref_slice %arg9[%dma_start3A_74, %dma_start3A_75] : memref<79x128xi32, #tpu.memory_space<vmem>> -> memref<78x128xi32, #tpu.memory_space<vmem>>
      %dma_start3A_77 = arith.constant 0 : i32
      %dma_start3A_78 = tpu.memref_slice %arg3[%run_scoped3A, %mul3A_4, %dma_start3A_77] : memref<2x2500x128xi32, #tpu.memory_space<hbm>> -> memref<1x78x128xi32, #tpu.memory_space<hbm>>
      %dma_start3A_79 = tpu.memref_squeeze %dma_start3A_78 : memref<1x78x128xi32, #tpu.memory_space<hbm>> -> memref<78x128xi32, #tpu.memory_space<hbm>>
      %dma_start3A_80 = arith.constant 0 : i32
      %dma_start3A_81 = arith.constant 0 : i32
      %dma_start3A_82 = tpu.memref_slice %arg9[%dma_start3A_80, %dma_start3A_81] : memref<79x128xi32, #tpu.memory_space<vmem>> -> memref<78x128xi32, #tpu.memory_space<vmem>>
      %dma_start3A_83 = arith.constant 0 : i32
      %dma_start3A_84 = tpu.memref_slice %arg3[%run_scoped3A, %mul3A_4, %dma_start3A_83] : memref<2x2500x128xi32, #tpu.memory_space<hbm>> -> memref<1x78x128xi32, #tpu.memory_space<hbm>>
      %dma_start3A_85 = tpu.memref_squeeze %dma_start3A_84 : memref<1x78x128xi32, #tpu.memory_space<hbm>> -> memref<78x128xi32, #tpu.memory_space<hbm>>
      tpu.enqueue_dma source(%dma_start3A_85 : memref<78x128xi32, #tpu.memory_space<hbm>>) target(%dma_start3A_82 : memref<78x128xi32, #tpu.memory_space<vmem>>) target_semaphore(%run_scoped3A_73 : memref<!tpu.dma_semaphore, #tpu.memory_space<semaphore_mem>>)
      %dma_wait3A_86 = arith.constant 0 : i32
      %dma_wait3A_87 = arith.constant 0 : i32
      %dma_wait3A_88 = tpu.memref_slice %arg9[%dma_wait3A_86, %dma_wait3A_87] : memref<79x128xi32, #tpu.memory_space<vmem>> -> memref<78x128xi32, #tpu.memory_space<vmem>>
      %dma_wait3A_89 = arith.constant 0 : i32
      %dma_wait3A_90 = tpu.memref_slice %arg3[%run_scoped3A, %mul3A_4, %dma_wait3A_89] : memref<2x2500x128xi32, #tpu.memory_space<hbm>> -> memref<1x78x128xi32, #tpu.memory_space<hbm>>
      %dma_wait3A_91 = tpu.memref_squeeze %dma_wait3A_90 : memref<1x78x128xi32, #tpu.memory_space<hbm>> -> memref<78x128xi32, #tpu.memory_space<hbm>>
      %dma_wait3A_92 = arith.constant 0 : i32
      %dma_wait3A_93 = arith.constant 0 : i32
      %dma_wait3A_94 = tpu.memref_slice %arg9[%dma_wait3A_92, %dma_wait3A_93] : memref<79x128xi32, #tpu.memory_space<vmem>> -> memref<78x128xi32, #tpu.memory_space<vmem>>
      %dma_wait3A_95 = arith.constant 0 : i32
      %dma_wait3A_96 = tpu.memref_slice %arg3[%run_scoped3A, %mul3A_4, %dma_wait3A_95] : memref<2x2500x128xi32, #tpu.memory_space<hbm>> -> memref<1x78x128xi32, #tpu.memory_space<hbm>>
      %dma_wait3A_97 = tpu.memref_squeeze %dma_wait3A_96 : memref<1x78x128xi32, #tpu.memory_space<hbm>> -> memref<78x128xi32, #tpu.memory_space<hbm>>
      tpu.wait_dma2 semaphore(%run_scoped3A_73 : memref<!tpu.dma_semaphore, #tpu.memory_space<semaphore_mem>>) src(%dma_wait3A_97 : memref<78x128xi32, #tpu.memory_space<hbm>>) dst(%dma_wait3A_94 : memref<78x128xi32, #tpu.memory_space<vmem>>)
      tpu.yield
    }) : () -> ()
    %run_scoped3A_5 = arith.constant 1 : i32
    "tpu.region"() ({
      %run_scoped3A_73 = tpu.sem_alloc : memref<!tpu.dma_semaphore, #tpu.memory_space<semaphore_mem>>
      %dma_start3A_74 = arith.constant 0 : i32
      %dma_start3A_75 = arith.constant 0 : i32
      %dma_start3A_76 = tpu.memref_slice %arg10[%dma_start3A_74, %dma_start3A_75] : memref<79x128xi32, #tpu.memory_space<vmem>> -> memref<78x128xi32, #tpu.memory_space<vmem>>
      %dma_start3A_77 = arith.constant 0 : i32
      %dma_start3A_78 = tpu.memref_slice %arg3[%run_scoped3A_5, %mul3A_4, %dma_start3A_77] : memref<2x2500x128xi32, #tpu.memory_space<hbm>> -> memref<1x78x128xi32, #tpu.memory_space<hbm>>
      %dma_start3A_79 = tpu.memref_squeeze %dma_start3A_78 : memref<1x78x128xi32, #tpu.memory_space<hbm>> -> memref<78x128xi32, #tpu.memory_space<hbm>>
      %dma_start3A_80 = arith.constant 0 : i32
      %dma_start3A_81 = arith.constant 0 : i32
      %dma_start3A_82 = tpu.memref_slice %arg10[%dma_start3A_80, %dma_start3A_81] : memref<79x128xi32, #tpu.memory_space<vmem>> -> memref<78x128xi32, #tpu.memory_space<vmem>>
      %dma_start3A_83 = arith.constant 0 : i32
      %dma_start3A_84 = tpu.memref_slice %arg3[%run_scoped3A_5, %mul3A_4, %dma_start3A_83] : memref<2x2500x128xi32, #tpu.memory_space<hbm>> -> memref<1x78x128xi32, #tpu.memory_space<hbm>>
      %dma_start3A_85 = tpu.memref_squeeze %dma_start3A_84 : memref<1x78x128xi32, #tpu.memory_space<hbm>> -> memref<78x128xi32, #tpu.memory_space<hbm>>
      tpu.enqueue_dma source(%dma_start3A_85 : memref<78x128xi32, #tpu.memory_space<hbm>>) target(%dma_start3A_82 : memref<78x128xi32, #tpu.memory_space<vmem>>) target_semaphore(%run_scoped3A_73 : memref<!tpu.dma_semaphore, #tpu.memory_space<semaphore_mem>>)
      %dma_wait3A_86 = arith.constant 0 : i32
      %dma_wait3A_87 = arith.constant 0 : i32
      %dma_wait3A_88 = tpu.memref_slice %arg10[%dma_wait3A_86, %dma_wait3A_87] : memref<79x128xi32, #tpu.memory_space<vmem>> -> memref<78x128xi32, #tpu.memory_space<vmem>>
      %dma_wait3A_89 = arith.constant 0 : i32
      %dma_wait3A_90 = tpu.memref_slice %arg3[%run_scoped3A_5, %mul3A_4, %dma_wait3A_89] : memref<2x2500x128xi32, #tpu.memory_space<hbm>> -> memref<1x78x128xi32, #tpu.memory_space<hbm>>
      %dma_wait3A_91 = tpu.memref_squeeze %dma_wait3A_90 : memref<1x78x128xi32, #tpu.memory_space<hbm>> -> memref<78x128xi32, #tpu.memory_space<hbm>>
      %dma_wait3A_92 = arith.constant 0 : i32
      %dma_wait3A_93 = arith.constant 0 : i32
      %dma_wait3A_94 = tpu.memref_slice %arg10[%dma_wait3A_92, %dma_wait3A_93] : memref<79x128xi32, #tpu.memory_space<vmem>> -> memref<78x128xi32, #tpu.memory_space<vmem>>
      %dma_wait3A_95 = arith.constant 0 : i32
      %dma_wait3A_96 = tpu.memref_slice %arg3[%run_scoped3A_5, %mul3A_4, %dma_wait3A_95] : memref<2x2500x128xi32, #tpu.memory_space<hbm>> -> memref<1x78x128xi32, #tpu.memory_space<hbm>>
      %dma_wait3A_97 = tpu.memref_squeeze %dma_wait3A_96 : memref<1x78x128xi32, #tpu.memory_space<hbm>> -> memref<78x128xi32, #tpu.memory_space<hbm>>
      tpu.wait_dma2 semaphore(%run_scoped3A_73 : memref<!tpu.dma_semaphore, #tpu.memory_space<semaphore_mem>>) src(%dma_wait3A_97 : memref<78x128xi32, #tpu.memory_space<hbm>>) dst(%dma_wait3A_94 : memref<78x128xi32, #tpu.memory_space<vmem>>)
      tpu.yield
    }) : () -> ()
    %lt3A = arith.constant 4 : i32
    %lt3A_6 = arith.cmpi slt, %add3A, %lt3A : i32
    %convert_element_type3A = arith.extui %lt3A_6 : i1 to i32
    %cond3A = arith.constant 0 : i32
    %cond3A_7 = arith.cmpi ne, %convert_element_type3A, %cond3A : i32
    scf.if %cond3A_7 {
      %add3A_73 = arith.constant 2496 : i32
      %add3A_74 = arith.addi %add3A_73, %add3A : i32
      %run_scoped3A_75 = arith.constant 0 : i32
      %run_scoped3A_76 = arith.constant 78 : i32
      "tpu.region"() ({
        %run_scoped3A_81 = tpu.sem_alloc : memref<!tpu.dma_semaphore, #tpu.memory_space<semaphore_mem>>
        %dma_start3A_82 = arith.constant 0 : i32
        %dma_start3A_83 = tpu.memref_slice %arg9[%run_scoped3A_76, %dma_start3A_82] : memref<79x128xi32, #tpu.memory_space<vmem>> -> memref<1x128xi32, #tpu.memory_space<vmem>>
        %dma_start3A_84 = tpu.memref_squeeze %dma_start3A_83 : memref<1x128xi32, #tpu.memory_space<vmem>> -> memref<128xi32, #tpu.memory_space<vmem>>
        %dma_start3A_85 = arith.constant 0 : i32
        %dma_start3A_86 = tpu.memref_slice %arg3[%run_scoped3A_75, %add3A_74, %dma_start3A_85] : memref<2x2500x128xi32, #tpu.memory_space<hbm>> -> memref<1x1x128xi32, #tpu.memory_space<hbm>>
        %dma_start3A_87 = tpu.memref_squeeze %dma_start3A_86 : memref<1x1x128xi32, #tpu.memory_space<hbm>> -> memref<128xi32, #tpu.memory_space<hbm>>
        %dma_start3A_88 = arith.constant 0 : i32
        %dma_start3A_89 = tpu.memref_slice %arg9[%run_scoped3A_76, %dma_start3A_88] : memref<79x128xi32, #tpu.memory_space<vmem>> -> memref<1x128xi32, #tpu.memory_space<vmem>>
        %dma_start3A_90 = tpu.memref_squeeze %dma_start3A_89 : memref<1x128xi32, #tpu.memory_space<vmem>> -> memref<128xi32, #tpu.memory_space<vmem>>
        %dma_start3A_91 = arith.constant 0 : i32
        %dma_start3A_92 = tpu.memref_slice %arg3[%run_scoped3A_75, %add3A_74, %dma_start3A_91] : memref<2x2500x128xi32, #tpu.memory_space<hbm>> -> memref<1x1x128xi32, #tpu.memory_space<hbm>>
        %dma_start3A_93 = tpu.memref_squeeze %dma_start3A_92 : memref<1x1x128xi32, #tpu.memory_space<hbm>> -> memref<128xi32, #tpu.memory_space<hbm>>
        tpu.enqueue_dma source(%dma_start3A_93 : memref<128xi32, #tpu.memory_space<hbm>>) target(%dma_start3A_90 : memref<128xi32, #tpu.memory_space<vmem>>) target_semaphore(%run_scoped3A_81 : memref<!tpu.dma_semaphore, #tpu.memory_space<semaphore_mem>>)
        %dma_wait3A_94 = arith.constant 0 : i32
        %dma_wait3A_95 = tpu.memref_slice %arg9[%run_scoped3A_76, %dma_wait3A_94] : memref<79x128xi32, #tpu.memory_space<vmem>> -> memref<1x128xi32, #tpu.memory_space<vmem>>
        %dma_wait3A_96 = tpu.memref_squeeze %dma_wait3A_95 : memref<1x128xi32, #tpu.memory_space<vmem>> -> memref<128xi32, #tpu.memory_space<vmem>>
        %dma_wait3A_97 = arith.constant 0 : i32
        %dma_wait3A_98 = tpu.memref_slice %arg3[%run_scoped3A_75, %add3A_74, %dma_wait3A_97] : memref<2x2500x128xi32, #tpu.memory_space<hbm>> -> memref<1x1x128xi32, #tpu.memory_space<hbm>>
        %dma_wait3A_99 = tpu.memref_squeeze %dma_wait3A_98 : memref<1x1x128xi32, #tpu.memory_space<hbm>> -> memref<128xi32, #tpu.memory_space<hbm>>
        %dma_wait3A_100 = arith.constant 0 : i32
        %dma_wait3A_101 = tpu.memref_slice %arg9[%run_scoped3A_76, %dma_wait3A_100] : memref<79x128xi32, #tpu.memory_space<vmem>> -> memref<1x128xi32, #tpu.memory_space<vmem>>
        %dma_wait3A_102 = tpu.memref_squeeze %dma_wait3A_101 : memref<1x128xi32, #tpu.memory_space<vmem>> -> memref<128xi32, #tpu.memory_space<vmem>>
        %dma_wait3A_103 = arith.constant 0 : i32
        %dma_wait3A_104 = tpu.memref_slice %arg3[%run_scoped3A_75, %add3A_74, %dma_wait3A_103] : memref<2x2500x128xi32, #tpu.memory_space<hbm>> -> memref<1x1x128xi32, #tpu.memory_space<hbm>>
        %dma_wait3A_105 = tpu.memref_squeeze %dma_wait3A_104 : memref<1x1x128xi32, #tpu.memory_space<hbm>> -> memref<128xi32, #tpu.memory_space<hbm>>
        tpu.wait_dma2 semaphore(%run_scoped3A_81 : memref<!tpu.dma_semaphore, #tpu.memory_space<semaphore_mem>>) src(%dma_wait3A_105 : memref<128xi32, #tpu.memory_space<hbm>>) dst(%dma_wait3A_102 : memref<128xi32, #tpu.memory_space<vmem>>)
        tpu.yield
      }) : () -> ()
      %add3A_77 = arith.constant 2496 : i32
      %add3A_78 = arith.addi %add3A_77, %add3A : i32
      %run_scoped3A_79 = arith.constant 1 : i32
      %run_scoped3A_80 = arith.constant 78 : i32
      "tpu.region"() ({
        %run_scoped3A_81 = tpu.sem_alloc : memref<!tpu.dma_semaphore, #tpu.memory_space<semaphore_mem>>
        %dma_start3A_82 = arith.constant 0 : i32
        %dma_start3A_83 = tpu.memref_slice %arg10[%run_scoped3A_80, %dma_start3A_82] : memref<79x128xi32, #tpu.memory_space<vmem>> -> memref<1x128xi32, #tpu.memory_space<vmem>>
        %dma_start3A_84 = tpu.memref_squeeze %dma_start3A_83 : memref<1x128xi32, #tpu.memory_space<vmem>> -> memref<128xi32, #tpu.memory_space<vmem>>
        %dma_start3A_85 = arith.constant 0 : i32
        %dma_start3A_86 = tpu.memref_slice %arg3[%run_scoped3A_79, %add3A_78, %dma_start3A_85] : memref<2x2500x128xi32, #tpu.memory_space<hbm>> -> memref<1x1x128xi32, #tpu.memory_space<hbm>>
        %dma_start3A_87 = tpu.memref_squeeze %dma_start3A_86 : memref<1x1x128xi32, #tpu.memory_space<hbm>> -> memref<128xi32, #tpu.memory_space<hbm>>
        %dma_start3A_88 = arith.constant 0 : i32
        %dma_start3A_89 = tpu.memref_slice %arg10[%run_scoped3A_80, %dma_start3A_88] : memref<79x128xi32, #tpu.memory_space<vmem>> -> memref<1x128xi32, #tpu.memory_space<vmem>>
        %dma_start3A_90 = tpu.memref_squeeze %dma_start3A_89 : memref<1x128xi32, #tpu.memory_space<vmem>> -> memref<128xi32, #tpu.memory_space<vmem>>
        %dma_start3A_91 = arith.constant 0 : i32
        %dma_start3A_92 = tpu.memref_slice %arg3[%run_scoped3A_79, %add3A_78, %dma_start3A_91] : memref<2x2500x128xi32, #tpu.memory_space<hbm>> -> memref<1x1x128xi32, #tpu.memory_space<hbm>>
        %dma_start3A_93 = tpu.memref_squeeze %dma_start3A_92 : memref<1x1x128xi32, #tpu.memory_space<hbm>> -> memref<128xi32, #tpu.memory_space<hbm>>
        tpu.enqueue_dma source(%dma_start3A_93 : memref<128xi32, #tpu.memory_space<hbm>>) target(%dma_start3A_90 : memref<128xi32, #tpu.memory_space<vmem>>) target_semaphore(%run_scoped3A_81 : memref<!tpu.dma_semaphore, #tpu.memory_space<semaphore_mem>>)
        %dma_wait3A_94 = arith.constant 0 : i32
        %dma_wait3A_95 = tpu.memref_slice %arg10[%run_scoped3A_80, %dma_wait3A_94] : memref<79x128xi32, #tpu.memory_space<vmem>> -> memref<1x128xi32, #tpu.memory_space<vmem>>
        %dma_wait3A_96 = tpu.memref_squeeze %dma_wait3A_95 : memref<1x128xi32, #tpu.memory_space<vmem>> -> memref<128xi32, #tpu.memory_space<vmem>>
        %dma_wait3A_97 = arith.constant 0 : i32
        %dma_wait3A_98 = tpu.memref_slice %arg3[%run_scoped3A_79, %add3A_78, %dma_wait3A_97] : memref<2x2500x128xi32, #tpu.memory_space<hbm>> -> memref<1x1x128xi32, #tpu.memory_space<hbm>>
        %dma_wait3A_99 = tpu.memref_squeeze %dma_wait3A_98 : memref<1x1x128xi32, #tpu.memory_space<hbm>> -> memref<128xi32, #tpu.memory_space<hbm>>
        %dma_wait3A_100 = arith.constant 0 : i32
        %dma_wait3A_101 = tpu.memref_slice %arg10[%run_scoped3A_80, %dma_wait3A_100] : memref<79x128xi32, #tpu.memory_space<vmem>> -> memref<1x128xi32, #tpu.memory_space<vmem>>
        %dma_wait3A_102 = tpu.memref_squeeze %dma_wait3A_101 : memref<1x128xi32, #tpu.memory_space<vmem>> -> memref<128xi32, #tpu.memory_space<vmem>>
        %dma_wait3A_103 = arith.constant 0 : i32
        %dma_wait3A_104 = tpu.memref_slice %arg3[%run_scoped3A_79, %add3A_78, %dma_wait3A_103] : memref<2x2500x128xi32, #tpu.memory_space<hbm>> -> memref<1x1x128xi32, #tpu.memory_space<hbm>>
        %dma_wait3A_105 = tpu.memref_squeeze %dma_wait3A_104 : memref<1x1x128xi32, #tpu.memory_space<hbm>> -> memref<128xi32, #tpu.memory_space<hbm>>
        tpu.wait_dma2 semaphore(%run_scoped3A_81 : memref<!tpu.dma_semaphore, #tpu.memory_space<semaphore_mem>>) src(%dma_wait3A_105 : memref<128xi32, #tpu.memory_space<hbm>>) dst(%dma_wait3A_102 : memref<128xi32, #tpu.memory_space<vmem>>)
        tpu.yield
      }) : () -> ()
    } else {
    }
    "tpu.region"() ({
      %run_scoped3A_73 = tpu.sem_alloc : memref<!tpu.dma_semaphore, #tpu.memory_space<semaphore_mem>>
      %dma_start3A_74 = arith.constant 0 : i32
      %dma_start3A_75 = tpu.memref_slice %arg31[%mul3A_2, %dma_start3A_74] : memref<10240x16xf32, #tpu.memory_space<vmem_shared>> -> memref<640x16xf32, #tpu.memory_space<vmem_shared>>
      %dma_start3A_76 = arith.constant 0 : i32
      %dma_start3A_77 = tpu.memref_slice %arg5[%mul3A_2, %dma_start3A_76] : memref<10240x16xf32, #tpu.memory_space<hbm>> -> memref<640x16xf32, #tpu.memory_space<hbm>>
      tpu.enqueue_dma source(%dma_start3A_77 : memref<640x16xf32, #tpu.memory_space<hbm>>) target(%dma_start3A_75 : memref<640x16xf32, #tpu.memory_space<vmem_shared>>) target_semaphore(%run_scoped3A_73 : memref<!tpu.dma_semaphore, #tpu.memory_space<semaphore_mem>>)
      %dma_wait3A_78 = arith.constant 0 : i32
      %dma_wait3A_79 = tpu.memref_slice %arg31[%mul3A_2, %dma_wait3A_78] : memref<10240x16xf32, #tpu.memory_space<vmem_shared>> -> memref<640x16xf32, #tpu.memory_space<vmem_shared>>
      %dma_wait3A_80 = arith.constant 0 : i32
      %dma_wait3A_81 = tpu.memref_slice %arg5[%mul3A_2, %dma_wait3A_80] : memref<10240x16xf32, #tpu.memory_space<hbm>> -> memref<640x16xf32, #tpu.memory_space<hbm>>
      tpu.wait_dma2 semaphore(%run_scoped3A_73 : memref<!tpu.dma_semaphore, #tpu.memory_space<semaphore_mem>>) src(%dma_wait3A_81 : memref<640x16xf32, #tpu.memory_space<hbm>>) dst(%dma_wait3A_79 : memref<640x16xf32, #tpu.memory_space<vmem_shared>>)
      tpu.yield
    }) : () -> ()
    "tpu.region"() ({
      %run_scoped3A_73 = tpu.sem_alloc : memref<!tpu.dma_semaphore, #tpu.memory_space<semaphore_mem>>
      tpu.enqueue_dma source(%arg6 : memref<128x16xf32, #tpu.memory_space<hbm>>) target(%arg30 : memref<128x16xf32, #tpu.memory_space<vmem>>) target_semaphore(%run_scoped3A_73 : memref<!tpu.dma_semaphore, #tpu.memory_space<semaphore_mem>>)
      tpu.wait_dma2 semaphore(%run_scoped3A_73 : memref<!tpu.dma_semaphore, #tpu.memory_space<semaphore_mem>>) src(%arg6 : memref<128x16xf32, #tpu.memory_space<hbm>>) dst(%arg30 : memref<128x16xf32, #tpu.memory_space<vmem>>)
      tpu.yield
    }) : () -> ()
    %barrier3A = arith.constant 0 : index
    tpu.barrier barrier_id(%barrier3A)
    %dma_start3A = arith.constant 0 : i32
    %dma_start3A_8 = arith.constant 0 : i32
    %dma_start3A_9 = tpu.memref_slice %arg9[%dma_start3A, %dma_start3A_8] : memref<79x128xi32, #tpu.memory_space<vmem>> -> memref<1x128xi32, #tpu.memory_space<vmem>>
    %dma_start3A_10 = tpu.memref_squeeze %dma_start3A_9 : memref<1x128xi32, #tpu.memory_space<vmem>> -> memref<128xi32, #tpu.memory_space<vmem>>
    %dma_start3A_11 = arith.constant 0 : i32
    %dma_start3A_12 = arith.constant 0 : i32
    %dma_start3A_13 = tpu.memref_slice %arg2[%dma_start3A_11, %dma_start3A_12] : memref<10000x16xf32, #tpu.memory_space<hbm>> -> memref<10000x16xf32, #tpu.memory_space<hbm>>
    tpu.enqueue_indirect_dma source(%dma_start3A_13 : memref<10000x16xf32, #tpu.memory_space<hbm>>) target(%arg11 : memref<128x16xf32, #tpu.memory_space<vmem>>) offsets(%dma_start3A_10 : memref<128xi32, #tpu.memory_space<vmem>>) semaphore(%arg18 : memref<!tpu.dma_semaphore, #tpu.memory_space<semaphore_mem>>)
    %dma_start3A_14 = arith.constant 1 : i32
    %dma_start3A_15 = arith.constant 0 : i32
    %dma_start3A_16 = tpu.memref_slice %arg9[%dma_start3A_14, %dma_start3A_15] : memref<79x128xi32, #tpu.memory_space<vmem>> -> memref<1x128xi32, #tpu.memory_space<vmem>>
    %dma_start3A_17 = tpu.memref_squeeze %dma_start3A_16 : memref<1x128xi32, #tpu.memory_space<vmem>> -> memref<128xi32, #tpu.memory_space<vmem>>
    %dma_start3A_18 = arith.constant 0 : i32
    %dma_start3A_19 = arith.constant 0 : i32
    %dma_start3A_20 = tpu.memref_slice %arg2[%dma_start3A_18, %dma_start3A_19] : memref<10000x16xf32, #tpu.memory_space<hbm>> -> memref<10000x16xf32, #tpu.memory_space<hbm>>
    tpu.enqueue_indirect_dma source(%dma_start3A_20 : memref<10000x16xf32, #tpu.memory_space<hbm>>) target(%arg12 : memref<128x16xf32, #tpu.memory_space<vmem>>) offsets(%dma_start3A_17 : memref<128xi32, #tpu.memory_space<vmem>>) semaphore(%arg19 : memref<!tpu.dma_semaphore, #tpu.memory_space<semaphore_mem>>)
    %dma_start3A_21 = arith.constant 2 : i32
    %dma_start3A_22 = arith.constant 0 : i32
    %dma_start3A_23 = tpu.memref_slice %arg9[%dma_start3A_21, %dma_start3A_22] : memref<79x128xi32, #tpu.memory_space<vmem>> -> memref<1x128xi32, #tpu.memory_space<vmem>>
    %dma_start3A_24 = tpu.memref_squeeze %dma_start3A_23 : memref<1x128xi32, #tpu.memory_space<vmem>> -> memref<128xi32, #tpu.memory_space<vmem>>
    %dma_start3A_25 = arith.constant 0 : i32
    %dma_start3A_26 = arith.constant 0 : i32
    %dma_start3A_27 = tpu.memref_slice %arg2[%dma_start3A_25, %dma_start3A_26] : memref<10000x16xf32, #tpu.memory_space<hbm>> -> memref<10000x16xf32, #tpu.memory_space<hbm>>
    tpu.enqueue_indirect_dma source(%dma_start3A_27 : memref<10000x16xf32, #tpu.memory_space<hbm>>) target(%arg13 : memref<128x16xf32, #tpu.memory_space<vmem>>) offsets(%dma_start3A_24 : memref<128xi32, #tpu.memory_space<vmem>>) semaphore(%arg20 : memref<!tpu.dma_semaphore, #tpu.memory_space<semaphore_mem>>)
    %dma_start3A_28 = arith.constant 3 : i32
    %dma_start3A_29 = arith.constant 0 : i32
    %dma_start3A_30 = tpu.memref_slice %arg9[%dma_start3A_28, %dma_start3A_29] : memref<79x128xi32, #tpu.memory_space<vmem>> -> memref<1x128xi32, #tpu.memory_space<vmem>>
    %dma_start3A_31 = tpu.memref_squeeze %dma_start3A_30 : memref<1x128xi32, #tpu.memory_space<vmem>> -> memref<128xi32, #tpu.memory_space<vmem>>
    %dma_start3A_32 = arith.constant 0 : i32
    %dma_start3A_33 = arith.constant 0 : i32
    %dma_start3A_34 = tpu.memref_slice %arg2[%dma_start3A_32, %dma_start3A_33] : memref<10000x16xf32, #tpu.memory_space<hbm>> -> memref<10000x16xf32, #tpu.memory_space<hbm>>
    tpu.enqueue_indirect_dma source(%dma_start3A_34 : memref<10000x16xf32, #tpu.memory_space<hbm>>) target(%arg14 : memref<128x16xf32, #tpu.memory_space<vmem>>) offsets(%dma_start3A_31 : memref<128xi32, #tpu.memory_space<vmem>>) semaphore(%arg21 : memref<!tpu.dma_semaphore, #tpu.memory_space<semaphore_mem>>)
    %dma_start3A_35 = arith.constant 4 : i32
    %dma_start3A_36 = arith.constant 0 : i32
    %dma_start3A_37 = tpu.memref_slice %arg9[%dma_start3A_35, %dma_start3A_36] : memref<79x128xi32, #tpu.memory_space<vmem>> -> memref<1x128xi32, #tpu.memory_space<vmem>>
    %dma_start3A_38 = tpu.memref_squeeze %dma_start3A_37 : memref<1x128xi32, #tpu.memory_space<vmem>> -> memref<128xi32, #tpu.memory_space<vmem>>
    %dma_start3A_39 = arith.constant 0 : i32
    %dma_start3A_40 = arith.constant 0 : i32
    %dma_start3A_41 = tpu.memref_slice %arg2[%dma_start3A_39, %dma_start3A_40] : memref<10000x16xf32, #tpu.memory_space<hbm>> -> memref<10000x16xf32, #tpu.memory_space<hbm>>
    tpu.enqueue_indirect_dma source(%dma_start3A_41 : memref<10000x16xf32, #tpu.memory_space<hbm>>) target(%arg15 : memref<128x16xf32, #tpu.memory_space<vmem>>) offsets(%dma_start3A_38 : memref<128xi32, #tpu.memory_space<vmem>>) semaphore(%arg22 : memref<!tpu.dma_semaphore, #tpu.memory_space<semaphore_mem>>)
    %dma_start3A_42 = arith.constant 5 : i32
    %dma_start3A_43 = arith.constant 0 : i32
    %dma_start3A_44 = tpu.memref_slice %arg9[%dma_start3A_42, %dma_start3A_43] : memref<79x128xi32, #tpu.memory_space<vmem>> -> memref<1x128xi32, #tpu.memory_space<vmem>>
    %dma_start3A_45 = tpu.memref_squeeze %dma_start3A_44 : memref<1x128xi32, #tpu.memory_space<vmem>> -> memref<128xi32, #tpu.memory_space<vmem>>
    %dma_start3A_46 = arith.constant 0 : i32
    %dma_start3A_47 = arith.constant 0 : i32
    %dma_start3A_48 = tpu.memref_slice %arg2[%dma_start3A_46, %dma_start3A_47] : memref<10000x16xf32, #tpu.memory_space<hbm>> -> memref<10000x16xf32, #tpu.memory_space<hbm>>
    tpu.enqueue_indirect_dma source(%dma_start3A_48 : memref<10000x16xf32, #tpu.memory_space<hbm>>) target(%arg16 : memref<128x16xf32, #tpu.memory_space<vmem>>) offsets(%dma_start3A_45 : memref<128xi32, #tpu.memory_space<vmem>>) semaphore(%arg23 : memref<!tpu.dma_semaphore, #tpu.memory_space<semaphore_mem>>)
    %scan3A = arith.constant 0 : i32
    %scan3A_49 = arith.constant 0 : i32
    %scan3A_50 = arith.constant 13 : i32
    %scan3A_51 = arith.addi %scan3A_49, %scan3A_50 : i32
    %scan3A_52 = arith.constant 1 : i32
    scf.for %scan3A_73 = %scan3A_49 to %scan3A_51 step %scan3A_52  : i32 {
      %mul3A_74 = arith.constant 6 : i32
      %mul3A_75 = arith.muli %mul3A_74, %scan3A_73 : i32
      %add3A_76 = arith.constant 0 : i32
      %add3A_77 = arith.addi %mul3A_75, %add3A_76 : i32
      %sub3A = arith.constant 1 : i32
      %sub3A_78 = arith.subi %add3A_77, %sub3A : i32
      %dma_wait3A_79 = arith.constant 0 : i32
      %dma_wait3A_80 = tpu.memref_slice %arg9[%add3A_77, %dma_wait3A_79] : memref<79x128xi32, #tpu.memory_space<vmem>> -> memref<1x128xi32, #tpu.memory_space<vmem>>
      %dma_wait3A_81 = tpu.memref_squeeze %dma_wait3A_80 : memref<1x128xi32, #tpu.memory_space<vmem>> -> memref<128xi32, #tpu.memory_space<vmem>>
      %dma_wait3A_82 = arith.constant 0 : i32
      %dma_wait3A_83 = arith.constant 0 : i32
      %dma_wait3A_84 = tpu.memref_slice %arg2[%dma_wait3A_82, %dma_wait3A_83] : memref<10000x16xf32, #tpu.memory_space<hbm>> -> memref<10000x16xf32, #tpu.memory_space<hbm>>
      tpu.wait_indirect_dma semaphore(%arg18 : memref<!tpu.dma_semaphore, #tpu.memory_space<semaphore_mem>>) src(%dma_wait3A_84 : memref<10000x16xf32, #tpu.memory_space<hbm>>) dst(%arg11 : memref<128x16xf32, #tpu.memory_space<vmem>>)
      %dma_start3A_85 = arith.constant 0 : i32
      %dma_start3A_86 = tpu.memref_slice %arg10[%add3A_77, %dma_start3A_85] : memref<79x128xi32, #tpu.memory_space<vmem>> -> memref<1x128xi32, #tpu.memory_space<vmem>>
      %dma_start3A_87 = tpu.memref_squeeze %dma_start3A_86 : memref<1x128xi32, #tpu.memory_space<vmem>> -> memref<128xi32, #tpu.memory_space<vmem>>
      %dma_start3A_88 = arith.constant 0 : i32
      %dma_start3A_89 = arith.constant 0 : i32
      %dma_start3A_90 = tpu.memref_slice %arg17[%dma_start3A_88, %dma_start3A_89] : memref<10240x16xf32, #tpu.memory_space<vmem_shared>> -> memref<10240x16xf32, #tpu.memory_space<vmem_shared>>
      tpu.enqueue_indirect_dma source(%arg11 : memref<128x16xf32, #tpu.memory_space<vmem>>) target(%dma_start3A_90 : memref<10240x16xf32, #tpu.memory_space<vmem_shared>>) offsets(%dma_start3A_87 : memref<128xi32, #tpu.memory_space<vmem>>) semaphore(%arg24 : memref<!tpu.dma_semaphore, #tpu.memory_space<semaphore_mem>>) {add = true}
      %dma_start3A_91 = arith.constant 0 : i32
      %dma_start3A_92 = tpu.memref_slice %arg10[%add3A_77, %dma_start3A_91] : memref<79x128xi32, #tpu.memory_space<vmem>> -> memref<1x128xi32, #tpu.memory_space<vmem>>
      %dma_start3A_93 = tpu.memref_squeeze %dma_start3A_92 : memref<1x128xi32, #tpu.memory_space<vmem>> -> memref<128xi32, #tpu.memory_space<vmem>>
      %dma_start3A_94 = arith.constant 0 : i32
      %dma_start3A_95 = arith.constant 0 : i32
      %dma_start3A_96 = tpu.memref_slice %arg31[%dma_start3A_94, %dma_start3A_95] : memref<10240x16xf32, #tpu.memory_space<vmem_shared>> -> memref<10240x16xf32, #tpu.memory_space<vmem_shared>>
      tpu.enqueue_indirect_dma source(%arg30 : memref<128x16xf32, #tpu.memory_space<vmem>>) target(%dma_start3A_96 : memref<10240x16xf32, #tpu.memory_space<vmem_shared>>) offsets(%dma_start3A_93 : memref<128xi32, #tpu.memory_space<vmem>>) semaphore(%arg32 : memref<!tpu.dma_semaphore, #tpu.memory_space<semaphore_mem>>) {add = true}
      %ge3A = arith.constant 0 : i32
      %ge3A_97 = arith.cmpi sge, %sub3A_78, %ge3A : i32
      %convert_element_type3A_98 = arith.extui %ge3A_97 : i1 to i32
      %cond3A_99 = arith.constant 0 : i32
      %cond3A_100 = arith.cmpi ne, %convert_element_type3A_98, %cond3A_99 : i32
      scf.if %cond3A_100 {
        %dma_wait3A_246 = arith.constant 0 : i32
        %dma_wait3A_247 = tpu.memref_slice %arg10[%sub3A_78, %dma_wait3A_246] : memref<79x128xi32, #tpu.memory_space<vmem>> -> memref<1x128xi32, #tpu.memory_space<vmem>>
        %dma_wait3A_248 = tpu.memref_squeeze %dma_wait3A_247 : memref<1x128xi32, #tpu.memory_space<vmem>> -> memref<128xi32, #tpu.memory_space<vmem>>
        %dma_wait3A_249 = arith.constant 0 : i32
        %dma_wait3A_250 = arith.constant 0 : i32
        %dma_wait3A_251 = tpu.memref_slice %arg17[%dma_wait3A_249, %dma_wait3A_250] : memref<10240x16xf32, #tpu.memory_space<vmem_shared>> -> memref<10240x16xf32, #tpu.memory_space<vmem_shared>>
        tpu.wait_indirect_dma semaphore(%arg29 : memref<!tpu.dma_semaphore, #tpu.memory_space<semaphore_mem>>) src(%arg16 : memref<128x16xf32, #tpu.memory_space<vmem>>) dst(%dma_wait3A_251 : memref<10240x16xf32, #tpu.memory_space<vmem_shared>>)
        %add3A_252 = arith.constant 6 : i32
        %add3A_253 = arith.addi %sub3A_78, %add3A_252 : i32
        %lt3A_254 = arith.constant 78 : i32
        %lt3A_255 = arith.cmpi slt, %add3A_253, %lt3A_254 : i32
        %convert_element_type3A_256 = arith.extui %lt3A_255 : i1 to i32
        %cond3A_257 = arith.constant 0 : i32
        %cond3A_258 = arith.cmpi ne, %convert_element_type3A_256, %cond3A_257 : i32
        scf.if %cond3A_258 {
          %add3A_265 = arith.constant 6 : i32
          %add3A_266 = arith.addi %sub3A_78, %add3A_265 : i32
          %dma_start3A_267 = arith.constant 0 : i32
          %dma_start3A_268 = tpu.memref_slice %arg9[%add3A_266, %dma_start3A_267] : memref<79x128xi32, #tpu.memory_space<vmem>> -> memref<1x128xi32, #tpu.memory_space<vmem>>
          %dma_start3A_269 = tpu.memref_squeeze %dma_start3A_268 : memref<1x128xi32, #tpu.memory_space<vmem>> -> memref<128xi32, #tpu.memory_space<vmem>>
          %dma_start3A_270 = arith.constant 0 : i32
          %dma_start3A_271 = arith.constant 0 : i32
          %dma_start3A_272 = tpu.memref_slice %arg2[%dma_start3A_270, %dma_start3A_271] : memref<10000x16xf32, #tpu.memory_space<hbm>> -> memref<10000x16xf32, #tpu.memory_space<hbm>>
          tpu.enqueue_indirect_dma source(%dma_start3A_272 : memref<10000x16xf32, #tpu.memory_space<hbm>>) target(%arg16 : memref<128x16xf32, #tpu.memory_space<vmem>>) offsets(%dma_start3A_269 : memref<128xi32, #tpu.memory_space<vmem>>) semaphore(%arg23 : memref<!tpu.dma_semaphore, #tpu.memory_space<semaphore_mem>>)
        } else {
        }
        %dma_wait3A_259 = arith.constant 0 : i32
        %dma_wait3A_260 = tpu.memref_slice %arg10[%sub3A_78, %dma_wait3A_259] : memref<79x128xi32, #tpu.memory_space<vmem>> -> memref<1x128xi32, #tpu.memory_space<vmem>>
        %dma_wait3A_261 = tpu.memref_squeeze %dma_wait3A_260 : memref<1x128xi32, #tpu.memory_space<vmem>> -> memref<128xi32, #tpu.memory_space<vmem>>
        %dma_wait3A_262 = arith.constant 0 : i32
        %dma_wait3A_263 = arith.constant 0 : i32
        %dma_wait3A_264 = tpu.memref_slice %arg31[%dma_wait3A_262, %dma_wait3A_263] : memref<10240x16xf32, #tpu.memory_space<vmem_shared>> -> memref<10240x16xf32, #tpu.memory_space<vmem_shared>>
        tpu.wait_indirect_dma semaphore(%arg37 : memref<!tpu.dma_semaphore, #tpu.memory_space<semaphore_mem>>) src(%arg30 : memref<128x16xf32, #tpu.memory_space<vmem>>) dst(%dma_wait3A_264 : memref<10240x16xf32, #tpu.memory_space<vmem_shared>>)
      } else {
      }
      %mul3A_101 = arith.constant 6 : i32
      %mul3A_102 = arith.muli %mul3A_101, %scan3A_73 : i32
      %add3A_103 = arith.constant 1 : i32
      %add3A_104 = arith.addi %mul3A_102, %add3A_103 : i32
      %sub3A_105 = arith.constant 1 : i32
      %sub3A_106 = arith.subi %add3A_104, %sub3A_105 : i32
      %dma_wait3A_107 = arith.constant 0 : i32
      %dma_wait3A_108 = tpu.memref_slice %arg9[%add3A_104, %dma_wait3A_107] : memref<79x128xi32, #tpu.memory_space<vmem>> -> memref<1x128xi32, #tpu.memory_space<vmem>>
      %dma_wait3A_109 = tpu.memref_squeeze %dma_wait3A_108 : memref<1x128xi32, #tpu.memory_space<vmem>> -> memref<128xi32, #tpu.memory_space<vmem>>
      %dma_wait3A_110 = arith.constant 0 : i32
      %dma_wait3A_111 = arith.constant 0 : i32
      %dma_wait3A_112 = tpu.memref_slice %arg2[%dma_wait3A_110, %dma_wait3A_111] : memref<10000x16xf32, #tpu.memory_space<hbm>> -> memref<10000x16xf32, #tpu.memory_space<hbm>>
      tpu.wait_indirect_dma semaphore(%arg19 : memref<!tpu.dma_semaphore, #tpu.memory_space<semaphore_mem>>) src(%dma_wait3A_112 : memref<10000x16xf32, #tpu.memory_space<hbm>>) dst(%arg12 : memref<128x16xf32, #tpu.memory_space<vmem>>)
      %dma_start3A_113 = arith.constant 0 : i32
      %dma_start3A_114 = tpu.memref_slice %arg10[%add3A_104, %dma_start3A_113] : memref<79x128xi32, #tpu.memory_space<vmem>> -> memref<1x128xi32, #tpu.memory_space<vmem>>
      %dma_start3A_115 = tpu.memref_squeeze %dma_start3A_114 : memref<1x128xi32, #tpu.memory_space<vmem>> -> memref<128xi32, #tpu.memory_space<vmem>>
      %dma_start3A_116 = arith.constant 0 : i32
      %dma_start3A_117 = arith.constant 0 : i32
      %dma_start3A_118 = tpu.memref_slice %arg17[%dma_start3A_116, %dma_start3A_117] : memref<10240x16xf32, #tpu.memory_space<vmem_shared>> -> memref<10240x16xf32, #tpu.memory_space<vmem_shared>>
      tpu.enqueue_indirect_dma source(%arg12 : memref<128x16xf32, #tpu.memory_space<vmem>>) target(%dma_start3A_118 : memref<10240x16xf32, #tpu.memory_space<vmem_shared>>) offsets(%dma_start3A_115 : memref<128xi32, #tpu.memory_space<vmem>>) semaphore(%arg25 : memref<!tpu.dma_semaphore, #tpu.memory_space<semaphore_mem>>) {add = true}
      %dma_start3A_119 = arith.constant 0 : i32
      %dma_start3A_120 = tpu.memref_slice %arg10[%add3A_104, %dma_start3A_119] : memref<79x128xi32, #tpu.memory_space<vmem>> -> memref<1x128xi32, #tpu.memory_space<vmem>>
      %dma_start3A_121 = tpu.memref_squeeze %dma_start3A_120 : memref<1x128xi32, #tpu.memory_space<vmem>> -> memref<128xi32, #tpu.memory_space<vmem>>
      %dma_start3A_122 = arith.constant 0 : i32
      %dma_start3A_123 = arith.constant 0 : i32
      %dma_start3A_124 = tpu.memref_slice %arg31[%dma_start3A_122, %dma_start3A_123] : memref<10240x16xf32, #tpu.memory_space<vmem_shared>> -> memref<10240x16xf32, #tpu.memory_space<vmem_shared>>
      tpu.enqueue_indirect_dma source(%arg30 : memref<128x16xf32, #tpu.memory_space<vmem>>) target(%dma_start3A_124 : memref<10240x16xf32, #tpu.memory_space<vmem_shared>>) offsets(%dma_start3A_121 : memref<128xi32, #tpu.memory_space<vmem>>) semaphore(%arg33 : memref<!tpu.dma_semaphore, #tpu.memory_space<semaphore_mem>>) {add = true}
      %ge3A_125 = arith.constant 0 : i32
      %ge3A_126 = arith.cmpi sge, %sub3A_106, %ge3A_125 : i32
      %convert_element_type3A_127 = arith.extui %ge3A_126 : i1 to i32
      %cond3A_128 = arith.constant 0 : i32
      %cond3A_129 = arith.cmpi ne, %convert_element_type3A_127, %cond3A_128 : i32
      scf.if %cond3A_129 {
        %dma_wait3A_246 = arith.constant 0 : i32
        %dma_wait3A_247 = tpu.memref_slice %arg10[%sub3A_106, %dma_wait3A_246] : memref<79x128xi32, #tpu.memory_space<vmem>> -> memref<1x128xi32, #tpu.memory_space<vmem>>
        %dma_wait3A_248 = tpu.memref_squeeze %dma_wait3A_247 : memref<1x128xi32, #tpu.memory_space<vmem>> -> memref<128xi32, #tpu.memory_space<vmem>>
        %dma_wait3A_249 = arith.constant 0 : i32
        %dma_wait3A_250 = arith.constant 0 : i32
        %dma_wait3A_251 = tpu.memref_slice %arg17[%dma_wait3A_249, %dma_wait3A_250] : memref<10240x16xf32, #tpu.memory_space<vmem_shared>> -> memref<10240x16xf32, #tpu.memory_space<vmem_shared>>
        tpu.wait_indirect_dma semaphore(%arg24 : memref<!tpu.dma_semaphore, #tpu.memory_space<semaphore_mem>>) src(%arg11 : memref<128x16xf32, #tpu.memory_space<vmem>>) dst(%dma_wait3A_251 : memref<10240x16xf32, #tpu.memory_space<vmem_shared>>)
        %add3A_252 = arith.constant 6 : i32
        %add3A_253 = arith.addi %sub3A_106, %add3A_252 : i32
        %lt3A_254 = arith.constant 78 : i32
        %lt3A_255 = arith.cmpi slt, %add3A_253, %lt3A_254 : i32
        %convert_element_type3A_256 = arith.extui %lt3A_255 : i1 to i32
        %cond3A_257 = arith.constant 0 : i32
        %cond3A_258 = arith.cmpi ne, %convert_element_type3A_256, %cond3A_257 : i32
        scf.if %cond3A_258 {
          %add3A_265 = arith.constant 6 : i32
          %add3A_266 = arith.addi %sub3A_106, %add3A_265 : i32
          %dma_start3A_267 = arith.constant 0 : i32
          %dma_start3A_268 = tpu.memref_slice %arg9[%add3A_266, %dma_start3A_267] : memref<79x128xi32, #tpu.memory_space<vmem>> -> memref<1x128xi32, #tpu.memory_space<vmem>>
          %dma_start3A_269 = tpu.memref_squeeze %dma_start3A_268 : memref<1x128xi32, #tpu.memory_space<vmem>> -> memref<128xi32, #tpu.memory_space<vmem>>
          %dma_start3A_270 = arith.constant 0 : i32
          %dma_start3A_271 = arith.constant 0 : i32
          %dma_start3A_272 = tpu.memref_slice %arg2[%dma_start3A_270, %dma_start3A_271] : memref<10000x16xf32, #tpu.memory_space<hbm>> -> memref<10000x16xf32, #tpu.memory_space<hbm>>
          tpu.enqueue_indirect_dma source(%dma_start3A_272 : memref<10000x16xf32, #tpu.memory_space<hbm>>) target(%arg11 : memref<128x16xf32, #tpu.memory_space<vmem>>) offsets(%dma_start3A_269 : memref<128xi32, #tpu.memory_space<vmem>>) semaphore(%arg18 : memref<!tpu.dma_semaphore, #tpu.memory_space<semaphore_mem>>)
        } else {
        }
        %dma_wait3A_259 = arith.constant 0 : i32
        %dma_wait3A_260 = tpu.memref_slice %arg10[%sub3A_106, %dma_wait3A_259] : memref<79x128xi32, #tpu.memory_space<vmem>> -> memref<1x128xi32, #tpu.memory_space<vmem>>
        %dma_wait3A_261 = tpu.memref_squeeze %dma_wait3A_260 : memref<1x128xi32, #tpu.memory_space<vmem>> -> memref<128xi32, #tpu.memory_space<vmem>>
        %dma_wait3A_262 = arith.constant 0 : i32
        %dma_wait3A_263 = arith.constant 0 : i32
        %dma_wait3A_264 = tpu.memref_slice %arg31[%dma_wait3A_262, %dma_wait3A_263] : memref<10240x16xf32, #tpu.memory_space<vmem_shared>> -> memref<10240x16xf32, #tpu.memory_space<vmem_shared>>
        tpu.wait_indirect_dma semaphore(%arg32 : memref<!tpu.dma_semaphore, #tpu.memory_space<semaphore_mem>>) src(%arg30 : memref<128x16xf32, #tpu.memory_space<vmem>>) dst(%dma_wait3A_264 : memref<10240x16xf32, #tpu.memory_space<vmem_shared>>)
      } else {
      }
      %mul3A_130 = arith.constant 6 : i32
      %mul3A_131 = arith.muli %mul3A_130, %scan3A_73 : i32
      %add3A_132 = arith.constant 2 : i32
      %add3A_133 = arith.addi %mul3A_131, %add3A_132 : i32
      %sub3A_134 = arith.constant 1 : i32
      %sub3A_135 = arith.subi %add3A_133, %sub3A_134 : i32
      %dma_wait3A_136 = arith.constant 0 : i32
      %dma_wait3A_137 = tpu.memref_slice %arg9[%add3A_133, %dma_wait3A_136] : memref<79x128xi32, #tpu.memory_space<vmem>> -> memref<1x128xi32, #tpu.memory_space<vmem>>
      %dma_wait3A_138 = tpu.memref_squeeze %dma_wait3A_137 : memref<1x128xi32, #tpu.memory_space<vmem>> -> memref<128xi32, #tpu.memory_space<vmem>>
      %dma_wait3A_139 = arith.constant 0 : i32
      %dma_wait3A_140 = arith.constant 0 : i32
      %dma_wait3A_141 = tpu.memref_slice %arg2[%dma_wait3A_139, %dma_wait3A_140] : memref<10000x16xf32, #tpu.memory_space<hbm>> -> memref<10000x16xf32, #tpu.memory_space<hbm>>
      tpu.wait_indirect_dma semaphore(%arg20 : memref<!tpu.dma_semaphore, #tpu.memory_space<semaphore_mem>>) src(%dma_wait3A_141 : memref<10000x16xf32, #tpu.memory_space<hbm>>) dst(%arg13 : memref<128x16xf32, #tpu.memory_space<vmem>>)
      %dma_start3A_142 = arith.constant 0 : i32
      %dma_start3A_143 = tpu.memref_slice %arg10[%add3A_133, %dma_start3A_142] : memref<79x128xi32, #tpu.memory_space<vmem>> -> memref<1x128xi32, #tpu.memory_space<vmem>>
      %dma_start3A_144 = tpu.memref_squeeze %dma_start3A_143 : memref<1x128xi32, #tpu.memory_space<vmem>> -> memref<128xi32, #tpu.memory_space<vmem>>
      %dma_start3A_145 = arith.constant 0 : i32
      %dma_start3A_146 = arith.constant 0 : i32
      %dma_start3A_147 = tpu.memref_slice %arg17[%dma_start3A_145, %dma_start3A_146] : memref<10240x16xf32, #tpu.memory_space<vmem_shared>> -> memref<10240x16xf32, #tpu.memory_space<vmem_shared>>
      tpu.enqueue_indirect_dma source(%arg13 : memref<128x16xf32, #tpu.memory_space<vmem>>) target(%dma_start3A_147 : memref<10240x16xf32, #tpu.memory_space<vmem_shared>>) offsets(%dma_start3A_144 : memref<128xi32, #tpu.memory_space<vmem>>) semaphore(%arg26 : memref<!tpu.dma_semaphore, #tpu.memory_space<semaphore_mem>>) {add = true}
      %dma_start3A_148 = arith.constant 0 : i32
      %dma_start3A_149 = tpu.memref_slice %arg10[%add3A_133, %dma_start3A_148] : memref<79x128xi32, #tpu.memory_space<vmem>> -> memref<1x128xi32, #tpu.memory_space<vmem>>
      %dma_start3A_150 = tpu.memref_squeeze %dma_start3A_149 : memref<1x128xi32, #tpu.memory_space<vmem>> -> memref<128xi32, #tpu.memory_space<vmem>>
      %dma_start3A_151 = arith.constant 0 : i32
      %dma_start3A_152 = arith.constant 0 : i32
      %dma_start3A_153 = tpu.memref_slice %arg31[%dma_start3A_151, %dma_start3A_152] : memref<10240x16xf32, #tpu.memory_space<vmem_shared>> -> memref<10240x16xf32, #tpu.memory_space<vmem_shared>>
      tpu.enqueue_indirect_dma source(%arg30 : memref<128x16xf32, #tpu.memory_space<vmem>>) target(%dma_start3A_153 : memref<10240x16xf32, #tpu.memory_space<vmem_shared>>) offsets(%dma_start3A_150 : memref<128xi32, #tpu.memory_space<vmem>>) semaphore(%arg34 : memref<!tpu.dma_semaphore, #tpu.memory_space<semaphore_mem>>) {add = true}
      %ge3A_154 = arith.constant 0 : i32
      %ge3A_155 = arith.cmpi sge, %sub3A_135, %ge3A_154 : i32
      %convert_element_type3A_156 = arith.extui %ge3A_155 : i1 to i32
      %cond3A_157 = arith.constant 0 : i32
      %cond3A_158 = arith.cmpi ne, %convert_element_type3A_156, %cond3A_157 : i32
      scf.if %cond3A_158 {
        %dma_wait3A_246 = arith.constant 0 : i32
        %dma_wait3A_247 = tpu.memref_slice %arg10[%sub3A_135, %dma_wait3A_246] : memref<79x128xi32, #tpu.memory_space<vmem>> -> memref<1x128xi32, #tpu.memory_space<vmem>>
        %dma_wait3A_248 = tpu.memref_squeeze %dma_wait3A_247 : memref<1x128xi32, #tpu.memory_space<vmem>> -> memref<128xi32, #tpu.memory_space<vmem>>
        %dma_wait3A_249 = arith.constant 0 : i32
        %dma_wait3A_250 = arith.constant 0 : i32
        %dma_wait3A_251 = tpu.memref_slice %arg17[%dma_wait3A_249, %dma_wait3A_250] : memref<10240x16xf32, #tpu.memory_space<vmem_shared>> -> memref<10240x16xf32, #tpu.memory_space<vmem_shared>>
        tpu.wait_indirect_dma semaphore(%arg25 : memref<!tpu.dma_semaphore, #tpu.memory_space<semaphore_mem>>) src(%arg12 : memref<128x16xf32, #tpu.memory_space<vmem>>) dst(%dma_wait3A_251 : memref<10240x16xf32, #tpu.memory_space<vmem_shared>>)
        %add3A_252 = arith.constant 6 : i32
        %add3A_253 = arith.addi %sub3A_135, %add3A_252 : i32
        %lt3A_254 = arith.constant 78 : i32
        %lt3A_255 = arith.cmpi slt, %add3A_253, %lt3A_254 : i32
        %convert_element_type3A_256 = arith.extui %lt3A_255 : i1 to i32
        %cond3A_257 = arith.constant 0 : i32
        %cond3A_258 = arith.cmpi ne, %convert_element_type3A_256, %cond3A_257 : i32
        scf.if %cond3A_258 {
          %add3A_265 = arith.constant 6 : i32
          %add3A_266 = arith.addi %sub3A_135, %add3A_265 : i32
          %dma_start3A_267 = arith.constant 0 : i32
          %dma_start3A_268 = tpu.memref_slice %arg9[%add3A_266, %dma_start3A_267] : memref<79x128xi32, #tpu.memory_space<vmem>> -> memref<1x128xi32, #tpu.memory_space<vmem>>
          %dma_start3A_269 = tpu.memref_squeeze %dma_start3A_268 : memref<1x128xi32, #tpu.memory_space<vmem>> -> memref<128xi32, #tpu.memory_space<vmem>>
          %dma_start3A_270 = arith.constant 0 : i32
          %dma_start3A_271 = arith.constant 0 : i32
          %dma_start3A_272 = tpu.memref_slice %arg2[%dma_start3A_270, %dma_start3A_271] : memref<10000x16xf32, #tpu.memory_space<hbm>> -> memref<10000x16xf32, #tpu.memory_space<hbm>>
          tpu.enqueue_indirect_dma source(%dma_start3A_272 : memref<10000x16xf32, #tpu.memory_space<hbm>>) target(%arg12 : memref<128x16xf32, #tpu.memory_space<vmem>>) offsets(%dma_start3A_269 : memref<128xi32, #tpu.memory_space<vmem>>) semaphore(%arg19 : memref<!tpu.dma_semaphore, #tpu.memory_space<semaphore_mem>>)
        } else {
        }
        %dma_wait3A_259 = arith.constant 0 : i32
        %dma_wait3A_260 = tpu.memref_slice %arg10[%sub3A_135, %dma_wait3A_259] : memref<79x128xi32, #tpu.memory_space<vmem>> -> memref<1x128xi32, #tpu.memory_space<vmem>>
        %dma_wait3A_261 = tpu.memref_squeeze %dma_wait3A_260 : memref<1x128xi32, #tpu.memory_space<vmem>> -> memref<128xi32, #tpu.memory_space<vmem>>
        %dma_wait3A_262 = arith.constant 0 : i32
        %dma_wait3A_263 = arith.constant 0 : i32
        %dma_wait3A_264 = tpu.memref_slice %arg31[%dma_wait3A_262, %dma_wait3A_263] : memref<10240x16xf32, #tpu.memory_space<vmem_shared>> -> memref<10240x16xf32, #tpu.memory_space<vmem_shared>>
        tpu.wait_indirect_dma semaphore(%arg33 : memref<!tpu.dma_semaphore, #tpu.memory_space<semaphore_mem>>) src(%arg30 : memref<128x16xf32, #tpu.memory_space<vmem>>) dst(%dma_wait3A_264 : memref<10240x16xf32, #tpu.memory_space<vmem_shared>>)
      } else {
      }
      %mul3A_159 = arith.constant 6 : i32
      %mul3A_160 = arith.muli %mul3A_159, %scan3A_73 : i32
      %add3A_161 = arith.constant 3 : i32
      %add3A_162 = arith.addi %mul3A_160, %add3A_161 : i32
      %sub3A_163 = arith.constant 1 : i32
      %sub3A_164 = arith.subi %add3A_162, %sub3A_163 : i32
      %dma_wait3A_165 = arith.constant 0 : i32
      %dma_wait3A_166 = tpu.memref_slice %arg9[%add3A_162, %dma_wait3A_165] : memref<79x128xi32, #tpu.memory_space<vmem>> -> memref<1x128xi32, #tpu.memory_space<vmem>>
      %dma_wait3A_167 = tpu.memref_squeeze %dma_wait3A_166 : memref<1x128xi32, #tpu.memory_space<vmem>> -> memref<128xi32, #tpu.memory_space<vmem>>
      %dma_wait3A_168 = arith.constant 0 : i32
      %dma_wait3A_169 = arith.constant 0 : i32
      %dma_wait3A_170 = tpu.memref_slice %arg2[%dma_wait3A_168, %dma_wait3A_169] : memref<10000x16xf32, #tpu.memory_space<hbm>> -> memref<10000x16xf32, #tpu.memory_space<hbm>>
      tpu.wait_indirect_dma semaphore(%arg21 : memref<!tpu.dma_semaphore, #tpu.memory_space<semaphore_mem>>) src(%dma_wait3A_170 : memref<10000x16xf32, #tpu.memory_space<hbm>>) dst(%arg14 : memref<128x16xf32, #tpu.memory_space<vmem>>)
      %dma_start3A_171 = arith.constant 0 : i32
      %dma_start3A_172 = tpu.memref_slice %arg10[%add3A_162, %dma_start3A_171] : memref<79x128xi32, #tpu.memory_space<vmem>> -> memref<1x128xi32, #tpu.memory_space<vmem>>
      %dma_start3A_173 = tpu.memref_squeeze %dma_start3A_172 : memref<1x128xi32, #tpu.memory_space<vmem>> -> memref<128xi32, #tpu.memory_space<vmem>>
      %dma_start3A_174 = arith.constant 0 : i32
      %dma_start3A_175 = arith.constant 0 : i32
      %dma_start3A_176 = tpu.memref_slice %arg17[%dma_start3A_174, %dma_start3A_175] : memref<10240x16xf32, #tpu.memory_space<vmem_shared>> -> memref<10240x16xf32, #tpu.memory_space<vmem_shared>>
      tpu.enqueue_indirect_dma source(%arg14 : memref<128x16xf32, #tpu.memory_space<vmem>>) target(%dma_start3A_176 : memref<10240x16xf32, #tpu.memory_space<vmem_shared>>) offsets(%dma_start3A_173 : memref<128xi32, #tpu.memory_space<vmem>>) semaphore(%arg27 : memref<!tpu.dma_semaphore, #tpu.memory_space<semaphore_mem>>) {add = true}
      %dma_start3A_177 = arith.constant 0 : i32
      %dma_start3A_178 = tpu.memref_slice %arg10[%add3A_162, %dma_start3A_177] : memref<79x128xi32, #tpu.memory_space<vmem>> -> memref<1x128xi32, #tpu.memory_space<vmem>>
      %dma_start3A_179 = tpu.memref_squeeze %dma_start3A_178 : memref<1x128xi32, #tpu.memory_space<vmem>> -> memref<128xi32, #tpu.memory_space<vmem>>
      %dma_start3A_180 = arith.constant 0 : i32
      %dma_start3A_181 = arith.constant 0 : i32
      %dma_start3A_182 = tpu.memref_slice %arg31[%dma_start3A_180, %dma_start3A_181] : memref<10240x16xf32, #tpu.memory_space<vmem_shared>> -> memref<10240x16xf32, #tpu.memory_space<vmem_shared>>
      tpu.enqueue_indirect_dma source(%arg30 : memref<128x16xf32, #tpu.memory_space<vmem>>) target(%dma_start3A_182 : memref<10240x16xf32, #tpu.memory_space<vmem_shared>>) offsets(%dma_start3A_179 : memref<128xi32, #tpu.memory_space<vmem>>) semaphore(%arg35 : memref<!tpu.dma_semaphore, #tpu.memory_space<semaphore_mem>>) {add = true}
      %ge3A_183 = arith.constant 0 : i32
      %ge3A_184 = arith.cmpi sge, %sub3A_164, %ge3A_183 : i32
      %convert_element_type3A_185 = arith.extui %ge3A_184 : i1 to i32
      %cond3A_186 = arith.constant 0 : i32
      %cond3A_187 = arith.cmpi ne, %convert_element_type3A_185, %cond3A_186 : i32
      scf.if %cond3A_187 {
        %dma_wait3A_246 = arith.constant 0 : i32
        %dma_wait3A_247 = tpu.memref_slice %arg10[%sub3A_164, %dma_wait3A_246] : memref<79x128xi32, #tpu.memory_space<vmem>> -> memref<1x128xi32, #tpu.memory_space<vmem>>
        %dma_wait3A_248 = tpu.memref_squeeze %dma_wait3A_247 : memref<1x128xi32, #tpu.memory_space<vmem>> -> memref<128xi32, #tpu.memory_space<vmem>>
        %dma_wait3A_249 = arith.constant 0 : i32
        %dma_wait3A_250 = arith.constant 0 : i32
        %dma_wait3A_251 = tpu.memref_slice %arg17[%dma_wait3A_249, %dma_wait3A_250] : memref<10240x16xf32, #tpu.memory_space<vmem_shared>> -> memref<10240x16xf32, #tpu.memory_space<vmem_shared>>
        tpu.wait_indirect_dma semaphore(%arg26 : memref<!tpu.dma_semaphore, #tpu.memory_space<semaphore_mem>>) src(%arg13 : memref<128x16xf32, #tpu.memory_space<vmem>>) dst(%dma_wait3A_251 : memref<10240x16xf32, #tpu.memory_space<vmem_shared>>)
        %add3A_252 = arith.constant 6 : i32
        %add3A_253 = arith.addi %sub3A_164, %add3A_252 : i32
        %lt3A_254 = arith.constant 78 : i32
        %lt3A_255 = arith.cmpi slt, %add3A_253, %lt3A_254 : i32
        %convert_element_type3A_256 = arith.extui %lt3A_255 : i1 to i32
        %cond3A_257 = arith.constant 0 : i32
        %cond3A_258 = arith.cmpi ne, %convert_element_type3A_256, %cond3A_257 : i32
        scf.if %cond3A_258 {
          %add3A_265 = arith.constant 6 : i32
          %add3A_266 = arith.addi %sub3A_164, %add3A_265 : i32
          %dma_start3A_267 = arith.constant 0 : i32
          %dma_start3A_268 = tpu.memref_slice %arg9[%add3A_266, %dma_start3A_267] : memref<79x128xi32, #tpu.memory_space<vmem>> -> memref<1x128xi32, #tpu.memory_space<vmem>>
          %dma_start3A_269 = tpu.memref_squeeze %dma_start3A_268 : memref<1x128xi32, #tpu.memory_space<vmem>> -> memref<128xi32, #tpu.memory_space<vmem>>
          %dma_start3A_270 = arith.constant 0 : i32
          %dma_start3A_271 = arith.constant 0 : i32
          %dma_start3A_272 = tpu.memref_slice %arg2[%dma_start3A_270, %dma_start3A_271] : memref<10000x16xf32, #tpu.memory_space<hbm>> -> memref<10000x16xf32, #tpu.memory_space<hbm>>
          tpu.enqueue_indirect_dma source(%dma_start3A_272 : memref<10000x16xf32, #tpu.memory_space<hbm>>) target(%arg13 : memref<128x16xf32, #tpu.memory_space<vmem>>) offsets(%dma_start3A_269 : memref<128xi32, #tpu.memory_space<vmem>>) semaphore(%arg20 : memref<!tpu.dma_semaphore, #tpu.memory_space<semaphore_mem>>)
        } else {
        }
        %dma_wait3A_259 = arith.constant 0 : i32
        %dma_wait3A_260 = tpu.memref_slice %arg10[%sub3A_164, %dma_wait3A_259] : memref<79x128xi32, #tpu.memory_space<vmem>> -> memref<1x128xi32, #tpu.memory_space<vmem>>
        %dma_wait3A_261 = tpu.memref_squeeze %dma_wait3A_260 : memref<1x128xi32, #tpu.memory_space<vmem>> -> memref<128xi32, #tpu.memory_space<vmem>>
        %dma_wait3A_262 = arith.constant 0 : i32
        %dma_wait3A_263 = arith.constant 0 : i32
        %dma_wait3A_264 = tpu.memref_slice %arg31[%dma_wait3A_262, %dma_wait3A_263] : memref<10240x16xf32, #tpu.memory_space<vmem_shared>> -> memref<10240x16xf32, #tpu.memory_space<vmem_shared>>
        tpu.wait_indirect_dma semaphore(%arg34 : memref<!tpu.dma_semaphore, #tpu.memory_space<semaphore_mem>>) src(%arg30 : memref<128x16xf32, #tpu.memory_space<vmem>>) dst(%dma_wait3A_264 : memref<10240x16xf32, #tpu.memory_space<vmem_shared>>)
      } else {
      }
      %mul3A_188 = arith.constant 6 : i32
      %mul3A_189 = arith.muli %mul3A_188, %scan3A_73 : i32
      %add3A_190 = arith.constant 4 : i32
      %add3A_191 = arith.addi %mul3A_189, %add3A_190 : i32
      %sub3A_192 = arith.constant 1 : i32
      %sub3A_193 = arith.subi %add3A_191, %sub3A_192 : i32
      %dma_wait3A_194 = arith.constant 0 : i32
      %dma_wait3A_195 = tpu.memref_slice %arg9[%add3A_191, %dma_wait3A_194] : memref<79x128xi32, #tpu.memory_space<vmem>> -> memref<1x128xi32, #tpu.memory_space<vmem>>
      %dma_wait3A_196 = tpu.memref_squeeze %dma_wait3A_195 : memref<1x128xi32, #tpu.memory_space<vmem>> -> memref<128xi32, #tpu.memory_space<vmem>>
      %dma_wait3A_197 = arith.constant 0 : i32
      %dma_wait3A_198 = arith.constant 0 : i32
      %dma_wait3A_199 = tpu.memref_slice %arg2[%dma_wait3A_197, %dma_wait3A_198] : memref<10000x16xf32, #tpu.memory_space<hbm>> -> memref<10000x16xf32, #tpu.memory_space<hbm>>
      tpu.wait_indirect_dma semaphore(%arg22 : memref<!tpu.dma_semaphore, #tpu.memory_space<semaphore_mem>>) src(%dma_wait3A_199 : memref<10000x16xf32, #tpu.memory_space<hbm>>) dst(%arg15 : memref<128x16xf32, #tpu.memory_space<vmem>>)
      %dma_start3A_200 = arith.constant 0 : i32
      %dma_start3A_201 = tpu.memref_slice %arg10[%add3A_191, %dma_start3A_200] : memref<79x128xi32, #tpu.memory_space<vmem>> -> memref<1x128xi32, #tpu.memory_space<vmem>>
      %dma_start3A_202 = tpu.memref_squeeze %dma_start3A_201 : memref<1x128xi32, #tpu.memory_space<vmem>> -> memref<128xi32, #tpu.memory_space<vmem>>
      %dma_start3A_203 = arith.constant 0 : i32
      %dma_start3A_204 = arith.constant 0 : i32
      %dma_start3A_205 = tpu.memref_slice %arg17[%dma_start3A_203, %dma_start3A_204] : memref<10240x16xf32, #tpu.memory_space<vmem_shared>> -> memref<10240x16xf32, #tpu.memory_space<vmem_shared>>
      tpu.enqueue_indirect_dma source(%arg15 : memref<128x16xf32, #tpu.memory_space<vmem>>) target(%dma_start3A_205 : memref<10240x16xf32, #tpu.memory_space<vmem_shared>>) offsets(%dma_start3A_202 : memref<128xi32, #tpu.memory_space<vmem>>) semaphore(%arg28 : memref<!tpu.dma_semaphore, #tpu.memory_space<semaphore_mem>>) {add = true}
      %dma_start3A_206 = arith.constant 0 : i32
      %dma_start3A_207 = tpu.memref_slice %arg10[%add3A_191, %dma_start3A_206] : memref<79x128xi32, #tpu.memory_space<vmem>> -> memref<1x128xi32, #tpu.memory_space<vmem>>
      %dma_start3A_208 = tpu.memref_squeeze %dma_start3A_207 : memref<1x128xi32, #tpu.memory_space<vmem>> -> memref<128xi32, #tpu.memory_space<vmem>>
      %dma_start3A_209 = arith.constant 0 : i32
      %dma_start3A_210 = arith.constant 0 : i32
      %dma_start3A_211 = tpu.memref_slice %arg31[%dma_start3A_209, %dma_start3A_210] : memref<10240x16xf32, #tpu.memory_space<vmem_shared>> -> memref<10240x16xf32, #tpu.memory_space<vmem_shared>>
      tpu.enqueue_indirect_dma source(%arg30 : memref<128x16xf32, #tpu.memory_space<vmem>>) target(%dma_start3A_211 : memref<10240x16xf32, #tpu.memory_space<vmem_shared>>) offsets(%dma_start3A_208 : memref<128xi32, #tpu.memory_space<vmem>>) semaphore(%arg36 : memref<!tpu.dma_semaphore, #tpu.memory_space<semaphore_mem>>) {add = true}
      %ge3A_212 = arith.constant 0 : i32
      %ge3A_213 = arith.cmpi sge, %sub3A_193, %ge3A_212 : i32
      %convert_element_type3A_214 = arith.extui %ge3A_213 : i1 to i32
      %cond3A_215 = arith.constant 0 : i32
      %cond3A_216 = arith.cmpi ne, %convert_element_type3A_214, %cond3A_215 : i32
      scf.if %cond3A_216 {
        %dma_wait3A_246 = arith.constant 0 : i32
        %dma_wait3A_247 = tpu.memref_slice %arg10[%sub3A_193, %dma_wait3A_246] : memref<79x128xi32, #tpu.memory_space<vmem>> -> memref<1x128xi32, #tpu.memory_space<vmem>>
        %dma_wait3A_248 = tpu.memref_squeeze %dma_wait3A_247 : memref<1x128xi32, #tpu.memory_space<vmem>> -> memref<128xi32, #tpu.memory_space<vmem>>
        %dma_wait3A_249 = arith.constant 0 : i32
        %dma_wait3A_250 = arith.constant 0 : i32
        %dma_wait3A_251 = tpu.memref_slice %arg17[%dma_wait3A_249, %dma_wait3A_250] : memref<10240x16xf32, #tpu.memory_space<vmem_shared>> -> memref<10240x16xf32, #tpu.memory_space<vmem_shared>>
        tpu.wait_indirect_dma semaphore(%arg27 : memref<!tpu.dma_semaphore, #tpu.memory_space<semaphore_mem>>) src(%arg14 : memref<128x16xf32, #tpu.memory_space<vmem>>) dst(%dma_wait3A_251 : memref<10240x16xf32, #tpu.memory_space<vmem_shared>>)
        %add3A_252 = arith.constant 6 : i32
        %add3A_253 = arith.addi %sub3A_193, %add3A_252 : i32
        %lt3A_254 = arith.constant 78 : i32
        %lt3A_255 = arith.cmpi slt, %add3A_253, %lt3A_254 : i32
        %convert_element_type3A_256 = arith.extui %lt3A_255 : i1 to i32
        %cond3A_257 = arith.constant 0 : i32
        %cond3A_258 = arith.cmpi ne, %convert_element_type3A_256, %cond3A_257 : i32
        scf.if %cond3A_258 {
          %add3A_265 = arith.constant 6 : i32
          %add3A_266 = arith.addi %sub3A_193, %add3A_265 : i32
          %dma_start3A_267 = arith.constant 0 : i32
          %dma_start3A_268 = tpu.memref_slice %arg9[%add3A_266, %dma_start3A_267] : memref<79x128xi32, #tpu.memory_space<vmem>> -> memref<1x128xi32, #tpu.memory_space<vmem>>
          %dma_start3A_269 = tpu.memref_squeeze %dma_start3A_268 : memref<1x128xi32, #tpu.memory_space<vmem>> -> memref<128xi32, #tpu.memory_space<vmem>>
          %dma_start3A_270 = arith.constant 0 : i32
          %dma_start3A_271 = arith.constant 0 : i32
          %dma_start3A_272 = tpu.memref_slice %arg2[%dma_start3A_270, %dma_start3A_271] : memref<10000x16xf32, #tpu.memory_space<hbm>> -> memref<10000x16xf32, #tpu.memory_space<hbm>>
          tpu.enqueue_indirect_dma source(%dma_start3A_272 : memref<10000x16xf32, #tpu.memory_space<hbm>>) target(%arg14 : memref<128x16xf32, #tpu.memory_space<vmem>>) offsets(%dma_start3A_269 : memref<128xi32, #tpu.memory_space<vmem>>) semaphore(%arg21 : memref<!tpu.dma_semaphore, #tpu.memory_space<semaphore_mem>>)
        } else {
        }
        %dma_wait3A_259 = arith.constant 0 : i32
        %dma_wait3A_260 = tpu.memref_slice %arg10[%sub3A_193, %dma_wait3A_259] : memref<79x128xi32, #tpu.memory_space<vmem>> -> memref<1x128xi32, #tpu.memory_space<vmem>>
        %dma_wait3A_261 = tpu.memref_squeeze %dma_wait3A_260 : memref<1x128xi32, #tpu.memory_space<vmem>> -> memref<128xi32, #tpu.memory_space<vmem>>
        %dma_wait3A_262 = arith.constant 0 : i32
        %dma_wait3A_263 = arith.constant 0 : i32
        %dma_wait3A_264 = tpu.memref_slice %arg31[%dma_wait3A_262, %dma_wait3A_263] : memref<10240x16xf32, #tpu.memory_space<vmem_shared>> -> memref<10240x16xf32, #tpu.memory_space<vmem_shared>>
        tpu.wait_indirect_dma semaphore(%arg35 : memref<!tpu.dma_semaphore, #tpu.memory_space<semaphore_mem>>) src(%arg30 : memref<128x16xf32, #tpu.memory_space<vmem>>) dst(%dma_wait3A_264 : memref<10240x16xf32, #tpu.memory_space<vmem_shared>>)
      } else {
      }
      %mul3A_217 = arith.constant 6 : i32
      %mul3A_218 = arith.muli %mul3A_217, %scan3A_73 : i32
      %add3A_219 = arith.constant 5 : i32
      %add3A_220 = arith.addi %mul3A_218, %add3A_219 : i32
      %sub3A_221 = arith.constant 1 : i32
      %sub3A_222 = arith.subi %add3A_220, %sub3A_221 : i32
      %dma_wait3A_223 = arith.constant 0 : i32
      %dma_wait3A_224 = tpu.memref_slice %arg9[%add3A_220, %dma_wait3A_223] : memref<79x128xi32, #tpu.memory_space<vmem>> -> memref<1x128xi32, #tpu.memory_space<vmem>>
      %dma_wait3A_225 = tpu.memref_squeeze %dma_wait3A_224 : memref<1x128xi32, #tpu.memory_space<vmem>> -> memref<128xi32, #tpu.memory_space<vmem>>
      %dma_wait3A_226 = arith.constant 0 : i32
      %dma_wait3A_227 = arith.constant 0 : i32
      %dma_wait3A_228 = tpu.memref_slice %arg2[%dma_wait3A_226, %dma_wait3A_227] : memref<10000x16xf32, #tpu.memory_space<hbm>> -> memref<10000x16xf32, #tpu.memory_space<hbm>>
      tpu.wait_indirect_dma semaphore(%arg23 : memref<!tpu.dma_semaphore, #tpu.memory_space<semaphore_mem>>) src(%dma_wait3A_228 : memref<10000x16xf32, #tpu.memory_space<hbm>>) dst(%arg16 : memref<128x16xf32, #tpu.memory_space<vmem>>)
      %dma_start3A_229 = arith.constant 0 : i32
      %dma_start3A_230 = tpu.memref_slice %arg10[%add3A_220, %dma_start3A_229] : memref<79x128xi32, #tpu.memory_space<vmem>> -> memref<1x128xi32, #tpu.memory_space<vmem>>
      %dma_start3A_231 = tpu.memref_squeeze %dma_start3A_230 : memref<1x128xi32, #tpu.memory_space<vmem>> -> memref<128xi32, #tpu.memory_space<vmem>>
      %dma_start3A_232 = arith.constant 0 : i32
      %dma_start3A_233 = arith.constant 0 : i32
      %dma_start3A_234 = tpu.memref_slice %arg17[%dma_start3A_232, %dma_start3A_233] : memref<10240x16xf32, #tpu.memory_space<vmem_shared>> -> memref<10240x16xf32, #tpu.memory_space<vmem_shared>>
      tpu.enqueue_indirect_dma source(%arg16 : memref<128x16xf32, #tpu.memory_space<vmem>>) target(%dma_start3A_234 : memref<10240x16xf32, #tpu.memory_space<vmem_shared>>) offsets(%dma_start3A_231 : memref<128xi32, #tpu.memory_space<vmem>>) semaphore(%arg29 : memref<!tpu.dma_semaphore, #tpu.memory_space<semaphore_mem>>) {add = true}
      %dma_start3A_235 = arith.constant 0 : i32
      %dma_start3A_236 = tpu.memref_slice %arg10[%add3A_220, %dma_start3A_235] : memref<79x128xi32, #tpu.memory_space<vmem>> -> memref<1x128xi32, #tpu.memory_space<vmem>>
      %dma_start3A_237 = tpu.memref_squeeze %dma_start3A_236 : memref<1x128xi32, #tpu.memory_space<vmem>> -> memref<128xi32, #tpu.memory_space<vmem>>
      %dma_start3A_238 = arith.constant 0 : i32
      %dma_start3A_239 = arith.constant 0 : i32
      %dma_start3A_240 = tpu.memref_slice %arg31[%dma_start3A_238, %dma_start3A_239] : memref<10240x16xf32, #tpu.memory_space<vmem_shared>> -> memref<10240x16xf32, #tpu.memory_space<vmem_shared>>
      tpu.enqueue_indirect_dma source(%arg30 : memref<128x16xf32, #tpu.memory_space<vmem>>) target(%dma_start3A_240 : memref<10240x16xf32, #tpu.memory_space<vmem_shared>>) offsets(%dma_start3A_237 : memref<128xi32, #tpu.memory_space<vmem>>) semaphore(%arg37 : memref<!tpu.dma_semaphore, #tpu.memory_space<semaphore_mem>>) {add = true}
      %ge3A_241 = arith.constant 0 : i32
      %ge3A_242 = arith.cmpi sge, %sub3A_222, %ge3A_241 : i32
      %convert_element_type3A_243 = arith.extui %ge3A_242 : i1 to i32
      %cond3A_244 = arith.constant 0 : i32
      %cond3A_245 = arith.cmpi ne, %convert_element_type3A_243, %cond3A_244 : i32
      scf.if %cond3A_245 {
        %dma_wait3A_246 = arith.constant 0 : i32
        %dma_wait3A_247 = tpu.memref_slice %arg10[%sub3A_222, %dma_wait3A_246] : memref<79x128xi32, #tpu.memory_space<vmem>> -> memref<1x128xi32, #tpu.memory_space<vmem>>
        %dma_wait3A_248 = tpu.memref_squeeze %dma_wait3A_247 : memref<1x128xi32, #tpu.memory_space<vmem>> -> memref<128xi32, #tpu.memory_space<vmem>>
        %dma_wait3A_249 = arith.constant 0 : i32
        %dma_wait3A_250 = arith.constant 0 : i32
        %dma_wait3A_251 = tpu.memref_slice %arg17[%dma_wait3A_249, %dma_wait3A_250] : memref<10240x16xf32, #tpu.memory_space<vmem_shared>> -> memref<10240x16xf32, #tpu.memory_space<vmem_shared>>
        tpu.wait_indirect_dma semaphore(%arg28 : memref<!tpu.dma_semaphore, #tpu.memory_space<semaphore_mem>>) src(%arg15 : memref<128x16xf32, #tpu.memory_space<vmem>>) dst(%dma_wait3A_251 : memref<10240x16xf32, #tpu.memory_space<vmem_shared>>)
        %add3A_252 = arith.constant 6 : i32
        %add3A_253 = arith.addi %sub3A_222, %add3A_252 : i32
        %lt3A_254 = arith.constant 78 : i32
        %lt3A_255 = arith.cmpi slt, %add3A_253, %lt3A_254 : i32
        %convert_element_type3A_256 = arith.extui %lt3A_255 : i1 to i32
        %cond3A_257 = arith.constant 0 : i32
        %cond3A_258 = arith.cmpi ne, %convert_element_type3A_256, %cond3A_257 : i32
        scf.if %cond3A_258 {
          %add3A_265 = arith.constant 6 : i32
          %add3A_266 = arith.addi %sub3A_222, %add3A_265 : i32
          %dma_start3A_267 = arith.constant 0 : i32
          %dma_start3A_268 = tpu.memref_slice %arg9[%add3A_266, %dma_start3A_267] : memref<79x128xi32, #tpu.memory_space<vmem>> -> memref<1x128xi32, #tpu.memory_space<vmem>>
          %dma_start3A_269 = tpu.memref_squeeze %dma_start3A_268 : memref<1x128xi32, #tpu.memory_space<vmem>> -> memref<128xi32, #tpu.memory_space<vmem>>
          %dma_start3A_270 = arith.constant 0 : i32
          %dma_start3A_271 = arith.constant 0 : i32
          %dma_start3A_272 = tpu.memref_slice %arg2[%dma_start3A_270, %dma_start3A_271] : memref<10000x16xf32, #tpu.memory_space<hbm>> -> memref<10000x16xf32, #tpu.memory_space<hbm>>
          tpu.enqueue_indirect_dma source(%dma_start3A_272 : memref<10000x16xf32, #tpu.memory_space<hbm>>) target(%arg15 : memref<128x16xf32, #tpu.memory_space<vmem>>) offsets(%dma_start3A_269 : memref<128xi32, #tpu.memory_space<vmem>>) semaphore(%arg22 : memref<!tpu.dma_semaphore, #tpu.memory_space<semaphore_mem>>)
        } else {
        }
        %dma_wait3A_259 = arith.constant 0 : i32
        %dma_wait3A_260 = tpu.memref_slice %arg10[%sub3A_222, %dma_wait3A_259] : memref<79x128xi32, #tpu.memory_space<vmem>> -> memref<1x128xi32, #tpu.memory_space<vmem>>
        %dma_wait3A_261 = tpu.memref_squeeze %dma_wait3A_260 : memref<1x128xi32, #tpu.memory_space<vmem>> -> memref<128xi32, #tpu.memory_space<vmem>>
        %dma_wait3A_262 = arith.constant 0 : i32
        %dma_wait3A_263 = arith.constant 0 : i32
        %dma_wait3A_264 = tpu.memref_slice %arg31[%dma_wait3A_262, %dma_wait3A_263] : memref<10240x16xf32, #tpu.memory_space<vmem_shared>> -> memref<10240x16xf32, #tpu.memory_space<vmem_shared>>
        tpu.wait_indirect_dma semaphore(%arg36 : memref<!tpu.dma_semaphore, #tpu.memory_space<semaphore_mem>>) src(%arg30 : memref<128x16xf32, #tpu.memory_space<vmem>>) dst(%dma_wait3A_264 : memref<10240x16xf32, #tpu.memory_space<vmem_shared>>)
      } else {
      }
    }
    %scan3A_53 = arith.constant 13 : i32
    %dma_wait3A = arith.constant 77 : i32
    %dma_wait3A_54 = arith.constant 0 : i32
    %dma_wait3A_55 = tpu.memref_slice %arg10[%dma_wait3A, %dma_wait3A_54] : memref<79x128xi32, #tpu.memory_space<vmem>> -> memref<1x128xi32, #tpu.memory_space<vmem>>
    %dma_wait3A_56 = tpu.memref_squeeze %dma_wait3A_55 : memref<1x128xi32, #tpu.memory_space<vmem>> -> memref<128xi32, #tpu.memory_space<vmem>>
    %dma_wait3A_57 = arith.constant 0 : i32
    %dma_wait3A_58 = arith.constant 0 : i32
    %dma_wait3A_59 = tpu.memref_slice %arg17[%dma_wait3A_57, %dma_wait3A_58] : memref<10240x16xf32, #tpu.memory_space<vmem_shared>> -> memref<10240x16xf32, #tpu.memory_space<vmem_shared>>
    tpu.wait_indirect_dma semaphore(%arg29 : memref<!tpu.dma_semaphore, #tpu.memory_space<semaphore_mem>>) src(%arg16 : memref<128x16xf32, #tpu.memory_space<vmem>>) dst(%dma_wait3A_59 : memref<10240x16xf32, #tpu.memory_space<vmem_shared>>)
    %dma_wait3A_60 = arith.constant 77 : i32
    %dma_wait3A_61 = arith.constant 0 : i32
    %dma_wait3A_62 = tpu.memref_slice %arg10[%dma_wait3A_60, %dma_wait3A_61] : memref<79x128xi32, #tpu.memory_space<vmem>> -> memref<1x128xi32, #tpu.memory_space<vmem>>
    %dma_wait3A_63 = tpu.memref_squeeze %dma_wait3A_62 : memref<1x128xi32, #tpu.memory_space<vmem>> -> memref<128xi32, #tpu.memory_space<vmem>>
    %dma_wait3A_64 = arith.constant 0 : i32
    %dma_wait3A_65 = arith.constant 0 : i32
    %dma_wait3A_66 = tpu.memref_slice %arg31[%dma_wait3A_64, %dma_wait3A_65] : memref<10240x16xf32, #tpu.memory_space<vmem_shared>> -> memref<10240x16xf32, #tpu.memory_space<vmem_shared>>
    tpu.wait_indirect_dma semaphore(%arg37 : memref<!tpu.dma_semaphore, #tpu.memory_space<semaphore_mem>>) src(%arg30 : memref<128x16xf32, #tpu.memory_space<vmem>>) dst(%dma_wait3A_66 : memref<10240x16xf32, #tpu.memory_space<vmem_shared>>)
    %lt3A_67 = arith.constant 4 : i32
    %lt3A_68 = arith.cmpi slt, %add3A, %lt3A_67 : i32
    %convert_element_type3A_69 = arith.extui %lt3A_68 : i1 to i32
    %cond3A_70 = arith.constant 0 : i32
    %cond3A_71 = arith.cmpi ne, %convert_element_type3A_69, %cond3A_70 : i32
    scf.if %cond3A_71 {
      %dma_start3A_73 = arith.constant 78 : i32
      %dma_start3A_74 = arith.constant 0 : i32
      %dma_start3A_75 = tpu.memref_slice %arg9[%dma_start3A_73, %dma_start3A_74] : memref<79x128xi32, #tpu.memory_space<vmem>> -> memref<1x128xi32, #tpu.memory_space<vmem>>
      %dma_start3A_76 = tpu.memref_squeeze %dma_start3A_75 : memref<1x128xi32, #tpu.memory_space<vmem>> -> memref<128xi32, #tpu.memory_space<vmem>>
      %dma_start3A_77 = arith.constant 0 : i32
      %dma_start3A_78 = arith.constant 0 : i32
      %dma_start3A_79 = tpu.memref_slice %arg2[%dma_start3A_77, %dma_start3A_78] : memref<10000x16xf32, #tpu.memory_space<hbm>> -> memref<10000x16xf32, #tpu.memory_space<hbm>>
      tpu.enqueue_indirect_dma source(%dma_start3A_79 : memref<10000x16xf32, #tpu.memory_space<hbm>>) target(%arg11 : memref<128x16xf32, #tpu.memory_space<vmem>>) offsets(%dma_start3A_76 : memref<128xi32, #tpu.memory_space<vmem>>) semaphore(%arg18 : memref<!tpu.dma_semaphore, #tpu.memory_space<semaphore_mem>>)
      %dma_wait3A_80 = arith.constant 78 : i32
      %dma_wait3A_81 = arith.constant 0 : i32
      %dma_wait3A_82 = tpu.memref_slice %arg9[%dma_wait3A_80, %dma_wait3A_81] : memref<79x128xi32, #tpu.memory_space<vmem>> -> memref<1x128xi32, #tpu.memory_space<vmem>>
      %dma_wait3A_83 = tpu.memref_squeeze %dma_wait3A_82 : memref<1x128xi32, #tpu.memory_space<vmem>> -> memref<128xi32, #tpu.memory_space<vmem>>
      %dma_wait3A_84 = arith.constant 0 : i32
      %dma_wait3A_85 = arith.constant 0 : i32
      %dma_wait3A_86 = tpu.memref_slice %arg2[%dma_wait3A_84, %dma_wait3A_85] : memref<10000x16xf32, #tpu.memory_space<hbm>> -> memref<10000x16xf32, #tpu.memory_space<hbm>>
      tpu.wait_indirect_dma semaphore(%arg18 : memref<!tpu.dma_semaphore, #tpu.memory_space<semaphore_mem>>) src(%dma_wait3A_86 : memref<10000x16xf32, #tpu.memory_space<hbm>>) dst(%arg11 : memref<128x16xf32, #tpu.memory_space<vmem>>)
      %dma_start3A_87 = arith.constant 78 : i32
      %dma_start3A_88 = arith.constant 0 : i32
      %dma_start3A_89 = tpu.memref_slice %arg10[%dma_start3A_87, %dma_start3A_88] : memref<79x128xi32, #tpu.memory_space<vmem>> -> memref<1x128xi32, #tpu.memory_space<vmem>>
      %dma_start3A_90 = tpu.memref_squeeze %dma_start3A_89 : memref<1x128xi32, #tpu.memory_space<vmem>> -> memref<128xi32, #tpu.memory_space<vmem>>
      %dma_start3A_91 = arith.constant 0 : i32
      %dma_start3A_92 = arith.constant 0 : i32
      %dma_start3A_93 = tpu.memref_slice %arg17[%dma_start3A_91, %dma_start3A_92] : memref<10240x16xf32, #tpu.memory_space<vmem_shared>> -> memref<10240x16xf32, #tpu.memory_space<vmem_shared>>
      tpu.enqueue_indirect_dma source(%arg11 : memref<128x16xf32, #tpu.memory_space<vmem>>) target(%dma_start3A_93 : memref<10240x16xf32, #tpu.memory_space<vmem_shared>>) offsets(%dma_start3A_90 : memref<128xi32, #tpu.memory_space<vmem>>) semaphore(%arg24 : memref<!tpu.dma_semaphore, #tpu.memory_space<semaphore_mem>>) {add = true}
      %dma_start3A_94 = arith.constant 78 : i32
      %dma_start3A_95 = arith.constant 0 : i32
      %dma_start3A_96 = tpu.memref_slice %arg10[%dma_start3A_94, %dma_start3A_95] : memref<79x128xi32, #tpu.memory_space<vmem>> -> memref<1x128xi32, #tpu.memory_space<vmem>>
      %dma_start3A_97 = tpu.memref_squeeze %dma_start3A_96 : memref<1x128xi32, #tpu.memory_space<vmem>> -> memref<128xi32, #tpu.memory_space<vmem>>
      %dma_start3A_98 = arith.constant 0 : i32
      %dma_start3A_99 = arith.constant 0 : i32
      %dma_start3A_100 = tpu.memref_slice %arg31[%dma_start3A_98, %dma_start3A_99] : memref<10240x16xf32, #tpu.memory_space<vmem_shared>> -> memref<10240x16xf32, #tpu.memory_space<vmem_shared>>
      tpu.enqueue_indirect_dma source(%arg30 : memref<128x16xf32, #tpu.memory_space<vmem>>) target(%dma_start3A_100 : memref<10240x16xf32, #tpu.memory_space<vmem_shared>>) offsets(%dma_start3A_97 : memref<128xi32, #tpu.memory_space<vmem>>) semaphore(%arg32 : memref<!tpu.dma_semaphore, #tpu.memory_space<semaphore_mem>>) {add = true}
      %dma_wait3A_101 = arith.constant 78 : i32
      %dma_wait3A_102 = arith.constant 0 : i32
      %dma_wait3A_103 = tpu.memref_slice %arg10[%dma_wait3A_101, %dma_wait3A_102] : memref<79x128xi32, #tpu.memory_space<vmem>> -> memref<1x128xi32, #tpu.memory_space<vmem>>
      %dma_wait3A_104 = tpu.memref_squeeze %dma_wait3A_103 : memref<1x128xi32, #tpu.memory_space<vmem>> -> memref<128xi32, #tpu.memory_space<vmem>>
      %dma_wait3A_105 = arith.constant 0 : i32
      %dma_wait3A_106 = arith.constant 0 : i32
      %dma_wait3A_107 = tpu.memref_slice %arg31[%dma_wait3A_105, %dma_wait3A_106] : memref<10240x16xf32, #tpu.memory_space<vmem_shared>> -> memref<10240x16xf32, #tpu.memory_space<vmem_shared>>
      tpu.wait_indirect_dma semaphore(%arg32 : memref<!tpu.dma_semaphore, #tpu.memory_space<semaphore_mem>>) src(%arg30 : memref<128x16xf32, #tpu.memory_space<vmem>>) dst(%dma_wait3A_107 : memref<10240x16xf32, #tpu.memory_space<vmem_shared>>)
      %dma_wait3A_108 = arith.constant 78 : i32
      %dma_wait3A_109 = arith.constant 0 : i32
      %dma_wait3A_110 = tpu.memref_slice %arg10[%dma_wait3A_108, %dma_wait3A_109] : memref<79x128xi32, #tpu.memory_space<vmem>> -> memref<1x128xi32, #tpu.memory_space<vmem>>
      %dma_wait3A_111 = tpu.memref_squeeze %dma_wait3A_110 : memref<1x128xi32, #tpu.memory_space<vmem>> -> memref<128xi32, #tpu.memory_space<vmem>>
      %dma_wait3A_112 = arith.constant 0 : i32
      %dma_wait3A_113 = arith.constant 0 : i32
      %dma_wait3A_114 = tpu.memref_slice %arg17[%dma_wait3A_112, %dma_wait3A_113] : memref<10240x16xf32, #tpu.memory_space<vmem_shared>> -> memref<10240x16xf32, #tpu.memory_space<vmem_shared>>
      tpu.wait_indirect_dma semaphore(%arg24 : memref<!tpu.dma_semaphore, #tpu.memory_space<semaphore_mem>>) src(%arg11 : memref<128x16xf32, #tpu.memory_space<vmem>>) dst(%dma_wait3A_114 : memref<10240x16xf32, #tpu.memory_space<vmem_shared>>)
    } else {
    }
    %barrier3A_72 = arith.constant 0 : index
    tpu.barrier barrier_id(%barrier3A_72)
    "tpu.region"() ({
      %run_scoped3A_73 = tpu.sem_alloc : memref<!tpu.dma_semaphore, #tpu.memory_space<semaphore_mem>>
      %dma_start3A_74 = arith.constant 0 : i32
      %dma_start3A_75 = tpu.memref_slice %arg7[%arg0, %mul3A_2, %dma_start3A_74] : memref<2x10240x16xf32, #tpu.memory_space<hbm>> -> memref<1x640x16xf32, #tpu.memory_space<hbm>>
      %dma_start3A_76 = tpu.memref_squeeze %dma_start3A_75 : memref<1x640x16xf32, #tpu.memory_space<hbm>> -> memref<640x16xf32, #tpu.memory_space<hbm>>
      %dma_start3A_77 = arith.constant 0 : i32
      %dma_start3A_78 = tpu.memref_slice %arg17[%mul3A_2, %dma_start3A_77] : memref<10240x16xf32, #tpu.memory_space<vmem_shared>> -> memref<640x16xf32, #tpu.memory_space<vmem_shared>>
      tpu.enqueue_dma source(%dma_start3A_78 : memref<640x16xf32, #tpu.memory_space<vmem_shared>>) target(%dma_start3A_76 : memref<640x16xf32, #tpu.memory_space<hbm>>) target_semaphore(%run_scoped3A_73 : memref<!tpu.dma_semaphore, #tpu.memory_space<semaphore_mem>>)
      %dma_wait3A_79 = arith.constant 0 : i32
      %dma_wait3A_80 = tpu.memref_slice %arg7[%arg0, %mul3A_2, %dma_wait3A_79] : memref<2x10240x16xf32, #tpu.memory_space<hbm>> -> memref<1x640x16xf32, #tpu.memory_space<hbm>>
      %dma_wait3A_81 = tpu.memref_squeeze %dma_wait3A_80 : memref<1x640x16xf32, #tpu.memory_space<hbm>> -> memref<640x16xf32, #tpu.memory_space<hbm>>
      %dma_wait3A_82 = arith.constant 0 : i32
      %dma_wait3A_83 = tpu.memref_slice %arg17[%mul3A_2, %dma_wait3A_82] : memref<10240x16xf32, #tpu.memory_space<vmem_shared>> -> memref<640x16xf32, #tpu.memory_space<vmem_shared>>
      tpu.wait_dma2 semaphore(%run_scoped3A_73 : memref<!tpu.dma_semaphore, #tpu.memory_space<semaphore_mem>>) src(%dma_wait3A_83 : memref<640x16xf32, #tpu.memory_space<vmem_shared>>) dst(%dma_wait3A_81 : memref<640x16xf32, #tpu.memory_space<hbm>>)
      tpu.yield
    }) : () -> ()
    "tpu.region"() ({
      %run_scoped3A_73 = tpu.sem_alloc : memref<!tpu.dma_semaphore, #tpu.memory_space<semaphore_mem>>
      %dma_start3A_74 = arith.constant 0 : i32
      %dma_start3A_75 = tpu.memref_slice %arg8[%arg0, %mul3A_2, %dma_start3A_74] : memref<2x10240x16xf32, #tpu.memory_space<hbm>> -> memref<1x640x16xf32, #tpu.memory_space<hbm>>
      %dma_start3A_76 = tpu.memref_squeeze %dma_start3A_75 : memref<1x640x16xf32, #tpu.memory_space<hbm>> -> memref<640x16xf32, #tpu.memory_space<hbm>>
      %dma_start3A_77 = arith.constant 0 : i32
      %dma_start3A_78 = tpu.memref_slice %arg31[%mul3A_2, %dma_start3A_77] : memref<10240x16xf32, #tpu.memory_space<vmem_shared>> -> memref<640x16xf32, #tpu.memory_space<vmem_shared>>
      tpu.enqueue_dma source(%dma_start3A_78 : memref<640x16xf32, #tpu.memory_space<vmem_shared>>) target(%dma_start3A_76 : memref<640x16xf32, #tpu.memory_space<hbm>>) target_semaphore(%run_scoped3A_73 : memref<!tpu.dma_semaphore, #tpu.memory_space<semaphore_mem>>)
      %dma_wait3A_79 = arith.constant 0 : i32
      %dma_wait3A_80 = tpu.memref_slice %arg8[%arg0, %mul3A_2, %dma_wait3A_79] : memref<2x10240x16xf32, #tpu.memory_space<hbm>> -> memref<1x640x16xf32, #tpu.memory_space<hbm>>
      %dma_wait3A_81 = tpu.memref_squeeze %dma_wait3A_80 : memref<1x640x16xf32, #tpu.memory_space<hbm>> -> memref<640x16xf32, #tpu.memory_space<hbm>>
      %dma_wait3A_82 = arith.constant 0 : i32
      %dma_wait3A_83 = tpu.memref_slice %arg31[%mul3A_2, %dma_wait3A_82] : memref<10240x16xf32, #tpu.memory_space<vmem_shared>> -> memref<640x16xf32, #tpu.memory_space<vmem_shared>>
      tpu.wait_dma2 semaphore(%run_scoped3A_73 : memref<!tpu.dma_semaphore, #tpu.memory_space<semaphore_mem>>) src(%dma_wait3A_83 : memref<640x16xf32, #tpu.memory_space<vmem_shared>>) dst(%dma_wait3A_81 : memref<640x16xf32, #tpu.memory_space<hbm>>)
      tpu.yield
    }) : () -> ()
    return
  }
}

#map = affine_map<(d0, d1) -> (0, 0)>
#map1 = affine_map<(d0, d1) -> (0, 0, 0)>
module attributes {stable_mosaic.version = 14 : i64} {
  func.func @entry(%arg0: i32, %arg1: i32, %arg2: memref<10000x16xf32, #tpu.memory_space<hbm>>, %arg3: memref<2x2500x128xi32, #tpu.memory_space<hbm>>, %arg4: memref<10240x16xf32, #tpu.memory_space<hbm>>, %arg5: memref<2x10240x16xf32, #tpu.memory_space<hbm>>, %arg6: memref<79x128xi32, #tpu.memory_space<vmem>>, %arg7: memref<79x128xi32, #tpu.memory_space<vmem>>, %arg8: memref<128x16xf32, #tpu.memory_space<vmem>>, %arg9: memref<128x16xf32, #tpu.memory_space<vmem>>, %arg10: memref<128x16xf32, #tpu.memory_space<vmem>>, %arg11: memref<128x16xf32, #tpu.memory_space<vmem>>, %arg12: memref<128x16xf32, #tpu.memory_space<vmem>>, %arg13: memref<128x16xf32, #tpu.memory_space<vmem>>, %arg14: memref<10240x16xf32, #tpu.memory_space<vmem_shared>>, %arg15: memref<!tpu.dma_semaphore, #tpu.memory_space<semaphore_mem>>, %arg16: memref<!tpu.dma_semaphore, #tpu.memory_space<semaphore_mem>>, %arg17: memref<!tpu.dma_semaphore, #tpu.memory_space<semaphore_mem>>, %arg18: memref<!tpu.dma_semaphore, #tpu.memory_space<semaphore_mem>>, %arg19: memref<!tpu.dma_semaphore, #tpu.memory_space<semaphore_mem>>, %arg20: memref<!tpu.dma_semaphore, #tpu.memory_space<semaphore_mem>>, %arg21: memref<!tpu.dma_semaphore, #tpu.memory_space<semaphore_mem>>, %arg22: memref<!tpu.dma_semaphore, #tpu.memory_space<semaphore_mem>>, %arg23: memref<!tpu.dma_semaphore, #tpu.memory_space<semaphore_mem>>, %arg24: memref<!tpu.dma_semaphore, #tpu.memory_space<semaphore_mem>>, %arg25: memref<!tpu.dma_semaphore, #tpu.memory_space<semaphore_mem>>, %arg26: memref<!tpu.dma_semaphore, #tpu.memory_space<semaphore_mem>>) attributes {dimension_semantics = [#tpu.dimension_semantics<core_parallel>, #tpu.dimension_semantics<subcore_parallel>], iteration_bounds = array<i64: 2, 16>, scalar_prefetch = 0 : i64, scratch_operands = 21 : i64, tpu.core_type = #tpu.core_type<sc_vector_subcore>, window_params = [{transform_indices = #map}, {transform_indices = #map1}, {transform_indices = #map}, {transform_indices = #map1}]} {
    %mul3A = arith.constant 2 : i32
    %mul3A_0 = arith.muli %arg1, %mul3A : i32
    %add3A = arith.addi %mul3A_0, %arg0 : i32
    %mul3A_1 = arith.constant 640 : i32
    %mul3A_2 = arith.muli %arg1, %mul3A_1 : i32
    "tpu.region"() ({
      %run_scoped3A_66 = tpu.sem_alloc : memref<!tpu.dma_semaphore, #tpu.memory_space<semaphore_mem>>
      %dma_start3A_67 = arith.constant 0 : i32
      %dma_start3A_68 = tpu.memref_slice %arg14[%mul3A_2, %dma_start3A_67] : memref<10240x16xf32, #tpu.memory_space<vmem_shared>> -> memref<640x16xf32, #tpu.memory_space<vmem_shared>>
      %dma_start3A_69 = arith.constant 0 : i32
      %dma_start3A_70 = tpu.memref_slice %arg4[%mul3A_2, %dma_start3A_69] : memref<10240x16xf32, #tpu.memory_space<hbm>> -> memref<640x16xf32, #tpu.memory_space<hbm>>
      tpu.enqueue_dma source(%dma_start3A_70 : memref<640x16xf32, #tpu.memory_space<hbm>>) target(%dma_start3A_68 : memref<640x16xf32, #tpu.memory_space<vmem_shared>>) target_semaphore(%run_scoped3A_66 : memref<!tpu.dma_semaphore, #tpu.memory_space<semaphore_mem>>)
      %dma_wait3A_71 = arith.constant 0 : i32
      %dma_wait3A_72 = tpu.memref_slice %arg14[%mul3A_2, %dma_wait3A_71] : memref<10240x16xf32, #tpu.memory_space<vmem_shared>> -> memref<640x16xf32, #tpu.memory_space<vmem_shared>>
      %dma_wait3A_73 = arith.constant 0 : i32
      %dma_wait3A_74 = tpu.memref_slice %arg4[%mul3A_2, %dma_wait3A_73] : memref<10240x16xf32, #tpu.memory_space<hbm>> -> memref<640x16xf32, #tpu.memory_space<hbm>>
      tpu.wait_dma2 semaphore(%run_scoped3A_66 : memref<!tpu.dma_semaphore, #tpu.memory_space<semaphore_mem>>) src(%dma_wait3A_74 : memref<640x16xf32, #tpu.memory_space<hbm>>) dst(%dma_wait3A_72 : memref<640x16xf32, #tpu.memory_space<vmem_shared>>)
      tpu.yield
    }) : () -> ()
    %mul3A_3 = arith.constant 78 : i32
    %mul3A_4 = arith.muli %add3A, %mul3A_3 : i32
    %run_scoped3A = arith.constant 0 : i32
    "tpu.region"() ({
      %run_scoped3A_66 = tpu.sem_alloc : memref<!tpu.dma_semaphore, #tpu.memory_space<semaphore_mem>>
      %dma_start3A_67 = arith.constant 0 : i32
      %dma_start3A_68 = arith.constant 0 : i32
      %dma_start3A_69 = tpu.memref_slice %arg6[%dma_start3A_67, %dma_start3A_68] : memref<79x128xi32, #tpu.memory_space<vmem>> -> memref<78x128xi32, #tpu.memory_space<vmem>>
      %dma_start3A_70 = arith.constant 0 : i32
      %dma_start3A_71 = tpu.memref_slice %arg3[%run_scoped3A, %mul3A_4, %dma_start3A_70] : memref<2x2500x128xi32, #tpu.memory_space<hbm>> -> memref<1x78x128xi32, #tpu.memory_space<hbm>>
      %dma_start3A_72 = tpu.memref_squeeze %dma_start3A_71 : memref<1x78x128xi32, #tpu.memory_space<hbm>> -> memref<78x128xi32, #tpu.memory_space<hbm>>
      %dma_start3A_73 = arith.constant 0 : i32
      %dma_start3A_74 = arith.constant 0 : i32
      %dma_start3A_75 = tpu.memref_slice %arg6[%dma_start3A_73, %dma_start3A_74] : memref<79x128xi32, #tpu.memory_space<vmem>> -> memref<78x128xi32, #tpu.memory_space<vmem>>
      %dma_start3A_76 = arith.constant 0 : i32
      %dma_start3A_77 = tpu.memref_slice %arg3[%run_scoped3A, %mul3A_4, %dma_start3A_76] : memref<2x2500x128xi32, #tpu.memory_space<hbm>> -> memref<1x78x128xi32, #tpu.memory_space<hbm>>
      %dma_start3A_78 = tpu.memref_squeeze %dma_start3A_77 : memref<1x78x128xi32, #tpu.memory_space<hbm>> -> memref<78x128xi32, #tpu.memory_space<hbm>>
      tpu.enqueue_dma source(%dma_start3A_78 : memref<78x128xi32, #tpu.memory_space<hbm>>) target(%dma_start3A_75 : memref<78x128xi32, #tpu.memory_space<vmem>>) target_semaphore(%run_scoped3A_66 : memref<!tpu.dma_semaphore, #tpu.memory_space<semaphore_mem>>)
      %dma_wait3A_79 = arith.constant 0 : i32
      %dma_wait3A_80 = arith.constant 0 : i32
      %dma_wait3A_81 = tpu.memref_slice %arg6[%dma_wait3A_79, %dma_wait3A_80] : memref<79x128xi32, #tpu.memory_space<vmem>> -> memref<78x128xi32, #tpu.memory_space<vmem>>
      %dma_wait3A_82 = arith.constant 0 : i32
      %dma_wait3A_83 = tpu.memref_slice %arg3[%run_scoped3A, %mul3A_4, %dma_wait3A_82] : memref<2x2500x128xi32, #tpu.memory_space<hbm>> -> memref<1x78x128xi32, #tpu.memory_space<hbm>>
      %dma_wait3A_84 = tpu.memref_squeeze %dma_wait3A_83 : memref<1x78x128xi32, #tpu.memory_space<hbm>> -> memref<78x128xi32, #tpu.memory_space<hbm>>
      %dma_wait3A_85 = arith.constant 0 : i32
      %dma_wait3A_86 = arith.constant 0 : i32
      %dma_wait3A_87 = tpu.memref_slice %arg6[%dma_wait3A_85, %dma_wait3A_86] : memref<79x128xi32, #tpu.memory_space<vmem>> -> memref<78x128xi32, #tpu.memory_space<vmem>>
      %dma_wait3A_88 = arith.constant 0 : i32
      %dma_wait3A_89 = tpu.memref_slice %arg3[%run_scoped3A, %mul3A_4, %dma_wait3A_88] : memref<2x2500x128xi32, #tpu.memory_space<hbm>> -> memref<1x78x128xi32, #tpu.memory_space<hbm>>
      %dma_wait3A_90 = tpu.memref_squeeze %dma_wait3A_89 : memref<1x78x128xi32, #tpu.memory_space<hbm>> -> memref<78x128xi32, #tpu.memory_space<hbm>>
      tpu.wait_dma2 semaphore(%run_scoped3A_66 : memref<!tpu.dma_semaphore, #tpu.memory_space<semaphore_mem>>) src(%dma_wait3A_90 : memref<78x128xi32, #tpu.memory_space<hbm>>) dst(%dma_wait3A_87 : memref<78x128xi32, #tpu.memory_space<vmem>>)
      tpu.yield
    }) : () -> ()
    %run_scoped3A_5 = arith.constant 1 : i32
    "tpu.region"() ({
      %run_scoped3A_66 = tpu.sem_alloc : memref<!tpu.dma_semaphore, #tpu.memory_space<semaphore_mem>>
      %dma_start3A_67 = arith.constant 0 : i32
      %dma_start3A_68 = arith.constant 0 : i32
      %dma_start3A_69 = tpu.memref_slice %arg7[%dma_start3A_67, %dma_start3A_68] : memref<79x128xi32, #tpu.memory_space<vmem>> -> memref<78x128xi32, #tpu.memory_space<vmem>>
      %dma_start3A_70 = arith.constant 0 : i32
      %dma_start3A_71 = tpu.memref_slice %arg3[%run_scoped3A_5, %mul3A_4, %dma_start3A_70] : memref<2x2500x128xi32, #tpu.memory_space<hbm>> -> memref<1x78x128xi32, #tpu.memory_space<hbm>>
      %dma_start3A_72 = tpu.memref_squeeze %dma_start3A_71 : memref<1x78x128xi32, #tpu.memory_space<hbm>> -> memref<78x128xi32, #tpu.memory_space<hbm>>
      %dma_start3A_73 = arith.constant 0 : i32
      %dma_start3A_74 = arith.constant 0 : i32
      %dma_start3A_75 = tpu.memref_slice %arg7[%dma_start3A_73, %dma_start3A_74] : memref<79x128xi32, #tpu.memory_space<vmem>> -> memref<78x128xi32, #tpu.memory_space<vmem>>
      %dma_start3A_76 = arith.constant 0 : i32
      %dma_start3A_77 = tpu.memref_slice %arg3[%run_scoped3A_5, %mul3A_4, %dma_start3A_76] : memref<2x2500x128xi32, #tpu.memory_space<hbm>> -> memref<1x78x128xi32, #tpu.memory_space<hbm>>
      %dma_start3A_78 = tpu.memref_squeeze %dma_start3A_77 : memref<1x78x128xi32, #tpu.memory_space<hbm>> -> memref<78x128xi32, #tpu.memory_space<hbm>>
      tpu.enqueue_dma source(%dma_start3A_78 : memref<78x128xi32, #tpu.memory_space<hbm>>) target(%dma_start3A_75 : memref<78x128xi32, #tpu.memory_space<vmem>>) target_semaphore(%run_scoped3A_66 : memref<!tpu.dma_semaphore, #tpu.memory_space<semaphore_mem>>)
      %dma_wait3A_79 = arith.constant 0 : i32
      %dma_wait3A_80 = arith.constant 0 : i32
      %dma_wait3A_81 = tpu.memref_slice %arg7[%dma_wait3A_79, %dma_wait3A_80] : memref<79x128xi32, #tpu.memory_space<vmem>> -> memref<78x128xi32, #tpu.memory_space<vmem>>
      %dma_wait3A_82 = arith.constant 0 : i32
      %dma_wait3A_83 = tpu.memref_slice %arg3[%run_scoped3A_5, %mul3A_4, %dma_wait3A_82] : memref<2x2500x128xi32, #tpu.memory_space<hbm>> -> memref<1x78x128xi32, #tpu.memory_space<hbm>>
      %dma_wait3A_84 = tpu.memref_squeeze %dma_wait3A_83 : memref<1x78x128xi32, #tpu.memory_space<hbm>> -> memref<78x128xi32, #tpu.memory_space<hbm>>
      %dma_wait3A_85 = arith.constant 0 : i32
      %dma_wait3A_86 = arith.constant 0 : i32
      %dma_wait3A_87 = tpu.memref_slice %arg7[%dma_wait3A_85, %dma_wait3A_86] : memref<79x128xi32, #tpu.memory_space<vmem>> -> memref<78x128xi32, #tpu.memory_space<vmem>>
      %dma_wait3A_88 = arith.constant 0 : i32
      %dma_wait3A_89 = tpu.memref_slice %arg3[%run_scoped3A_5, %mul3A_4, %dma_wait3A_88] : memref<2x2500x128xi32, #tpu.memory_space<hbm>> -> memref<1x78x128xi32, #tpu.memory_space<hbm>>
      %dma_wait3A_90 = tpu.memref_squeeze %dma_wait3A_89 : memref<1x78x128xi32, #tpu.memory_space<hbm>> -> memref<78x128xi32, #tpu.memory_space<hbm>>
      tpu.wait_dma2 semaphore(%run_scoped3A_66 : memref<!tpu.dma_semaphore, #tpu.memory_space<semaphore_mem>>) src(%dma_wait3A_90 : memref<78x128xi32, #tpu.memory_space<hbm>>) dst(%dma_wait3A_87 : memref<78x128xi32, #tpu.memory_space<vmem>>)
      tpu.yield
    }) : () -> ()
    %lt3A = arith.constant 4 : i32
    %lt3A_6 = arith.cmpi slt, %add3A, %lt3A : i32
    %convert_element_type3A = arith.extui %lt3A_6 : i1 to i32
    %cond3A = arith.constant 0 : i32
    %cond3A_7 = arith.cmpi ne, %convert_element_type3A, %cond3A : i32
    scf.if %cond3A_7 {
      %add3A_66 = arith.constant 2496 : i32
      %add3A_67 = arith.addi %add3A_66, %add3A : i32
      %run_scoped3A_68 = arith.constant 0 : i32
      %run_scoped3A_69 = arith.constant 78 : i32
      "tpu.region"() ({
        %run_scoped3A_74 = tpu.sem_alloc : memref<!tpu.dma_semaphore, #tpu.memory_space<semaphore_mem>>
        %dma_start3A_75 = arith.constant 0 : i32
        %dma_start3A_76 = tpu.memref_slice %arg6[%run_scoped3A_69, %dma_start3A_75] : memref<79x128xi32, #tpu.memory_space<vmem>> -> memref<1x128xi32, #tpu.memory_space<vmem>>
        %dma_start3A_77 = tpu.memref_squeeze %dma_start3A_76 : memref<1x128xi32, #tpu.memory_space<vmem>> -> memref<128xi32, #tpu.memory_space<vmem>>
        %dma_start3A_78 = arith.constant 0 : i32
        %dma_start3A_79 = tpu.memref_slice %arg3[%run_scoped3A_68, %add3A_67, %dma_start3A_78] : memref<2x2500x128xi32, #tpu.memory_space<hbm>> -> memref<1x1x128xi32, #tpu.memory_space<hbm>>
        %dma_start3A_80 = tpu.memref_squeeze %dma_start3A_79 : memref<1x1x128xi32, #tpu.memory_space<hbm>> -> memref<128xi32, #tpu.memory_space<hbm>>
        %dma_start3A_81 = arith.constant 0 : i32
        %dma_start3A_82 = tpu.memref_slice %arg6[%run_scoped3A_69, %dma_start3A_81] : memref<79x128xi32, #tpu.memory_space<vmem>> -> memref<1x128xi32, #tpu.memory_space<vmem>>
        %dma_start3A_83 = tpu.memref_squeeze %dma_start3A_82 : memref<1x128xi32, #tpu.memory_space<vmem>> -> memref<128xi32, #tpu.memory_space<vmem>>
        %dma_start3A_84 = arith.constant 0 : i32
        %dma_start3A_85 = tpu.memref_slice %arg3[%run_scoped3A_68, %add3A_67, %dma_start3A_84] : memref<2x2500x128xi32, #tpu.memory_space<hbm>> -> memref<1x1x128xi32, #tpu.memory_space<hbm>>
        %dma_start3A_86 = tpu.memref_squeeze %dma_start3A_85 : memref<1x1x128xi32, #tpu.memory_space<hbm>> -> memref<128xi32, #tpu.memory_space<hbm>>
        tpu.enqueue_dma source(%dma_start3A_86 : memref<128xi32, #tpu.memory_space<hbm>>) target(%dma_start3A_83 : memref<128xi32, #tpu.memory_space<vmem>>) target_semaphore(%run_scoped3A_74 : memref<!tpu.dma_semaphore, #tpu.memory_space<semaphore_mem>>)
        %dma_wait3A_87 = arith.constant 0 : i32
        %dma_wait3A_88 = tpu.memref_slice %arg6[%run_scoped3A_69, %dma_wait3A_87] : memref<79x128xi32, #tpu.memory_space<vmem>> -> memref<1x128xi32, #tpu.memory_space<vmem>>
        %dma_wait3A_89 = tpu.memref_squeeze %dma_wait3A_88 : memref<1x128xi32, #tpu.memory_space<vmem>> -> memref<128xi32, #tpu.memory_space<vmem>>
        %dma_wait3A_90 = arith.constant 0 : i32
        %dma_wait3A_91 = tpu.memref_slice %arg3[%run_scoped3A_68, %add3A_67, %dma_wait3A_90] : memref<2x2500x128xi32, #tpu.memory_space<hbm>> -> memref<1x1x128xi32, #tpu.memory_space<hbm>>
        %dma_wait3A_92 = tpu.memref_squeeze %dma_wait3A_91 : memref<1x1x128xi32, #tpu.memory_space<hbm>> -> memref<128xi32, #tpu.memory_space<hbm>>
        %dma_wait3A_93 = arith.constant 0 : i32
        %dma_wait3A_94 = tpu.memref_slice %arg6[%run_scoped3A_69, %dma_wait3A_93] : memref<79x128xi32, #tpu.memory_space<vmem>> -> memref<1x128xi32, #tpu.memory_space<vmem>>
        %dma_wait3A_95 = tpu.memref_squeeze %dma_wait3A_94 : memref<1x128xi32, #tpu.memory_space<vmem>> -> memref<128xi32, #tpu.memory_space<vmem>>
        %dma_wait3A_96 = arith.constant 0 : i32
        %dma_wait3A_97 = tpu.memref_slice %arg3[%run_scoped3A_68, %add3A_67, %dma_wait3A_96] : memref<2x2500x128xi32, #tpu.memory_space<hbm>> -> memref<1x1x128xi32, #tpu.memory_space<hbm>>
        %dma_wait3A_98 = tpu.memref_squeeze %dma_wait3A_97 : memref<1x1x128xi32, #tpu.memory_space<hbm>> -> memref<128xi32, #tpu.memory_space<hbm>>
        tpu.wait_dma2 semaphore(%run_scoped3A_74 : memref<!tpu.dma_semaphore, #tpu.memory_space<semaphore_mem>>) src(%dma_wait3A_98 : memref<128xi32, #tpu.memory_space<hbm>>) dst(%dma_wait3A_95 : memref<128xi32, #tpu.memory_space<vmem>>)
        tpu.yield
      }) : () -> ()
      %add3A_70 = arith.constant 2496 : i32
      %add3A_71 = arith.addi %add3A_70, %add3A : i32
      %run_scoped3A_72 = arith.constant 1 : i32
      %run_scoped3A_73 = arith.constant 78 : i32
      "tpu.region"() ({
        %run_scoped3A_74 = tpu.sem_alloc : memref<!tpu.dma_semaphore, #tpu.memory_space<semaphore_mem>>
        %dma_start3A_75 = arith.constant 0 : i32
        %dma_start3A_76 = tpu.memref_slice %arg7[%run_scoped3A_73, %dma_start3A_75] : memref<79x128xi32, #tpu.memory_space<vmem>> -> memref<1x128xi32, #tpu.memory_space<vmem>>
        %dma_start3A_77 = tpu.memref_squeeze %dma_start3A_76 : memref<1x128xi32, #tpu.memory_space<vmem>> -> memref<128xi32, #tpu.memory_space<vmem>>
        %dma_start3A_78 = arith.constant 0 : i32
        %dma_start3A_79 = tpu.memref_slice %arg3[%run_scoped3A_72, %add3A_71, %dma_start3A_78] : memref<2x2500x128xi32, #tpu.memory_space<hbm>> -> memref<1x1x128xi32, #tpu.memory_space<hbm>>
        %dma_start3A_80 = tpu.memref_squeeze %dma_start3A_79 : memref<1x1x128xi32, #tpu.memory_space<hbm>> -> memref<128xi32, #tpu.memory_space<hbm>>
        %dma_start3A_81 = arith.constant 0 : i32
        %dma_start3A_82 = tpu.memref_slice %arg7[%run_scoped3A_73, %dma_start3A_81] : memref<79x128xi32, #tpu.memory_space<vmem>> -> memref<1x128xi32, #tpu.memory_space<vmem>>
        %dma_start3A_83 = tpu.memref_squeeze %dma_start3A_82 : memref<1x128xi32, #tpu.memory_space<vmem>> -> memref<128xi32, #tpu.memory_space<vmem>>
        %dma_start3A_84 = arith.constant 0 : i32
        %dma_start3A_85 = tpu.memref_slice %arg3[%run_scoped3A_72, %add3A_71, %dma_start3A_84] : memref<2x2500x128xi32, #tpu.memory_space<hbm>> -> memref<1x1x128xi32, #tpu.memory_space<hbm>>
        %dma_start3A_86 = tpu.memref_squeeze %dma_start3A_85 : memref<1x1x128xi32, #tpu.memory_space<hbm>> -> memref<128xi32, #tpu.memory_space<hbm>>
        tpu.enqueue_dma source(%dma_start3A_86 : memref<128xi32, #tpu.memory_space<hbm>>) target(%dma_start3A_83 : memref<128xi32, #tpu.memory_space<vmem>>) target_semaphore(%run_scoped3A_74 : memref<!tpu.dma_semaphore, #tpu.memory_space<semaphore_mem>>)
        %dma_wait3A_87 = arith.constant 0 : i32
        %dma_wait3A_88 = tpu.memref_slice %arg7[%run_scoped3A_73, %dma_wait3A_87] : memref<79x128xi32, #tpu.memory_space<vmem>> -> memref<1x128xi32, #tpu.memory_space<vmem>>
        %dma_wait3A_89 = tpu.memref_squeeze %dma_wait3A_88 : memref<1x128xi32, #tpu.memory_space<vmem>> -> memref<128xi32, #tpu.memory_space<vmem>>
        %dma_wait3A_90 = arith.constant 0 : i32
        %dma_wait3A_91 = tpu.memref_slice %arg3[%run_scoped3A_72, %add3A_71, %dma_wait3A_90] : memref<2x2500x128xi32, #tpu.memory_space<hbm>> -> memref<1x1x128xi32, #tpu.memory_space<hbm>>
        %dma_wait3A_92 = tpu.memref_squeeze %dma_wait3A_91 : memref<1x1x128xi32, #tpu.memory_space<hbm>> -> memref<128xi32, #tpu.memory_space<hbm>>
        %dma_wait3A_93 = arith.constant 0 : i32
        %dma_wait3A_94 = tpu.memref_slice %arg7[%run_scoped3A_73, %dma_wait3A_93] : memref<79x128xi32, #tpu.memory_space<vmem>> -> memref<1x128xi32, #tpu.memory_space<vmem>>
        %dma_wait3A_95 = tpu.memref_squeeze %dma_wait3A_94 : memref<1x128xi32, #tpu.memory_space<vmem>> -> memref<128xi32, #tpu.memory_space<vmem>>
        %dma_wait3A_96 = arith.constant 0 : i32
        %dma_wait3A_97 = tpu.memref_slice %arg3[%run_scoped3A_72, %add3A_71, %dma_wait3A_96] : memref<2x2500x128xi32, #tpu.memory_space<hbm>> -> memref<1x1x128xi32, #tpu.memory_space<hbm>>
        %dma_wait3A_98 = tpu.memref_squeeze %dma_wait3A_97 : memref<1x1x128xi32, #tpu.memory_space<hbm>> -> memref<128xi32, #tpu.memory_space<hbm>>
        tpu.wait_dma2 semaphore(%run_scoped3A_74 : memref<!tpu.dma_semaphore, #tpu.memory_space<semaphore_mem>>) src(%dma_wait3A_98 : memref<128xi32, #tpu.memory_space<hbm>>) dst(%dma_wait3A_95 : memref<128xi32, #tpu.memory_space<vmem>>)
        tpu.yield
      }) : () -> ()
    } else {
    }
    %barrier3A = arith.constant 0 : index
    tpu.barrier barrier_id(%barrier3A)
    %dma_start3A = arith.constant 0 : i32
    %dma_start3A_8 = arith.constant 0 : i32
    %dma_start3A_9 = tpu.memref_slice %arg6[%dma_start3A, %dma_start3A_8] : memref<79x128xi32, #tpu.memory_space<vmem>> -> memref<1x128xi32, #tpu.memory_space<vmem>>
    %dma_start3A_10 = tpu.memref_squeeze %dma_start3A_9 : memref<1x128xi32, #tpu.memory_space<vmem>> -> memref<128xi32, #tpu.memory_space<vmem>>
    %dma_start3A_11 = arith.constant 0 : i32
    %dma_start3A_12 = arith.constant 0 : i32
    %dma_start3A_13 = tpu.memref_slice %arg2[%dma_start3A_11, %dma_start3A_12] : memref<10000x16xf32, #tpu.memory_space<hbm>> -> memref<10000x16xf32, #tpu.memory_space<hbm>>
    tpu.enqueue_indirect_dma source(%dma_start3A_13 : memref<10000x16xf32, #tpu.memory_space<hbm>>) target(%arg8 : memref<128x16xf32, #tpu.memory_space<vmem>>) offsets(%dma_start3A_10 : memref<128xi32, #tpu.memory_space<vmem>>) semaphore(%arg15 : memref<!tpu.dma_semaphore, #tpu.memory_space<semaphore_mem>>)
    %dma_start3A_14 = arith.constant 1 : i32
    %dma_start3A_15 = arith.constant 0 : i32
    %dma_start3A_16 = tpu.memref_slice %arg6[%dma_start3A_14, %dma_start3A_15] : memref<79x128xi32, #tpu.memory_space<vmem>> -> memref<1x128xi32, #tpu.memory_space<vmem>>
    %dma_start3A_17 = tpu.memref_squeeze %dma_start3A_16 : memref<1x128xi32, #tpu.memory_space<vmem>> -> memref<128xi32, #tpu.memory_space<vmem>>
    %dma_start3A_18 = arith.constant 0 : i32
    %dma_start3A_19 = arith.constant 0 : i32
    %dma_start3A_20 = tpu.memref_slice %arg2[%dma_start3A_18, %dma_start3A_19] : memref<10000x16xf32, #tpu.memory_space<hbm>> -> memref<10000x16xf32, #tpu.memory_space<hbm>>
    tpu.enqueue_indirect_dma source(%dma_start3A_20 : memref<10000x16xf32, #tpu.memory_space<hbm>>) target(%arg9 : memref<128x16xf32, #tpu.memory_space<vmem>>) offsets(%dma_start3A_17 : memref<128xi32, #tpu.memory_space<vmem>>) semaphore(%arg16 : memref<!tpu.dma_semaphore, #tpu.memory_space<semaphore_mem>>)
    %dma_start3A_21 = arith.constant 2 : i32
    %dma_start3A_22 = arith.constant 0 : i32
    %dma_start3A_23 = tpu.memref_slice %arg6[%dma_start3A_21, %dma_start3A_22] : memref<79x128xi32, #tpu.memory_space<vmem>> -> memref<1x128xi32, #tpu.memory_space<vmem>>
    %dma_start3A_24 = tpu.memref_squeeze %dma_start3A_23 : memref<1x128xi32, #tpu.memory_space<vmem>> -> memref<128xi32, #tpu.memory_space<vmem>>
    %dma_start3A_25 = arith.constant 0 : i32
    %dma_start3A_26 = arith.constant 0 : i32
    %dma_start3A_27 = tpu.memref_slice %arg2[%dma_start3A_25, %dma_start3A_26] : memref<10000x16xf32, #tpu.memory_space<hbm>> -> memref<10000x16xf32, #tpu.memory_space<hbm>>
    tpu.enqueue_indirect_dma source(%dma_start3A_27 : memref<10000x16xf32, #tpu.memory_space<hbm>>) target(%arg10 : memref<128x16xf32, #tpu.memory_space<vmem>>) offsets(%dma_start3A_24 : memref<128xi32, #tpu.memory_space<vmem>>) semaphore(%arg17 : memref<!tpu.dma_semaphore, #tpu.memory_space<semaphore_mem>>)
    %dma_start3A_28 = arith.constant 3 : i32
    %dma_start3A_29 = arith.constant 0 : i32
    %dma_start3A_30 = tpu.memref_slice %arg6[%dma_start3A_28, %dma_start3A_29] : memref<79x128xi32, #tpu.memory_space<vmem>> -> memref<1x128xi32, #tpu.memory_space<vmem>>
    %dma_start3A_31 = tpu.memref_squeeze %dma_start3A_30 : memref<1x128xi32, #tpu.memory_space<vmem>> -> memref<128xi32, #tpu.memory_space<vmem>>
    %dma_start3A_32 = arith.constant 0 : i32
    %dma_start3A_33 = arith.constant 0 : i32
    %dma_start3A_34 = tpu.memref_slice %arg2[%dma_start3A_32, %dma_start3A_33] : memref<10000x16xf32, #tpu.memory_space<hbm>> -> memref<10000x16xf32, #tpu.memory_space<hbm>>
    tpu.enqueue_indirect_dma source(%dma_start3A_34 : memref<10000x16xf32, #tpu.memory_space<hbm>>) target(%arg11 : memref<128x16xf32, #tpu.memory_space<vmem>>) offsets(%dma_start3A_31 : memref<128xi32, #tpu.memory_space<vmem>>) semaphore(%arg18 : memref<!tpu.dma_semaphore, #tpu.memory_space<semaphore_mem>>)
    %dma_start3A_35 = arith.constant 4 : i32
    %dma_start3A_36 = arith.constant 0 : i32
    %dma_start3A_37 = tpu.memref_slice %arg6[%dma_start3A_35, %dma_start3A_36] : memref<79x128xi32, #tpu.memory_space<vmem>> -> memref<1x128xi32, #tpu.memory_space<vmem>>
    %dma_start3A_38 = tpu.memref_squeeze %dma_start3A_37 : memref<1x128xi32, #tpu.memory_space<vmem>> -> memref<128xi32, #tpu.memory_space<vmem>>
    %dma_start3A_39 = arith.constant 0 : i32
    %dma_start3A_40 = arith.constant 0 : i32
    %dma_start3A_41 = tpu.memref_slice %arg2[%dma_start3A_39, %dma_start3A_40] : memref<10000x16xf32, #tpu.memory_space<hbm>> -> memref<10000x16xf32, #tpu.memory_space<hbm>>
    tpu.enqueue_indirect_dma source(%dma_start3A_41 : memref<10000x16xf32, #tpu.memory_space<hbm>>) target(%arg12 : memref<128x16xf32, #tpu.memory_space<vmem>>) offsets(%dma_start3A_38 : memref<128xi32, #tpu.memory_space<vmem>>) semaphore(%arg19 : memref<!tpu.dma_semaphore, #tpu.memory_space<semaphore_mem>>)
    %dma_start3A_42 = arith.constant 5 : i32
    %dma_start3A_43 = arith.constant 0 : i32
    %dma_start3A_44 = tpu.memref_slice %arg6[%dma_start3A_42, %dma_start3A_43] : memref<79x128xi32, #tpu.memory_space<vmem>> -> memref<1x128xi32, #tpu.memory_space<vmem>>
    %dma_start3A_45 = tpu.memref_squeeze %dma_start3A_44 : memref<1x128xi32, #tpu.memory_space<vmem>> -> memref<128xi32, #tpu.memory_space<vmem>>
    %dma_start3A_46 = arith.constant 0 : i32
    %dma_start3A_47 = arith.constant 0 : i32
    %dma_start3A_48 = tpu.memref_slice %arg2[%dma_start3A_46, %dma_start3A_47] : memref<10000x16xf32, #tpu.memory_space<hbm>> -> memref<10000x16xf32, #tpu.memory_space<hbm>>
    tpu.enqueue_indirect_dma source(%dma_start3A_48 : memref<10000x16xf32, #tpu.memory_space<hbm>>) target(%arg13 : memref<128x16xf32, #tpu.memory_space<vmem>>) offsets(%dma_start3A_45 : memref<128xi32, #tpu.memory_space<vmem>>) semaphore(%arg20 : memref<!tpu.dma_semaphore, #tpu.memory_space<semaphore_mem>>)
    %scan3A = arith.constant 0 : i32
    %scan3A_49 = arith.constant 0 : i32
    %scan3A_50 = arith.constant 13 : i32
    %scan3A_51 = arith.addi %scan3A_49, %scan3A_50 : i32
    %scan3A_52 = arith.constant 1 : i32
    scf.for %scan3A_66 = %scan3A_49 to %scan3A_51 step %scan3A_52  : i32 {
      %mul3A_67 = arith.constant 6 : i32
      %mul3A_68 = arith.muli %mul3A_67, %scan3A_66 : i32
      %add3A_69 = arith.constant 0 : i32
      %add3A_70 = arith.addi %mul3A_68, %add3A_69 : i32
      %sub3A = arith.constant 1 : i32
      %sub3A_71 = arith.subi %add3A_70, %sub3A : i32
      %dma_wait3A_72 = arith.constant 0 : i32
      %dma_wait3A_73 = tpu.memref_slice %arg6[%add3A_70, %dma_wait3A_72] : memref<79x128xi32, #tpu.memory_space<vmem>> -> memref<1x128xi32, #tpu.memory_space<vmem>>
      %dma_wait3A_74 = tpu.memref_squeeze %dma_wait3A_73 : memref<1x128xi32, #tpu.memory_space<vmem>> -> memref<128xi32, #tpu.memory_space<vmem>>
      %dma_wait3A_75 = arith.constant 0 : i32
      %dma_wait3A_76 = arith.constant 0 : i32
      %dma_wait3A_77 = tpu.memref_slice %arg2[%dma_wait3A_75, %dma_wait3A_76] : memref<10000x16xf32, #tpu.memory_space<hbm>> -> memref<10000x16xf32, #tpu.memory_space<hbm>>
      tpu.wait_indirect_dma semaphore(%arg15 : memref<!tpu.dma_semaphore, #tpu.memory_space<semaphore_mem>>) src(%dma_wait3A_77 : memref<10000x16xf32, #tpu.memory_space<hbm>>) dst(%arg8 : memref<128x16xf32, #tpu.memory_space<vmem>>)
      %dma_start3A_78 = arith.constant 0 : i32
      %dma_start3A_79 = tpu.memref_slice %arg7[%add3A_70, %dma_start3A_78] : memref<79x128xi32, #tpu.memory_space<vmem>> -> memref<1x128xi32, #tpu.memory_space<vmem>>
      %dma_start3A_80 = tpu.memref_squeeze %dma_start3A_79 : memref<1x128xi32, #tpu.memory_space<vmem>> -> memref<128xi32, #tpu.memory_space<vmem>>
      %dma_start3A_81 = arith.constant 0 : i32
      %dma_start3A_82 = arith.constant 0 : i32
      %dma_start3A_83 = tpu.memref_slice %arg14[%dma_start3A_81, %dma_start3A_82] : memref<10240x16xf32, #tpu.memory_space<vmem_shared>> -> memref<10240x16xf32, #tpu.memory_space<vmem_shared>>
      tpu.enqueue_indirect_dma source(%arg8 : memref<128x16xf32, #tpu.memory_space<vmem>>) target(%dma_start3A_83 : memref<10240x16xf32, #tpu.memory_space<vmem_shared>>) offsets(%dma_start3A_80 : memref<128xi32, #tpu.memory_space<vmem>>) semaphore(%arg21 : memref<!tpu.dma_semaphore, #tpu.memory_space<semaphore_mem>>) {add = true}
      %ge3A = arith.constant 0 : i32
      %ge3A_84 = arith.cmpi sge, %sub3A_71, %ge3A : i32
      %convert_element_type3A_85 = arith.extui %ge3A_84 : i1 to i32
      %cond3A_86 = arith.constant 0 : i32
      %cond3A_87 = arith.cmpi ne, %convert_element_type3A_85, %cond3A_86 : i32
      scf.if %cond3A_87 {
        %dma_wait3A_203 = arith.constant 0 : i32
        %dma_wait3A_204 = tpu.memref_slice %arg7[%sub3A_71, %dma_wait3A_203] : memref<79x128xi32, #tpu.memory_space<vmem>> -> memref<1x128xi32, #tpu.memory_space<vmem>>
        %dma_wait3A_205 = tpu.memref_squeeze %dma_wait3A_204 : memref<1x128xi32, #tpu.memory_space<vmem>> -> memref<128xi32, #tpu.memory_space<vmem>>
        %dma_wait3A_206 = arith.constant 0 : i32
        %dma_wait3A_207 = arith.constant 0 : i32
        %dma_wait3A_208 = tpu.memref_slice %arg14[%dma_wait3A_206, %dma_wait3A_207] : memref<10240x16xf32, #tpu.memory_space<vmem_shared>> -> memref<10240x16xf32, #tpu.memory_space<vmem_shared>>
        tpu.wait_indirect_dma semaphore(%arg26 : memref<!tpu.dma_semaphore, #tpu.memory_space<semaphore_mem>>) src(%arg13 : memref<128x16xf32, #tpu.memory_space<vmem>>) dst(%dma_wait3A_208 : memref<10240x16xf32, #tpu.memory_space<vmem_shared>>)
        %add3A_209 = arith.constant 6 : i32
        %add3A_210 = arith.addi %sub3A_71, %add3A_209 : i32
        %lt3A_211 = arith.constant 78 : i32
        %lt3A_212 = arith.cmpi slt, %add3A_210, %lt3A_211 : i32
        %convert_element_type3A_213 = arith.extui %lt3A_212 : i1 to i32
        %cond3A_214 = arith.constant 0 : i32
        %cond3A_215 = arith.cmpi ne, %convert_element_type3A_213, %cond3A_214 : i32
        scf.if %cond3A_215 {
          %add3A_216 = arith.constant 6 : i32
          %add3A_217 = arith.addi %sub3A_71, %add3A_216 : i32
          %dma_start3A_218 = arith.constant 0 : i32
          %dma_start3A_219 = tpu.memref_slice %arg6[%add3A_217, %dma_start3A_218] : memref<79x128xi32, #tpu.memory_space<vmem>> -> memref<1x128xi32, #tpu.memory_space<vmem>>
          %dma_start3A_220 = tpu.memref_squeeze %dma_start3A_219 : memref<1x128xi32, #tpu.memory_space<vmem>> -> memref<128xi32, #tpu.memory_space<vmem>>
          %dma_start3A_221 = arith.constant 0 : i32
          %dma_start3A_222 = arith.constant 0 : i32
          %dma_start3A_223 = tpu.memref_slice %arg2[%dma_start3A_221, %dma_start3A_222] : memref<10000x16xf32, #tpu.memory_space<hbm>> -> memref<10000x16xf32, #tpu.memory_space<hbm>>
          tpu.enqueue_indirect_dma source(%dma_start3A_223 : memref<10000x16xf32, #tpu.memory_space<hbm>>) target(%arg13 : memref<128x16xf32, #tpu.memory_space<vmem>>) offsets(%dma_start3A_220 : memref<128xi32, #tpu.memory_space<vmem>>) semaphore(%arg20 : memref<!tpu.dma_semaphore, #tpu.memory_space<semaphore_mem>>)
        } else {
        }
      } else {
      }
      %mul3A_88 = arith.constant 6 : i32
      %mul3A_89 = arith.muli %mul3A_88, %scan3A_66 : i32
      %add3A_90 = arith.constant 1 : i32
      %add3A_91 = arith.addi %mul3A_89, %add3A_90 : i32
      %sub3A_92 = arith.constant 1 : i32
      %sub3A_93 = arith.subi %add3A_91, %sub3A_92 : i32
      %dma_wait3A_94 = arith.constant 0 : i32
      %dma_wait3A_95 = tpu.memref_slice %arg6[%add3A_91, %dma_wait3A_94] : memref<79x128xi32, #tpu.memory_space<vmem>> -> memref<1x128xi32, #tpu.memory_space<vmem>>
      %dma_wait3A_96 = tpu.memref_squeeze %dma_wait3A_95 : memref<1x128xi32, #tpu.memory_space<vmem>> -> memref<128xi32, #tpu.memory_space<vmem>>
      %dma_wait3A_97 = arith.constant 0 : i32
      %dma_wait3A_98 = arith.constant 0 : i32
      %dma_wait3A_99 = tpu.memref_slice %arg2[%dma_wait3A_97, %dma_wait3A_98] : memref<10000x16xf32, #tpu.memory_space<hbm>> -> memref<10000x16xf32, #tpu.memory_space<hbm>>
      tpu.wait_indirect_dma semaphore(%arg16 : memref<!tpu.dma_semaphore, #tpu.memory_space<semaphore_mem>>) src(%dma_wait3A_99 : memref<10000x16xf32, #tpu.memory_space<hbm>>) dst(%arg9 : memref<128x16xf32, #tpu.memory_space<vmem>>)
      %dma_start3A_100 = arith.constant 0 : i32
      %dma_start3A_101 = tpu.memref_slice %arg7[%add3A_91, %dma_start3A_100] : memref<79x128xi32, #tpu.memory_space<vmem>> -> memref<1x128xi32, #tpu.memory_space<vmem>>
      %dma_start3A_102 = tpu.memref_squeeze %dma_start3A_101 : memref<1x128xi32, #tpu.memory_space<vmem>> -> memref<128xi32, #tpu.memory_space<vmem>>
      %dma_start3A_103 = arith.constant 0 : i32
      %dma_start3A_104 = arith.constant 0 : i32
      %dma_start3A_105 = tpu.memref_slice %arg14[%dma_start3A_103, %dma_start3A_104] : memref<10240x16xf32, #tpu.memory_space<vmem_shared>> -> memref<10240x16xf32, #tpu.memory_space<vmem_shared>>
      tpu.enqueue_indirect_dma source(%arg9 : memref<128x16xf32, #tpu.memory_space<vmem>>) target(%dma_start3A_105 : memref<10240x16xf32, #tpu.memory_space<vmem_shared>>) offsets(%dma_start3A_102 : memref<128xi32, #tpu.memory_space<vmem>>) semaphore(%arg22 : memref<!tpu.dma_semaphore, #tpu.memory_space<semaphore_mem>>) {add = true}
      %ge3A_106 = arith.constant 0 : i32
      %ge3A_107 = arith.cmpi sge, %sub3A_93, %ge3A_106 : i32
      %convert_element_type3A_108 = arith.extui %ge3A_107 : i1 to i32
      %cond3A_109 = arith.constant 0 : i32
      %cond3A_110 = arith.cmpi ne, %convert_element_type3A_108, %cond3A_109 : i32
      scf.if %cond3A_110 {
        %dma_wait3A_203 = arith.constant 0 : i32
        %dma_wait3A_204 = tpu.memref_slice %arg7[%sub3A_93, %dma_wait3A_203] : memref<79x128xi32, #tpu.memory_space<vmem>> -> memref<1x128xi32, #tpu.memory_space<vmem>>
        %dma_wait3A_205 = tpu.memref_squeeze %dma_wait3A_204 : memref<1x128xi32, #tpu.memory_space<vmem>> -> memref<128xi32, #tpu.memory_space<vmem>>
        %dma_wait3A_206 = arith.constant 0 : i32
        %dma_wait3A_207 = arith.constant 0 : i32
        %dma_wait3A_208 = tpu.memref_slice %arg14[%dma_wait3A_206, %dma_wait3A_207] : memref<10240x16xf32, #tpu.memory_space<vmem_shared>> -> memref<10240x16xf32, #tpu.memory_space<vmem_shared>>
        tpu.wait_indirect_dma semaphore(%arg21 : memref<!tpu.dma_semaphore, #tpu.memory_space<semaphore_mem>>) src(%arg8 : memref<128x16xf32, #tpu.memory_space<vmem>>) dst(%dma_wait3A_208 : memref<10240x16xf32, #tpu.memory_space<vmem_shared>>)
        %add3A_209 = arith.constant 6 : i32
        %add3A_210 = arith.addi %sub3A_93, %add3A_209 : i32
        %lt3A_211 = arith.constant 78 : i32
        %lt3A_212 = arith.cmpi slt, %add3A_210, %lt3A_211 : i32
        %convert_element_type3A_213 = arith.extui %lt3A_212 : i1 to i32
        %cond3A_214 = arith.constant 0 : i32
        %cond3A_215 = arith.cmpi ne, %convert_element_type3A_213, %cond3A_214 : i32
        scf.if %cond3A_215 {
          %add3A_216 = arith.constant 6 : i32
          %add3A_217 = arith.addi %sub3A_93, %add3A_216 : i32
          %dma_start3A_218 = arith.constant 0 : i32
          %dma_start3A_219 = tpu.memref_slice %arg6[%add3A_217, %dma_start3A_218] : memref<79x128xi32, #tpu.memory_space<vmem>> -> memref<1x128xi32, #tpu.memory_space<vmem>>
          %dma_start3A_220 = tpu.memref_squeeze %dma_start3A_219 : memref<1x128xi32, #tpu.memory_space<vmem>> -> memref<128xi32, #tpu.memory_space<vmem>>
          %dma_start3A_221 = arith.constant 0 : i32
          %dma_start3A_222 = arith.constant 0 : i32
          %dma_start3A_223 = tpu.memref_slice %arg2[%dma_start3A_221, %dma_start3A_222] : memref<10000x16xf32, #tpu.memory_space<hbm>> -> memref<10000x16xf32, #tpu.memory_space<hbm>>
          tpu.enqueue_indirect_dma source(%dma_start3A_223 : memref<10000x16xf32, #tpu.memory_space<hbm>>) target(%arg8 : memref<128x16xf32, #tpu.memory_space<vmem>>) offsets(%dma_start3A_220 : memref<128xi32, #tpu.memory_space<vmem>>) semaphore(%arg15 : memref<!tpu.dma_semaphore, #tpu.memory_space<semaphore_mem>>)
        } else {
        }
      } else {
      }
      %mul3A_111 = arith.constant 6 : i32
      %mul3A_112 = arith.muli %mul3A_111, %scan3A_66 : i32
      %add3A_113 = arith.constant 2 : i32
      %add3A_114 = arith.addi %mul3A_112, %add3A_113 : i32
      %sub3A_115 = arith.constant 1 : i32
      %sub3A_116 = arith.subi %add3A_114, %sub3A_115 : i32
      %dma_wait3A_117 = arith.constant 0 : i32
      %dma_wait3A_118 = tpu.memref_slice %arg6[%add3A_114, %dma_wait3A_117] : memref<79x128xi32, #tpu.memory_space<vmem>> -> memref<1x128xi32, #tpu.memory_space<vmem>>
      %dma_wait3A_119 = tpu.memref_squeeze %dma_wait3A_118 : memref<1x128xi32, #tpu.memory_space<vmem>> -> memref<128xi32, #tpu.memory_space<vmem>>
      %dma_wait3A_120 = arith.constant 0 : i32
      %dma_wait3A_121 = arith.constant 0 : i32
      %dma_wait3A_122 = tpu.memref_slice %arg2[%dma_wait3A_120, %dma_wait3A_121] : memref<10000x16xf32, #tpu.memory_space<hbm>> -> memref<10000x16xf32, #tpu.memory_space<hbm>>
      tpu.wait_indirect_dma semaphore(%arg17 : memref<!tpu.dma_semaphore, #tpu.memory_space<semaphore_mem>>) src(%dma_wait3A_122 : memref<10000x16xf32, #tpu.memory_space<hbm>>) dst(%arg10 : memref<128x16xf32, #tpu.memory_space<vmem>>)
      %dma_start3A_123 = arith.constant 0 : i32
      %dma_start3A_124 = tpu.memref_slice %arg7[%add3A_114, %dma_start3A_123] : memref<79x128xi32, #tpu.memory_space<vmem>> -> memref<1x128xi32, #tpu.memory_space<vmem>>
      %dma_start3A_125 = tpu.memref_squeeze %dma_start3A_124 : memref<1x128xi32, #tpu.memory_space<vmem>> -> memref<128xi32, #tpu.memory_space<vmem>>
      %dma_start3A_126 = arith.constant 0 : i32
      %dma_start3A_127 = arith.constant 0 : i32
      %dma_start3A_128 = tpu.memref_slice %arg14[%dma_start3A_126, %dma_start3A_127] : memref<10240x16xf32, #tpu.memory_space<vmem_shared>> -> memref<10240x16xf32, #tpu.memory_space<vmem_shared>>
      tpu.enqueue_indirect_dma source(%arg10 : memref<128x16xf32, #tpu.memory_space<vmem>>) target(%dma_start3A_128 : memref<10240x16xf32, #tpu.memory_space<vmem_shared>>) offsets(%dma_start3A_125 : memref<128xi32, #tpu.memory_space<vmem>>) semaphore(%arg23 : memref<!tpu.dma_semaphore, #tpu.memory_space<semaphore_mem>>) {add = true}
      %ge3A_129 = arith.constant 0 : i32
      %ge3A_130 = arith.cmpi sge, %sub3A_116, %ge3A_129 : i32
      %convert_element_type3A_131 = arith.extui %ge3A_130 : i1 to i32
      %cond3A_132 = arith.constant 0 : i32
      %cond3A_133 = arith.cmpi ne, %convert_element_type3A_131, %cond3A_132 : i32
      scf.if %cond3A_133 {
        %dma_wait3A_203 = arith.constant 0 : i32
        %dma_wait3A_204 = tpu.memref_slice %arg7[%sub3A_116, %dma_wait3A_203] : memref<79x128xi32, #tpu.memory_space<vmem>> -> memref<1x128xi32, #tpu.memory_space<vmem>>
        %dma_wait3A_205 = tpu.memref_squeeze %dma_wait3A_204 : memref<1x128xi32, #tpu.memory_space<vmem>> -> memref<128xi32, #tpu.memory_space<vmem>>
        %dma_wait3A_206 = arith.constant 0 : i32
        %dma_wait3A_207 = arith.constant 0 : i32
        %dma_wait3A_208 = tpu.memref_slice %arg14[%dma_wait3A_206, %dma_wait3A_207] : memref<10240x16xf32, #tpu.memory_space<vmem_shared>> -> memref<10240x16xf32, #tpu.memory_space<vmem_shared>>
        tpu.wait_indirect_dma semaphore(%arg22 : memref<!tpu.dma_semaphore, #tpu.memory_space<semaphore_mem>>) src(%arg9 : memref<128x16xf32, #tpu.memory_space<vmem>>) dst(%dma_wait3A_208 : memref<10240x16xf32, #tpu.memory_space<vmem_shared>>)
        %add3A_209 = arith.constant 6 : i32
        %add3A_210 = arith.addi %sub3A_116, %add3A_209 : i32
        %lt3A_211 = arith.constant 78 : i32
        %lt3A_212 = arith.cmpi slt, %add3A_210, %lt3A_211 : i32
        %convert_element_type3A_213 = arith.extui %lt3A_212 : i1 to i32
        %cond3A_214 = arith.constant 0 : i32
        %cond3A_215 = arith.cmpi ne, %convert_element_type3A_213, %cond3A_214 : i32
        scf.if %cond3A_215 {
          %add3A_216 = arith.constant 6 : i32
          %add3A_217 = arith.addi %sub3A_116, %add3A_216 : i32
          %dma_start3A_218 = arith.constant 0 : i32
          %dma_start3A_219 = tpu.memref_slice %arg6[%add3A_217, %dma_start3A_218] : memref<79x128xi32, #tpu.memory_space<vmem>> -> memref<1x128xi32, #tpu.memory_space<vmem>>
          %dma_start3A_220 = tpu.memref_squeeze %dma_start3A_219 : memref<1x128xi32, #tpu.memory_space<vmem>> -> memref<128xi32, #tpu.memory_space<vmem>>
          %dma_start3A_221 = arith.constant 0 : i32
          %dma_start3A_222 = arith.constant 0 : i32
          %dma_start3A_223 = tpu.memref_slice %arg2[%dma_start3A_221, %dma_start3A_222] : memref<10000x16xf32, #tpu.memory_space<hbm>> -> memref<10000x16xf32, #tpu.memory_space<hbm>>
          tpu.enqueue_indirect_dma source(%dma_start3A_223 : memref<10000x16xf32, #tpu.memory_space<hbm>>) target(%arg9 : memref<128x16xf32, #tpu.memory_space<vmem>>) offsets(%dma_start3A_220 : memref<128xi32, #tpu.memory_space<vmem>>) semaphore(%arg16 : memref<!tpu.dma_semaphore, #tpu.memory_space<semaphore_mem>>)
        } else {
        }
      } else {
      }
      %mul3A_134 = arith.constant 6 : i32
      %mul3A_135 = arith.muli %mul3A_134, %scan3A_66 : i32
      %add3A_136 = arith.constant 3 : i32
      %add3A_137 = arith.addi %mul3A_135, %add3A_136 : i32
      %sub3A_138 = arith.constant 1 : i32
      %sub3A_139 = arith.subi %add3A_137, %sub3A_138 : i32
      %dma_wait3A_140 = arith.constant 0 : i32
      %dma_wait3A_141 = tpu.memref_slice %arg6[%add3A_137, %dma_wait3A_140] : memref<79x128xi32, #tpu.memory_space<vmem>> -> memref<1x128xi32, #tpu.memory_space<vmem>>
      %dma_wait3A_142 = tpu.memref_squeeze %dma_wait3A_141 : memref<1x128xi32, #tpu.memory_space<vmem>> -> memref<128xi32, #tpu.memory_space<vmem>>
      %dma_wait3A_143 = arith.constant 0 : i32
      %dma_wait3A_144 = arith.constant 0 : i32
      %dma_wait3A_145 = tpu.memref_slice %arg2[%dma_wait3A_143, %dma_wait3A_144] : memref<10000x16xf32, #tpu.memory_space<hbm>> -> memref<10000x16xf32, #tpu.memory_space<hbm>>
      tpu.wait_indirect_dma semaphore(%arg18 : memref<!tpu.dma_semaphore, #tpu.memory_space<semaphore_mem>>) src(%dma_wait3A_145 : memref<10000x16xf32, #tpu.memory_space<hbm>>) dst(%arg11 : memref<128x16xf32, #tpu.memory_space<vmem>>)
      %dma_start3A_146 = arith.constant 0 : i32
      %dma_start3A_147 = tpu.memref_slice %arg7[%add3A_137, %dma_start3A_146] : memref<79x128xi32, #tpu.memory_space<vmem>> -> memref<1x128xi32, #tpu.memory_space<vmem>>
      %dma_start3A_148 = tpu.memref_squeeze %dma_start3A_147 : memref<1x128xi32, #tpu.memory_space<vmem>> -> memref<128xi32, #tpu.memory_space<vmem>>
      %dma_start3A_149 = arith.constant 0 : i32
      %dma_start3A_150 = arith.constant 0 : i32
      %dma_start3A_151 = tpu.memref_slice %arg14[%dma_start3A_149, %dma_start3A_150] : memref<10240x16xf32, #tpu.memory_space<vmem_shared>> -> memref<10240x16xf32, #tpu.memory_space<vmem_shared>>
      tpu.enqueue_indirect_dma source(%arg11 : memref<128x16xf32, #tpu.memory_space<vmem>>) target(%dma_start3A_151 : memref<10240x16xf32, #tpu.memory_space<vmem_shared>>) offsets(%dma_start3A_148 : memref<128xi32, #tpu.memory_space<vmem>>) semaphore(%arg24 : memref<!tpu.dma_semaphore, #tpu.memory_space<semaphore_mem>>) {add = true}
      %ge3A_152 = arith.constant 0 : i32
      %ge3A_153 = arith.cmpi sge, %sub3A_139, %ge3A_152 : i32
      %convert_element_type3A_154 = arith.extui %ge3A_153 : i1 to i32
      %cond3A_155 = arith.constant 0 : i32
      %cond3A_156 = arith.cmpi ne, %convert_element_type3A_154, %cond3A_155 : i32
      scf.if %cond3A_156 {
        %dma_wait3A_203 = arith.constant 0 : i32
        %dma_wait3A_204 = tpu.memref_slice %arg7[%sub3A_139, %dma_wait3A_203] : memref<79x128xi32, #tpu.memory_space<vmem>> -> memref<1x128xi32, #tpu.memory_space<vmem>>
        %dma_wait3A_205 = tpu.memref_squeeze %dma_wait3A_204 : memref<1x128xi32, #tpu.memory_space<vmem>> -> memref<128xi32, #tpu.memory_space<vmem>>
        %dma_wait3A_206 = arith.constant 0 : i32
        %dma_wait3A_207 = arith.constant 0 : i32
        %dma_wait3A_208 = tpu.memref_slice %arg14[%dma_wait3A_206, %dma_wait3A_207] : memref<10240x16xf32, #tpu.memory_space<vmem_shared>> -> memref<10240x16xf32, #tpu.memory_space<vmem_shared>>
        tpu.wait_indirect_dma semaphore(%arg23 : memref<!tpu.dma_semaphore, #tpu.memory_space<semaphore_mem>>) src(%arg10 : memref<128x16xf32, #tpu.memory_space<vmem>>) dst(%dma_wait3A_208 : memref<10240x16xf32, #tpu.memory_space<vmem_shared>>)
        %add3A_209 = arith.constant 6 : i32
        %add3A_210 = arith.addi %sub3A_139, %add3A_209 : i32
        %lt3A_211 = arith.constant 78 : i32
        %lt3A_212 = arith.cmpi slt, %add3A_210, %lt3A_211 : i32
        %convert_element_type3A_213 = arith.extui %lt3A_212 : i1 to i32
        %cond3A_214 = arith.constant 0 : i32
        %cond3A_215 = arith.cmpi ne, %convert_element_type3A_213, %cond3A_214 : i32
        scf.if %cond3A_215 {
          %add3A_216 = arith.constant 6 : i32
          %add3A_217 = arith.addi %sub3A_139, %add3A_216 : i32
          %dma_start3A_218 = arith.constant 0 : i32
          %dma_start3A_219 = tpu.memref_slice %arg6[%add3A_217, %dma_start3A_218] : memref<79x128xi32, #tpu.memory_space<vmem>> -> memref<1x128xi32, #tpu.memory_space<vmem>>
          %dma_start3A_220 = tpu.memref_squeeze %dma_start3A_219 : memref<1x128xi32, #tpu.memory_space<vmem>> -> memref<128xi32, #tpu.memory_space<vmem>>
          %dma_start3A_221 = arith.constant 0 : i32
          %dma_start3A_222 = arith.constant 0 : i32
          %dma_start3A_223 = tpu.memref_slice %arg2[%dma_start3A_221, %dma_start3A_222] : memref<10000x16xf32, #tpu.memory_space<hbm>> -> memref<10000x16xf32, #tpu.memory_space<hbm>>
          tpu.enqueue_indirect_dma source(%dma_start3A_223 : memref<10000x16xf32, #tpu.memory_space<hbm>>) target(%arg10 : memref<128x16xf32, #tpu.memory_space<vmem>>) offsets(%dma_start3A_220 : memref<128xi32, #tpu.memory_space<vmem>>) semaphore(%arg17 : memref<!tpu.dma_semaphore, #tpu.memory_space<semaphore_mem>>)
        } else {
        }
      } else {
      }
      %mul3A_157 = arith.constant 6 : i32
      %mul3A_158 = arith.muli %mul3A_157, %scan3A_66 : i32
      %add3A_159 = arith.constant 4 : i32
      %add3A_160 = arith.addi %mul3A_158, %add3A_159 : i32
      %sub3A_161 = arith.constant 1 : i32
      %sub3A_162 = arith.subi %add3A_160, %sub3A_161 : i32
      %dma_wait3A_163 = arith.constant 0 : i32
      %dma_wait3A_164 = tpu.memref_slice %arg6[%add3A_160, %dma_wait3A_163] : memref<79x128xi32, #tpu.memory_space<vmem>> -> memref<1x128xi32, #tpu.memory_space<vmem>>
      %dma_wait3A_165 = tpu.memref_squeeze %dma_wait3A_164 : memref<1x128xi32, #tpu.memory_space<vmem>> -> memref<128xi32, #tpu.memory_space<vmem>>
      %dma_wait3A_166 = arith.constant 0 : i32
      %dma_wait3A_167 = arith.constant 0 : i32
      %dma_wait3A_168 = tpu.memref_slice %arg2[%dma_wait3A_166, %dma_wait3A_167] : memref<10000x16xf32, #tpu.memory_space<hbm>> -> memref<10000x16xf32, #tpu.memory_space<hbm>>
      tpu.wait_indirect_dma semaphore(%arg19 : memref<!tpu.dma_semaphore, #tpu.memory_space<semaphore_mem>>) src(%dma_wait3A_168 : memref<10000x16xf32, #tpu.memory_space<hbm>>) dst(%arg12 : memref<128x16xf32, #tpu.memory_space<vmem>>)
      %dma_start3A_169 = arith.constant 0 : i32
      %dma_start3A_170 = tpu.memref_slice %arg7[%add3A_160, %dma_start3A_169] : memref<79x128xi32, #tpu.memory_space<vmem>> -> memref<1x128xi32, #tpu.memory_space<vmem>>
      %dma_start3A_171 = tpu.memref_squeeze %dma_start3A_170 : memref<1x128xi32, #tpu.memory_space<vmem>> -> memref<128xi32, #tpu.memory_space<vmem>>
      %dma_start3A_172 = arith.constant 0 : i32
      %dma_start3A_173 = arith.constant 0 : i32
      %dma_start3A_174 = tpu.memref_slice %arg14[%dma_start3A_172, %dma_start3A_173] : memref<10240x16xf32, #tpu.memory_space<vmem_shared>> -> memref<10240x16xf32, #tpu.memory_space<vmem_shared>>
      tpu.enqueue_indirect_dma source(%arg12 : memref<128x16xf32, #tpu.memory_space<vmem>>) target(%dma_start3A_174 : memref<10240x16xf32, #tpu.memory_space<vmem_shared>>) offsets(%dma_start3A_171 : memref<128xi32, #tpu.memory_space<vmem>>) semaphore(%arg25 : memref<!tpu.dma_semaphore, #tpu.memory_space<semaphore_mem>>) {add = true}
      %ge3A_175 = arith.constant 0 : i32
      %ge3A_176 = arith.cmpi sge, %sub3A_162, %ge3A_175 : i32
      %convert_element_type3A_177 = arith.extui %ge3A_176 : i1 to i32
      %cond3A_178 = arith.constant 0 : i32
      %cond3A_179 = arith.cmpi ne, %convert_element_type3A_177, %cond3A_178 : i32
      scf.if %cond3A_179 {
        %dma_wait3A_203 = arith.constant 0 : i32
        %dma_wait3A_204 = tpu.memref_slice %arg7[%sub3A_162, %dma_wait3A_203] : memref<79x128xi32, #tpu.memory_space<vmem>> -> memref<1x128xi32, #tpu.memory_space<vmem>>
        %dma_wait3A_205 = tpu.memref_squeeze %dma_wait3A_204 : memref<1x128xi32, #tpu.memory_space<vmem>> -> memref<128xi32, #tpu.memory_space<vmem>>
        %dma_wait3A_206 = arith.constant 0 : i32
        %dma_wait3A_207 = arith.constant 0 : i32
        %dma_wait3A_208 = tpu.memref_slice %arg14[%dma_wait3A_206, %dma_wait3A_207] : memref<10240x16xf32, #tpu.memory_space<vmem_shared>> -> memref<10240x16xf32, #tpu.memory_space<vmem_shared>>
        tpu.wait_indirect_dma semaphore(%arg24 : memref<!tpu.dma_semaphore, #tpu.memory_space<semaphore_mem>>) src(%arg11 : memref<128x16xf32, #tpu.memory_space<vmem>>) dst(%dma_wait3A_208 : memref<10240x16xf32, #tpu.memory_space<vmem_shared>>)
        %add3A_209 = arith.constant 6 : i32
        %add3A_210 = arith.addi %sub3A_162, %add3A_209 : i32
        %lt3A_211 = arith.constant 78 : i32
        %lt3A_212 = arith.cmpi slt, %add3A_210, %lt3A_211 : i32
        %convert_element_type3A_213 = arith.extui %lt3A_212 : i1 to i32
        %cond3A_214 = arith.constant 0 : i32
        %cond3A_215 = arith.cmpi ne, %convert_element_type3A_213, %cond3A_214 : i32
        scf.if %cond3A_215 {
          %add3A_216 = arith.constant 6 : i32
          %add3A_217 = arith.addi %sub3A_162, %add3A_216 : i32
          %dma_start3A_218 = arith.constant 0 : i32
          %dma_start3A_219 = tpu.memref_slice %arg6[%add3A_217, %dma_start3A_218] : memref<79x128xi32, #tpu.memory_space<vmem>> -> memref<1x128xi32, #tpu.memory_space<vmem>>
          %dma_start3A_220 = tpu.memref_squeeze %dma_start3A_219 : memref<1x128xi32, #tpu.memory_space<vmem>> -> memref<128xi32, #tpu.memory_space<vmem>>
          %dma_start3A_221 = arith.constant 0 : i32
          %dma_start3A_222 = arith.constant 0 : i32
          %dma_start3A_223 = tpu.memref_slice %arg2[%dma_start3A_221, %dma_start3A_222] : memref<10000x16xf32, #tpu.memory_space<hbm>> -> memref<10000x16xf32, #tpu.memory_space<hbm>>
          tpu.enqueue_indirect_dma source(%dma_start3A_223 : memref<10000x16xf32, #tpu.memory_space<hbm>>) target(%arg11 : memref<128x16xf32, #tpu.memory_space<vmem>>) offsets(%dma_start3A_220 : memref<128xi32, #tpu.memory_space<vmem>>) semaphore(%arg18 : memref<!tpu.dma_semaphore, #tpu.memory_space<semaphore_mem>>)
        } else {
        }
      } else {
      }
      %mul3A_180 = arith.constant 6 : i32
      %mul3A_181 = arith.muli %mul3A_180, %scan3A_66 : i32
      %add3A_182 = arith.constant 5 : i32
      %add3A_183 = arith.addi %mul3A_181, %add3A_182 : i32
      %sub3A_184 = arith.constant 1 : i32
      %sub3A_185 = arith.subi %add3A_183, %sub3A_184 : i32
      %dma_wait3A_186 = arith.constant 0 : i32
      %dma_wait3A_187 = tpu.memref_slice %arg6[%add3A_183, %dma_wait3A_186] : memref<79x128xi32, #tpu.memory_space<vmem>> -> memref<1x128xi32, #tpu.memory_space<vmem>>
      %dma_wait3A_188 = tpu.memref_squeeze %dma_wait3A_187 : memref<1x128xi32, #tpu.memory_space<vmem>> -> memref<128xi32, #tpu.memory_space<vmem>>
      %dma_wait3A_189 = arith.constant 0 : i32
      %dma_wait3A_190 = arith.constant 0 : i32
      %dma_wait3A_191 = tpu.memref_slice %arg2[%dma_wait3A_189, %dma_wait3A_190] : memref<10000x16xf32, #tpu.memory_space<hbm>> -> memref<10000x16xf32, #tpu.memory_space<hbm>>
      tpu.wait_indirect_dma semaphore(%arg20 : memref<!tpu.dma_semaphore, #tpu.memory_space<semaphore_mem>>) src(%dma_wait3A_191 : memref<10000x16xf32, #tpu.memory_space<hbm>>) dst(%arg13 : memref<128x16xf32, #tpu.memory_space<vmem>>)
      %dma_start3A_192 = arith.constant 0 : i32
      %dma_start3A_193 = tpu.memref_slice %arg7[%add3A_183, %dma_start3A_192] : memref<79x128xi32, #tpu.memory_space<vmem>> -> memref<1x128xi32, #tpu.memory_space<vmem>>
      %dma_start3A_194 = tpu.memref_squeeze %dma_start3A_193 : memref<1x128xi32, #tpu.memory_space<vmem>> -> memref<128xi32, #tpu.memory_space<vmem>>
      %dma_start3A_195 = arith.constant 0 : i32
      %dma_start3A_196 = arith.constant 0 : i32
      %dma_start3A_197 = tpu.memref_slice %arg14[%dma_start3A_195, %dma_start3A_196] : memref<10240x16xf32, #tpu.memory_space<vmem_shared>> -> memref<10240x16xf32, #tpu.memory_space<vmem_shared>>
      tpu.enqueue_indirect_dma source(%arg13 : memref<128x16xf32, #tpu.memory_space<vmem>>) target(%dma_start3A_197 : memref<10240x16xf32, #tpu.memory_space<vmem_shared>>) offsets(%dma_start3A_194 : memref<128xi32, #tpu.memory_space<vmem>>) semaphore(%arg26 : memref<!tpu.dma_semaphore, #tpu.memory_space<semaphore_mem>>) {add = true}
      %ge3A_198 = arith.constant 0 : i32
      %ge3A_199 = arith.cmpi sge, %sub3A_185, %ge3A_198 : i32
      %convert_element_type3A_200 = arith.extui %ge3A_199 : i1 to i32
      %cond3A_201 = arith.constant 0 : i32
      %cond3A_202 = arith.cmpi ne, %convert_element_type3A_200, %cond3A_201 : i32
      scf.if %cond3A_202 {
        %dma_wait3A_203 = arith.constant 0 : i32
        %dma_wait3A_204 = tpu.memref_slice %arg7[%sub3A_185, %dma_wait3A_203] : memref<79x128xi32, #tpu.memory_space<vmem>> -> memref<1x128xi32, #tpu.memory_space<vmem>>
        %dma_wait3A_205 = tpu.memref_squeeze %dma_wait3A_204 : memref<1x128xi32, #tpu.memory_space<vmem>> -> memref<128xi32, #tpu.memory_space<vmem>>
        %dma_wait3A_206 = arith.constant 0 : i32
        %dma_wait3A_207 = arith.constant 0 : i32
        %dma_wait3A_208 = tpu.memref_slice %arg14[%dma_wait3A_206, %dma_wait3A_207] : memref<10240x16xf32, #tpu.memory_space<vmem_shared>> -> memref<10240x16xf32, #tpu.memory_space<vmem_shared>>
        tpu.wait_indirect_dma semaphore(%arg25 : memref<!tpu.dma_semaphore, #tpu.memory_space<semaphore_mem>>) src(%arg12 : memref<128x16xf32, #tpu.memory_space<vmem>>) dst(%dma_wait3A_208 : memref<10240x16xf32, #tpu.memory_space<vmem_shared>>)
        %add3A_209 = arith.constant 6 : i32
        %add3A_210 = arith.addi %sub3A_185, %add3A_209 : i32
        %lt3A_211 = arith.constant 78 : i32
        %lt3A_212 = arith.cmpi slt, %add3A_210, %lt3A_211 : i32
        %convert_element_type3A_213 = arith.extui %lt3A_212 : i1 to i32
        %cond3A_214 = arith.constant 0 : i32
        %cond3A_215 = arith.cmpi ne, %convert_element_type3A_213, %cond3A_214 : i32
        scf.if %cond3A_215 {
          %add3A_216 = arith.constant 6 : i32
          %add3A_217 = arith.addi %sub3A_185, %add3A_216 : i32
          %dma_start3A_218 = arith.constant 0 : i32
          %dma_start3A_219 = tpu.memref_slice %arg6[%add3A_217, %dma_start3A_218] : memref<79x128xi32, #tpu.memory_space<vmem>> -> memref<1x128xi32, #tpu.memory_space<vmem>>
          %dma_start3A_220 = tpu.memref_squeeze %dma_start3A_219 : memref<1x128xi32, #tpu.memory_space<vmem>> -> memref<128xi32, #tpu.memory_space<vmem>>
          %dma_start3A_221 = arith.constant 0 : i32
          %dma_start3A_222 = arith.constant 0 : i32
          %dma_start3A_223 = tpu.memref_slice %arg2[%dma_start3A_221, %dma_start3A_222] : memref<10000x16xf32, #tpu.memory_space<hbm>> -> memref<10000x16xf32, #tpu.memory_space<hbm>>
          tpu.enqueue_indirect_dma source(%dma_start3A_223 : memref<10000x16xf32, #tpu.memory_space<hbm>>) target(%arg12 : memref<128x16xf32, #tpu.memory_space<vmem>>) offsets(%dma_start3A_220 : memref<128xi32, #tpu.memory_space<vmem>>) semaphore(%arg19 : memref<!tpu.dma_semaphore, #tpu.memory_space<semaphore_mem>>)
        } else {
        }
      } else {
      }
    }
    %scan3A_53 = arith.constant 13 : i32
    %dma_wait3A = arith.constant 77 : i32
    %dma_wait3A_54 = arith.constant 0 : i32
    %dma_wait3A_55 = tpu.memref_slice %arg7[%dma_wait3A, %dma_wait3A_54] : memref<79x128xi32, #tpu.memory_space<vmem>> -> memref<1x128xi32, #tpu.memory_space<vmem>>
    %dma_wait3A_56 = tpu.memref_squeeze %dma_wait3A_55 : memref<1x128xi32, #tpu.memory_space<vmem>> -> memref<128xi32, #tpu.memory_space<vmem>>
    %dma_wait3A_57 = arith.constant 0 : i32
    %dma_wait3A_58 = arith.constant 0 : i32
    %dma_wait3A_59 = tpu.memref_slice %arg14[%dma_wait3A_57, %dma_wait3A_58] : memref<10240x16xf32, #tpu.memory_space<vmem_shared>> -> memref<10240x16xf32, #tpu.memory_space<vmem_shared>>
    tpu.wait_indirect_dma semaphore(%arg26 : memref<!tpu.dma_semaphore, #tpu.memory_space<semaphore_mem>>) src(%arg13 : memref<128x16xf32, #tpu.memory_space<vmem>>) dst(%dma_wait3A_59 : memref<10240x16xf32, #tpu.memory_space<vmem_shared>>)
    %lt3A_60 = arith.constant 4 : i32
    %lt3A_61 = arith.cmpi slt, %add3A, %lt3A_60 : i32
    %convert_element_type3A_62 = arith.extui %lt3A_61 : i1 to i32
    %cond3A_63 = arith.constant 0 : i32
    %cond3A_64 = arith.cmpi ne, %convert_element_type3A_62, %cond3A_63 : i32
    scf.if %cond3A_64 {
      %dma_start3A_66 = arith.constant 78 : i32
      %dma_start3A_67 = arith.constant 0 : i32
      %dma_start3A_68 = tpu.memref_slice %arg6[%dma_start3A_66, %dma_start3A_67] : memref<79x128xi32, #tpu.memory_space<vmem>> -> memref<1x128xi32, #tpu.memory_space<vmem>>
      %dma_start3A_69 = tpu.memref_squeeze %dma_start3A_68 : memref<1x128xi32, #tpu.memory_space<vmem>> -> memref<128xi32, #tpu.memory_space<vmem>>
      %dma_start3A_70 = arith.constant 0 : i32
      %dma_start3A_71 = arith.constant 0 : i32
      %dma_start3A_72 = tpu.memref_slice %arg2[%dma_start3A_70, %dma_start3A_71] : memref<10000x16xf32, #tpu.memory_space<hbm>> -> memref<10000x16xf32, #tpu.memory_space<hbm>>
      tpu.enqueue_indirect_dma source(%dma_start3A_72 : memref<10000x16xf32, #tpu.memory_space<hbm>>) target(%arg8 : memref<128x16xf32, #tpu.memory_space<vmem>>) offsets(%dma_start3A_69 : memref<128xi32, #tpu.memory_space<vmem>>) semaphore(%arg15 : memref<!tpu.dma_semaphore, #tpu.memory_space<semaphore_mem>>)
      %dma_wait3A_73 = arith.constant 78 : i32
      %dma_wait3A_74 = arith.constant 0 : i32
      %dma_wait3A_75 = tpu.memref_slice %arg6[%dma_wait3A_73, %dma_wait3A_74] : memref<79x128xi32, #tpu.memory_space<vmem>> -> memref<1x128xi32, #tpu.memory_space<vmem>>
      %dma_wait3A_76 = tpu.memref_squeeze %dma_wait3A_75 : memref<1x128xi32, #tpu.memory_space<vmem>> -> memref<128xi32, #tpu.memory_space<vmem>>
      %dma_wait3A_77 = arith.constant 0 : i32
      %dma_wait3A_78 = arith.constant 0 : i32
      %dma_wait3A_79 = tpu.memref_slice %arg2[%dma_wait3A_77, %dma_wait3A_78] : memref<10000x16xf32, #tpu.memory_space<hbm>> -> memref<10000x16xf32, #tpu.memory_space<hbm>>
      tpu.wait_indirect_dma semaphore(%arg15 : memref<!tpu.dma_semaphore, #tpu.memory_space<semaphore_mem>>) src(%dma_wait3A_79 : memref<10000x16xf32, #tpu.memory_space<hbm>>) dst(%arg8 : memref<128x16xf32, #tpu.memory_space<vmem>>)
      %dma_start3A_80 = arith.constant 78 : i32
      %dma_start3A_81 = arith.constant 0 : i32
      %dma_start3A_82 = tpu.memref_slice %arg7[%dma_start3A_80, %dma_start3A_81] : memref<79x128xi32, #tpu.memory_space<vmem>> -> memref<1x128xi32, #tpu.memory_space<vmem>>
      %dma_start3A_83 = tpu.memref_squeeze %dma_start3A_82 : memref<1x128xi32, #tpu.memory_space<vmem>> -> memref<128xi32, #tpu.memory_space<vmem>>
      %dma_start3A_84 = arith.constant 0 : i32
      %dma_start3A_85 = arith.constant 0 : i32
      %dma_start3A_86 = tpu.memref_slice %arg14[%dma_start3A_84, %dma_start3A_85] : memref<10240x16xf32, #tpu.memory_space<vmem_shared>> -> memref<10240x16xf32, #tpu.memory_space<vmem_shared>>
      tpu.enqueue_indirect_dma source(%arg8 : memref<128x16xf32, #tpu.memory_space<vmem>>) target(%dma_start3A_86 : memref<10240x16xf32, #tpu.memory_space<vmem_shared>>) offsets(%dma_start3A_83 : memref<128xi32, #tpu.memory_space<vmem>>) semaphore(%arg21 : memref<!tpu.dma_semaphore, #tpu.memory_space<semaphore_mem>>) {add = true}
      %dma_wait3A_87 = arith.constant 78 : i32
      %dma_wait3A_88 = arith.constant 0 : i32
      %dma_wait3A_89 = tpu.memref_slice %arg7[%dma_wait3A_87, %dma_wait3A_88] : memref<79x128xi32, #tpu.memory_space<vmem>> -> memref<1x128xi32, #tpu.memory_space<vmem>>
      %dma_wait3A_90 = tpu.memref_squeeze %dma_wait3A_89 : memref<1x128xi32, #tpu.memory_space<vmem>> -> memref<128xi32, #tpu.memory_space<vmem>>
      %dma_wait3A_91 = arith.constant 0 : i32
      %dma_wait3A_92 = arith.constant 0 : i32
      %dma_wait3A_93 = tpu.memref_slice %arg14[%dma_wait3A_91, %dma_wait3A_92] : memref<10240x16xf32, #tpu.memory_space<vmem_shared>> -> memref<10240x16xf32, #tpu.memory_space<vmem_shared>>
      tpu.wait_indirect_dma semaphore(%arg21 : memref<!tpu.dma_semaphore, #tpu.memory_space<semaphore_mem>>) src(%arg8 : memref<128x16xf32, #tpu.memory_space<vmem>>) dst(%dma_wait3A_93 : memref<10240x16xf32, #tpu.memory_space<vmem_shared>>)
    } else {
    }
    %barrier3A_65 = arith.constant 0 : index
    tpu.barrier barrier_id(%barrier3A_65)
    "tpu.region"() ({
      %run_scoped3A_66 = tpu.sem_alloc : memref<!tpu.dma_semaphore, #tpu.memory_space<semaphore_mem>>
      %dma_start3A_67 = arith.constant 0 : i32
      %dma_start3A_68 = tpu.memref_slice %arg5[%arg0, %mul3A_2, %dma_start3A_67] : memref<2x10240x16xf32, #tpu.memory_space<hbm>> -> memref<1x640x16xf32, #tpu.memory_space<hbm>>
      %dma_start3A_69 = tpu.memref_squeeze %dma_start3A_68 : memref<1x640x16xf32, #tpu.memory_space<hbm>> -> memref<640x16xf32, #tpu.memory_space<hbm>>
      %dma_start3A_70 = arith.constant 0 : i32
      %dma_start3A_71 = tpu.memref_slice %arg14[%mul3A_2, %dma_start3A_70] : memref<10240x16xf32, #tpu.memory_space<vmem_shared>> -> memref<640x16xf32, #tpu.memory_space<vmem_shared>>
      tpu.enqueue_dma source(%dma_start3A_71 : memref<640x16xf32, #tpu.memory_space<vmem_shared>>) target(%dma_start3A_69 : memref<640x16xf32, #tpu.memory_space<hbm>>) target_semaphore(%run_scoped3A_66 : memref<!tpu.dma_semaphore, #tpu.memory_space<semaphore_mem>>)
      %dma_wait3A_72 = arith.constant 0 : i32
      %dma_wait3A_73 = tpu.memref_slice %arg5[%arg0, %mul3A_2, %dma_wait3A_72] : memref<2x10240x16xf32, #tpu.memory_space<hbm>> -> memref<1x640x16xf32, #tpu.memory_space<hbm>>
      %dma_wait3A_74 = tpu.memref_squeeze %dma_wait3A_73 : memref<1x640x16xf32, #tpu.memory_space<hbm>> -> memref<640x16xf32, #tpu.memory_space<hbm>>
      %dma_wait3A_75 = arith.constant 0 : i32
      %dma_wait3A_76 = tpu.memref_slice %arg14[%mul3A_2, %dma_wait3A_75] : memref<10240x16xf32, #tpu.memory_space<vmem_shared>> -> memref<640x16xf32, #tpu.memory_space<vmem_shared>>
      tpu.wait_dma2 semaphore(%run_scoped3A_66 : memref<!tpu.dma_semaphore, #tpu.memory_space<semaphore_mem>>) src(%dma_wait3A_76 : memref<640x16xf32, #tpu.memory_space<vmem_shared>>) dst(%dma_wait3A_74 : memref<640x16xf32, #tpu.memory_space<hbm>>)
      tpu.yield
    }) : () -> ()
    return
  }
}

module attributes {stable_mosaic.version = 14 : i64} {
  func.func @_mm1_body(%arg0: memref<1250x1024xf32, #tpu.memory_space<vmem>>, %arg1: memref<1024x256xf32, #tpu.memory_space<vmem>>, %arg2: memref<1250x128xf32, #tpu.memory_space<vmem>>, %arg3: memref<1250x128xf32, #tpu.memory_space<vmem>>) attributes {dimension_semantics = [], scalar_prefetch = 0 : i64, scratch_operands = 0 : i64, tpu.core_type = #tpu.core_type<tc>} {
    %get3A = arith.constant 0 : index
    %get3A_0 = arith.constant 0 : index
    %get3A_1 = vector.load %arg0[%get3A, %get3A_0] : memref<1250x1024xf32, #tpu.memory_space<vmem>>, vector<1250x1024xf32>
    %get3A_2 = arith.constant 0 : index
    %get3A_3 = arith.constant 0 : index
    %get3A_4 = vector.load %arg1[%get3A_2, %get3A_3] : memref<1024x256xf32, #tpu.memory_space<vmem>>, vector<1024x256xf32>
    %dot_general3A = arith.constant dense<0.000000e+00> : vector<1250x256xf32>
    %dot_general3A_5 = tpu.matmul %get3A_1, %get3A_4, %dot_general3A {dimension_numbers = #tpu.dot_dimension_numbers<[1], [0], [0], [1], [0, 0, 1, 1], [], []>, transpose_lhs_hint = false} : vector<1250x1024xf32>, vector<1024x256xf32>, vector<1250x256xf32> -> vector<1250x256xf32>
    %slice3A = vector.extract_strided_slice %dot_general3A_5 {offsets = [0, 0], sizes = [1250, 128], strides = [1, 1]} : vector<1250x256xf32> to vector<1250x128xf32>
    %swap3A = arith.constant 0 : index
    %swap3A_6 = arith.constant 0 : index
    %swap3A_7 = vector.load %arg2[%swap3A, %swap3A_6] : memref<1250x128xf32, #tpu.memory_space<vmem>>, vector<1250x128xf32>
    tpu.vector_store %arg2[%swap3A, %swap3A_6], %slice3A {strides = array<i32>} : memref<1250x128xf32, #tpu.memory_space<vmem>>, vector<1250x128xf32>,
    %slice3A_8 = vector.extract_strided_slice %dot_general3A_5 {offsets = [0, 128], sizes = [1250, 128], strides = [1, 1]} : vector<1250x256xf32> to vector<1250x128xf32>
    %swap3A_9 = arith.constant 0 : index
    %swap3A_10 = arith.constant 0 : index
    %swap3A_11 = vector.load %arg3[%swap3A_9, %swap3A_10] : memref<1250x128xf32, #tpu.memory_space<vmem>>, vector<1250x128xf32>
    tpu.vector_store %arg3[%swap3A_9, %swap3A_10], %slice3A_8 {strides = array<i32>} : memref<1250x128xf32, #tpu.memory_space<vmem>>, vector<1250x128xf32>,
    return
  }
}

module attributes {stable_mosaic.version = 14 : i64} {
  func.func @_act_body(%arg0: memref<2x1280x128xf32, #tpu.memory_space<vmem>>, %arg1: memref<2x1280x128xf32, #tpu.memory_space<vmem>>, %arg2: memref<1250x128xf32, #tpu.memory_space<vmem>>, %arg3: memref<1x128xf32, #tpu.memory_space<vmem>>, %arg4: memref<128x320xf32, #tpu.memory_space<vmem>>, %arg5: memref<1250x128xf32, #tpu.memory_space<vmem>>, %arg6: memref<1250x320xf32, #tpu.memory_space<vmem>>) attributes {dimension_semantics = [], scalar_prefetch = 0 : i64, scratch_operands = 0 : i64, tpu.core_type = #tpu.core_type<tc>} {
    %get3A = arith.constant 0 : index
    %get3A_0 = arith.constant 0 : index
    %get3A_1 = arith.constant 0 : index
    %get3A_2 = vector.load %arg0[%get3A, %get3A_0, %get3A_1] : memref<2x1280x128xf32, #tpu.memory_space<vmem>>, vector<1x1250x128xf32>
    %get3A_3 = vector.shape_cast %get3A_2 : vector<1x1250x128xf32> to vector<1250x128xf32>
    %get3A_4 = arith.constant 1 : index
    %get3A_5 = arith.constant 0 : index
    %get3A_6 = arith.constant 0 : index
    %get3A_7 = vector.load %arg0[%get3A_4, %get3A_5, %get3A_6] : memref<2x1280x128xf32, #tpu.memory_space<vmem>>, vector<1x1250x128xf32>
    %get3A_8 = vector.shape_cast %get3A_7 : vector<1x1250x128xf32> to vector<1250x128xf32>
    %add3A = arith.addf %get3A_3, %get3A_8 : vector<1250x128xf32>
    %get3A_9 = arith.constant 0 : index
    %get3A_10 = arith.constant 0 : index
    %get3A_11 = arith.constant 0 : index
    %get3A_12 = vector.load %arg1[%get3A_9, %get3A_10, %get3A_11] : memref<2x1280x128xf32, #tpu.memory_space<vmem>>, vector<1x1250x128xf32>
    %get3A_13 = vector.shape_cast %get3A_12 : vector<1x1250x128xf32> to vector<1250x128xf32>
    %get3A_14 = arith.constant 1 : index
    %get3A_15 = arith.constant 0 : index
    %get3A_16 = arith.constant 0 : index
    %get3A_17 = vector.load %arg1[%get3A_14, %get3A_15, %get3A_16] : memref<2x1280x128xf32, #tpu.memory_space<vmem>>, vector<1x1250x128xf32>
    %get3A_18 = vector.shape_cast %get3A_17 : vector<1x1250x128xf32> to vector<1250x128xf32>
    %add3A_19 = arith.addf %get3A_13, %get3A_18 : vector<1250x128xf32>
    %max3A = arith.constant 1.000000e+00 : f32
    %max3A_20 = vector.broadcast %max3A : f32 to vector<1250x128xf32>
    %max3A_21 = arith.maximumf %add3A_19, %max3A_20 : vector<1250x128xf32>
    %div3A = arith.constant 1.000000e+00 : f32
    %div3A_22 = vector.broadcast %div3A : f32 to vector<1250x128xf32>
    %div3A_23 = arith.divf %div3A_22, %max3A_21 : vector<1250x128xf32>
    %mul3A = arith.mulf %add3A, %div3A_23 : vector<1250x128xf32>
    %get3A_24 = arith.constant 0 : index
    %get3A_25 = arith.constant 0 : index
    %get3A_26 = vector.load %arg3[%get3A_24, %get3A_25] : memref<1x128xf32, #tpu.memory_space<vmem>>, vector<1x128xf32>
    %add3A_27 = vector.broadcast %get3A_26 : vector<1x128xf32> to vector<1250x128xf32>
    %add3A_28 = arith.addf %mul3A, %add3A_27 : vector<1250x128xf32>
    %get3A_29 = arith.constant 0 : index
    %get3A_30 = arith.constant 0 : index
    %get3A_31 = vector.load %arg2[%get3A_29, %get3A_30] : memref<1250x128xf32, #tpu.memory_space<vmem>>, vector<1250x128xf32>
    %add3A_32 = arith.addf %add3A_28, %get3A_31 : vector<1250x128xf32>
    %max3A_33 = arith.constant 0.000000e+00 : f32
    %max3A_34 = vector.broadcast %max3A_33 : f32 to vector<1250x128xf32>
    %max3A_35 = arith.maximumf %add3A_32, %max3A_34 : vector<1250x128xf32>
    %swap3A = arith.constant 0 : index
    %swap3A_36 = arith.constant 0 : index
    %swap3A_37 = vector.load %arg5[%swap3A, %swap3A_36] : memref<1250x128xf32, #tpu.memory_space<vmem>>, vector<1250x128xf32>
    tpu.vector_store %arg5[%swap3A, %swap3A_36], %max3A_35 {strides = array<i32>} : memref<1250x128xf32, #tpu.memory_space<vmem>>, vector<1250x128xf32>,
    %get3A_38 = arith.constant 0 : index
    %get3A_39 = arith.constant 0 : index
    %get3A_40 = vector.load %arg4[%get3A_38, %get3A_39] : memref<128x320xf32, #tpu.memory_space<vmem>>, vector<128x320xf32>
    %dot_general3A = arith.constant dense<0.000000e+00> : vector<1250x320xf32>
    %dot_general3A_41 = tpu.matmul %max3A_35, %get3A_40, %dot_general3A {dimension_numbers = #tpu.dot_dimension_numbers<[1], [0], [0], [1], [0, 0, 1, 1], [], []>, transpose_lhs_hint = false} : vector<1250x128xf32>, vector<128x320xf32>, vector<1250x320xf32> -> vector<1250x320xf32>
    %swap3A_42 = arith.constant 0 : index
    %swap3A_43 = arith.constant 0 : index
    %swap3A_44 = vector.load %arg6[%swap3A_42, %swap3A_43] : memref<1250x320xf32, #tpu.memory_space<vmem>>, vector<1250x320xf32>
    tpu.vector_store %arg6[%swap3A_42, %swap3A_43], %dot_general3A_41 {strides = array<i32>} : memref<1250x320xf32, #tpu.memory_space<vmem>>, vector<1250x320xf32>,
    return
  }
}

module attributes {stable_mosaic.version = 14 : i64} {
  func.func @_out_body(%arg0: memref<2x1280x128xf32, #tpu.memory_space<vmem>>, %arg1: memref<2x1280x128xf32, #tpu.memory_space<vmem>>, %arg2: memref<1250x320xf32, #tpu.memory_space<vmem>>, %arg3: memref<1x320xf32, #tpu.memory_space<vmem>>, %arg4: memref<128x320xf32, #tpu.memory_space<vmem>>, %arg5: memref<320x320xf32, #tpu.memory_space<vmem>>, %arg6: memref<1250x320xf32, #tpu.memory_space<vmem>>) attributes {dimension_semantics = [], scalar_prefetch = 0 : i64, scratch_operands = 0 : i64, tpu.core_type = #tpu.core_type<tc>} {
    %get3A = arith.constant 0 : index
    %get3A_0 = arith.constant 0 : index
    %get3A_1 = arith.constant 0 : index
    %get3A_2 = vector.load %arg0[%get3A, %get3A_0, %get3A_1] : memref<2x1280x128xf32, #tpu.memory_space<vmem>>, vector<1x1250x128xf32>
    %get3A_3 = vector.shape_cast %get3A_2 : vector<1x1250x128xf32> to vector<1250x128xf32>
    %get3A_4 = arith.constant 1 : index
    %get3A_5 = arith.constant 0 : index
    %get3A_6 = arith.constant 0 : index
    %get3A_7 = vector.load %arg0[%get3A_4, %get3A_5, %get3A_6] : memref<2x1280x128xf32, #tpu.memory_space<vmem>>, vector<1x1250x128xf32>
    %get3A_8 = vector.shape_cast %get3A_7 : vector<1x1250x128xf32> to vector<1250x128xf32>
    %add3A = arith.addf %get3A_3, %get3A_8 : vector<1250x128xf32>
    %get3A_9 = arith.constant 0 : index
    %get3A_10 = arith.constant 0 : index
    %get3A_11 = arith.constant 0 : index
    %get3A_12 = vector.load %arg1[%get3A_9, %get3A_10, %get3A_11] : memref<2x1280x128xf32, #tpu.memory_space<vmem>>, vector<1x1250x128xf32>
    %get3A_13 = vector.shape_cast %get3A_12 : vector<1x1250x128xf32> to vector<1250x128xf32>
    %get3A_14 = arith.constant 1 : index
    %get3A_15 = arith.constant 0 : index
    %get3A_16 = arith.constant 0 : index
    %get3A_17 = vector.load %arg1[%get3A_14, %get3A_15, %get3A_16] : memref<2x1280x128xf32, #tpu.memory_space<vmem>>, vector<1x1250x128xf32>
    %get3A_18 = vector.shape_cast %get3A_17 : vector<1x1250x128xf32> to vector<1250x128xf32>
    %add3A_19 = arith.addf %get3A_13, %get3A_18 : vector<1250x128xf32>
    %max3A = arith.constant 1.000000e+00 : f32
    %max3A_20 = vector.broadcast %max3A : f32 to vector<1250x128xf32>
    %max3A_21 = arith.maximumf %add3A_19, %max3A_20 : vector<1250x128xf32>
    %div3A = arith.constant 1.000000e+00 : f32
    %div3A_22 = vector.broadcast %div3A : f32 to vector<1250x128xf32>
    %div3A_23 = arith.divf %div3A_22, %max3A_21 : vector<1250x128xf32>
    %mul3A = arith.mulf %add3A, %div3A_23 : vector<1250x128xf32>
    %get3A_24 = arith.constant 0 : index
    %get3A_25 = arith.constant 0 : index
    %get3A_26 = vector.load %arg4[%get3A_24, %get3A_25] : memref<128x320xf32, #tpu.memory_space<vmem>>, vector<128x320xf32>
    %dot_general3A = arith.constant dense<0.000000e+00> : vector<1250x320xf32>
    %dot_general3A_27 = tpu.matmul %mul3A, %get3A_26, %dot_general3A {dimension_numbers = #tpu.dot_dimension_numbers<[1], [0], [0], [1], [0, 0, 1, 1], [], []>, transpose_lhs_hint = false} : vector<1250x128xf32>, vector<128x320xf32>, vector<1250x320xf32> -> vector<1250x320xf32>
    %get3A_28 = arith.constant 0 : index
    %get3A_29 = arith.constant 0 : index
    %get3A_30 = vector.load %arg3[%get3A_28, %get3A_29] : memref<1x320xf32, #tpu.memory_space<vmem>>, vector<1x320xf32>
    %add3A_31 = vector.broadcast %get3A_30 : vector<1x320xf32> to vector<1250x320xf32>
    %add3A_32 = arith.addf %dot_general3A_27, %add3A_31 : vector<1250x320xf32>
    %get3A_33 = arith.constant 0 : index
    %get3A_34 = arith.constant 0 : index
    %get3A_35 = vector.load %arg2[%get3A_33, %get3A_34] : memref<1250x320xf32, #tpu.memory_space<vmem>>, vector<1250x320xf32>
    %add3A_36 = arith.addf %add3A_32, %get3A_35 : vector<1250x320xf32>
    %reduce_max3A = arith.constant dense<0xFF800000> : vector<1250xf32>
    %reduce_max3A_37 = vector.multi_reduction <maximumf>, %add3A_36, %reduce_max3A [1] : vector<1250x320xf32> to vector<1250xf32>
    %broadcast_in_dim3A = vector.shape_cast %reduce_max3A_37 : vector<1250xf32> to vector<1250x1xf32>
    %sub3A = vector.broadcast %broadcast_in_dim3A : vector<1250x1xf32> to vector<1250x320xf32>
    %sub3A_38 = arith.subf %add3A_36, %sub3A : vector<1250x320xf32>
    %exp3A = math.exp %sub3A_38 : vector<1250x320xf32>
    %get3A_39 = arith.constant 0 : index
    %get3A_40 = arith.constant 0 : index
    %get3A_41 = vector.load %arg5[%get3A_39, %get3A_40] : memref<320x320xf32, #tpu.memory_space<vmem>>, vector<320x320xf32>
    %dot_general3A_42 = arith.constant dense<0.000000e+00> : vector<1250x320xf32>
    %dot_general3A_43 = tpu.matmul %exp3A, %get3A_41, %dot_general3A_42 {dimension_numbers = #tpu.dot_dimension_numbers<[1], [0], [0], [1], [0, 0, 1, 1], [], []>, transpose_lhs_hint = false} : vector<1250x320xf32>, vector<320x320xf32>, vector<1250x320xf32> -> vector<1250x320xf32>
    %sub3A_44 = vector.broadcast %broadcast_in_dim3A : vector<1250x1xf32> to vector<1250x320xf32>
    %sub3A_45 = arith.subf %add3A_36, %sub3A_44 : vector<1250x320xf32>
    %log3A = math.log %dot_general3A_43 : vector<1250x320xf32>
    %sub3A_46 = arith.subf %sub3A_45, %log3A : vector<1250x320xf32>
    %swap3A = arith.constant 0 : index
    %swap3A_47 = arith.constant 0 : index
    %swap3A_48 = vector.load %arg6[%swap3A, %swap3A_47] : memref<1250x320xf32, #tpu.memory_space<vmem>>, vector<1250x320xf32>
    tpu.vector_store %arg6[%swap3A, %swap3A_47], %sub3A_46 {strides = array<i32>} : memref<1250x320xf32, #tpu.memory_space<vmem>>, vector<1250x320xf32>,
    return
  }
}

</mosaic_0001>

<sc_bundles>
// kernel: kernel.10.cloned.1.call-start
scs
__scs_entry_jumppad:
0x0: {  	(pc) =	sbr.rel $0x88, $3  }
0x1: {  	(tag) =	ssettag $0x0;
	lr =	simm.s32 $0x1  }
0x2: {  	[smem:$0x3F99] =	sst lr;
	_ =	strace $0xD0000000  }
0x3: {  	_ = 	snop  }
0x4: {  	_ = 	snop  }
0x5: {  	_ = 	snop  }
0x6: {  	_ = 	snop  }
0x7: {  	_ = 	snop  }
__scs_overlays_trampoline_lowered:
0x8: {  	[smem:$0x3FA8] =	sst s0  }
0x9: {  	[smem:$0x3FA9] =	sst s1  }
0xa: {  	[smem:$0x3FAA] =	sst s2  }
0xb: {  	[smem:$0x3FAB] =	sst s3  }
0xc: {  	[smem:$0x3FAC] =	sst s4  }
0xd: {  	[smem:$0x3FAD] =	sst s5  }
0xe: {  	[smem:$0x3FAE] =	sst s6  }
0xf: {  	[smem:$0x3FAF] =	sst s7  }
0x10: {  	[smem:$0x3FB0] =	sst s8  }
0x11: {  	[smem:$0x3FB1] =	sst s9;
	s0 =	simm.s32 @!p0 $0x0  }
0x12: {  	s1 =	sld [smem:$0x3F97];
	s0 =	simm.s32 @p0 $0x1  }
0x13: {  	[smem:$0x3FB2] =	sst s0;
	s0 =	simm.s32 @!p1 $0x0  }
0x14: {  	s2 =	sld [smem:$0x3F96];
	s0 =	simm.s32 @p1 $0x1  }
0x15: {  	[smem:$0x3FB3] =	sst s0;
	s0 =	simm.s32 @!p2 $0x0  }
0x16: {  	s3 =	sld [smem:$0x3FDB];
	s0 =	simm.s32 @p2 $0x1  }
0x17: {  	s4 =	simm.s32 $0x1BF5;
	[smem:$0x3FB5] =	sst s0  }
0x18: {  	s0 =	sld [smem:$0x3F98];
	_ =	swait.ge [sflag:s4], $0x0  }
0x19: {  	s7 =	sld [smem:$0x3F99]  }
0x1a: {  	s8 =	sadd.s32 $0xFFFFE003, lr  }
0x1b: {  	s9 =	sadd.s32 $0xFFFFFEF7, lr;
	s5 =	simm.s32 $0xFFFFFFFF;
	p2 =	slt.u32 s8, $0xFFFFF086  }
0x1c: {  	p1 =	slt.u32 s9, $0xF7A;
	s5 =	simm.s32 @!p2 $0x0  }
0x1d: {  	s5 =	simm.s32 @p1 $0x1;
	p0 =	seq.s32 s7, s2  }
0x1e: {  	s7 =	smul.u32 @!p0 $0xF7A, s2;
	p2 =	seq.s32 @!p0 s5, $0x0  }
0x1f: {  	s9 =	smul.u32 $0xF7A, s1;
	s8 =	simm.s32 @!p0 $0x1BF5;
	p2 =	por !p2, p0  }
0x20: {  	[sflag:s8] =	ssyncset.s32 @!p0 $0xFFFFF086;
	s6 =	sadd.s32 @!p0 s3, s7;
	s7 =	simm.s32 @!p0 $0x108  }
0x21: {  	s3 =	sadd.s32 s3, s9;
	s6 =	sadd.s32 @!p0 $0x88, s6;
	s7 =	simm.s32 @p2 $0x1082  }
0x22: {  	[simem:s7], [sflag:s8] =	dma.local @!p0 [hbm:s6], $0xF7A  }
0x23: {  	s9 =	sor.u32 $0xD0000000, s2;
	s6 =	simm.s32 $0x108;
	_ =	swait.ge @!p0 [sflag:s8], $0x0  }
0x24: {  	s3 =	sadd.s32 $0x88, s3;
	s6 =	simm.s32 @!p1 $0x1082;
	[sflag:s4] =	ssyncset.s32 $0xFFFFF086  }
0x25: {  	[simem:s6], [sflag:s4] =	dma.local [hbm:s3], $0xF7A  }
0x26: {  	[smem:$0x3F99] =	sst s1;
	(tag) =	ssettag s2;
	_ =	strace s9  }
0x27: {  	s1 =	sld [smem:$0x3FA9]  }
0x28: {  	s2 =	sld [smem:$0x3FAA]  }
0x29: {  	s4 =	sld [smem:$0x3FAC]  }
0x2a: {  	p0 =	seq.s32 s5, $0x0;
	s5 =	sld [smem:$0x3FAD]  }
0x2b: {  	s6 =	sld [smem:$0x3FAE]  }
0x2c: {  	s7 =	sld [smem:$0x3FAF]  }
0x2d: {  	s3 =	simm.s32 $0x108;
	s8 =	sld [smem:$0x3FB0]  }
0x2e: {  	s3 =	simm.s32 @!p0 $0x1082;
	s9 =	sld [smem:$0x3FB1]  }
0x2f: {  	lr =	sadd.s32 s0, s3;
	s0 =	sld [smem:$0x3FA8]  }
0x30: {  	s3 =	sld [smem:$0x3FAB]  }
0x31: {  	[smem:$0x3FB4] =	sst s10  }
0x32: {  	s10 =	sld [smem:$0x3FB2];
	_ =	sdelay $0x3  }
0x33: {  	p0 =	seq.s32 s10, $0x1;
	s10 =	sld [smem:$0x3FB4];
	_ =	sdelay $0x3  }
0x34: {  	[smem:$0x3FB4] =	sst s10  }
0x35: {  	s10 =	sld [smem:$0x3FB3];
	_ =	sdelay $0x3  }
0x36: {  	p1 =	seq.s32 s10, $0x1;
	s10 =	sld [smem:$0x3FB4];
	_ =	sdelay $0x3  }
0x37: {  	[smem:$0x3FB4] =	sst s10  }
0x38: {  	s10 =	sld [smem:$0x3FB5]  }
0x39: {  	_ = 	snop;
	(pc) =	sbr.ind lr, $3  }
0x3a: {  	_ = 	snop  }
0x3b: {  	_ = 	snop  }
0x3c: {  	p2 =	seq.s32 s10, $0x1;
	s10 =	sld [smem:$0x3FB4]  }
0x3d: {  	_ =	shalt  }
0x3e: {  	_ =	shalt  }
0x3f: {  	_ =	shalt  }
0x40: {  	_ =	shalt  }
0x41: {  	_ =	shalt  }
0x42: {  	_ =	shalt  }
0x43: {  	_ =	shalt  }
0x44: {  	_ =	shalt  }
0x45: {  	_ =	shalt  }
0x46: {  	_ =	shalt  }
0x47: {  	_ =	shalt  }
0x48: {  	_ =	shalt  }
0x49: {  	_ =	shalt  }
0x4a: {  	_ =	shalt  }
0x4b: {  	_ =	shalt  }
0x4c: {  	_ =	shalt  }
0x4d: {  	_ =	shalt  }
0x4e: {  	_ =	shalt  }
0x4f: {  	_ =	shalt  }
0x50: {  	_ =	shalt  }
0x51: {  	_ =	shalt  }
0x52: {  	_ =	shalt  }
0x53: {  	_ =	shalt  }
0x54: {  	_ =	shalt  }
0x55: {  	_ =	shalt  }
0x56: {  	_ =	shalt  }
0x57: {  	_ =	shalt  }
0x58: {  	_ =	shalt  }
0x59: {  	_ =	shalt  }
0x5a: {  	_ =	shalt  }
0x5b: {  	_ =	shalt  }
0x5c: {  	_ =	shalt  }
0x5d: {  	_ =	shalt  }
0x5e: {  	_ =	shalt  }
0x5f: {  	_ =	shalt  }
0x60: {  	_ =	shalt  }
0x61: {  	_ =	shalt  }
0x62: {  	_ =	shalt  }
0x63: {  	_ =	shalt  }
0x64: {  	_ =	shalt  }
0x65: {  	_ =	shalt  }
0x66: {  	_ =	shalt  }
0x67: {  	_ =	shalt  }
0x68: {  	_ =	shalt  }
0x69: {  	_ =	shalt  }
0x6a: {  	_ =	shalt  }
0x6b: {  	_ =	shalt  }
0x6c: {  	_ =	shalt  }
0x6d: {  	_ =	shalt  }
0x6e: {  	_ =	shalt  }
0x6f: {  	_ =	shalt  }
0x70: {  	_ =	shalt  }
0x71: {  	_ =	shalt  }
0x72: {  	_ =	shalt  }
0x73: {  	_ =	shalt  }
0x74: {  	_ =	shalt  }
0x75: {  	_ =	shalt  }
0x76: {  	_ =	shalt  }
0x77: {  	_ =	shalt  }
0x78: {  	_ =	shalt  }
0x79: {  	_ =	shalt  }
0x7a: {  	_ =	shalt  }
0x7b: {  	_ =	shalt  }
0x7c: {  	_ =	shalt  }
0x7d: {  	_ =	shalt  }
0x7e: {  	_ =	shalt  }
0x7f: {  	_ =	shalt  }
0x80: {  	_ =	shalt  }
0x81: {  	_ =	shalt  }
0x82: {  	_ =	shalt  }
0x83: {  	_ =	shalt  }
0x84: {  	_ =	shalt  }
0x85: {  	_ =	shalt  }
0x86: {  	_ =	shalt  }
0x87: {  	_ =	shalt  }
.Lfunc_end0:
.L_simem_size_0:
called_computation.1_lowered:
.L_overlay_start_0:
0x88: {  	s2 =	sld [smem:$0x3FD9]  }
0x89: {  	s3 =	sld [smem:$0x3FFE];
	_ =	sdelay $0x1  }
0x8a: {  	s1 =	srdreg.scid  }
0x8b: {  	s0 =	sand.u32 $0x1, s1  }
0x8c: {  	s17 =	sshll.u32 s0, $0xA;
	s2 =	sadd.s32 s3, s2  }
0x8d: {  	s2 =	sadd.s32 s2, s17  }
0x8e: {  	[smem:$0x3FC0] =	sst s2  }
0x8f: {  	_ = 	snop  }
0x90: {  	s2 =	sld [smem:$0x3FD0];
	(tm) =	ssettm $0x1  }
0x91: {  	s18 =	sld [smem:$0x3FFB];
	_ =	sdelay $0x3  }
0x92: {  	_ =	strace s18  }
0x93: {  	s3 =	sld [smem:$0x3FFC];
	_ =	sdelay $0x3  }
0x94: {  	_ =	strace s3  }
0x95: {  	s3 =	sld [smem:$0x3FFD];
	_ =	sdelay $0x3  }
0x96: {  	_ =	strace s3  }
0x97: {  	_ =	strace $0x8FFFFFFF  }
0x98: {  	s19 =	sld [smem:$0x3FDB];
	_ =	sdelay $0x1  }
0x99: {  	s4 =	simm.s32 $_scs_section_size  }
0x9a: {  	s5 =	simm.s32 $_size__tile_overlayer_lowered;
	s6 =	simm.s32 $_tile_overlayer_lowered  }
0x9b: {  	s22 =	simm.s32 $0x1BFF;
	s21 =	sshll.u32 s6, $0x1;
	s3 =	sadd.s32 s4, s19  }
0x9c: {  	s7 =	simm.s32 $0x0;
	s20 =	sshll.u32 s5, $0x1;
	s5 =	sadd.s32 s21, s3  }
0x9d: {  	[timem:s7], [sflag:s22] =	dma.local [hbm:s5], s20  }
0x9e: {  	_ =	swait.ge [sflag:s22], s20  }
0x9f: {  	s4 =	ssub.s32 $0x0, s20;
	[sflag:s22] =	ssyncset.done $0x0  }
0xa0: {  	[sflag:s22] =	ssyncadd.s32 s4;
	_ =	sdelay $0x1  }
0xa1: {  	s23 =	simm.s32 $0x1B8B  }
0xa2: {  	_ =	swait.ge [sflag:s23], $0x1  }
0xa3: {  	[sflag:s23] =	ssyncset.done $0x0  }
0xa4: {  	s25 =	simm.s32 $0x1B8E;
	s24 =	sld [smem:$0x3FFE];
	[sflag:s23] =	ssyncadd.s32 $0xFFFFFFFF  }
0xa5: {  	s26 =	simm.s32 $execute0_lowered;
	[smem:$0x3FD2] =	sst s25  }
0xa6: {  	s5 =	sshll.u32 s26, $0x1;
	_ =	strace $0x80000049;
	[dreg:$0x1] =	wrdreg $0xFFFFFFFF  }
0xa7: {  	s28 =	simm.s32 $_size_execute0_lowered;
	s3 =	sadd.s32 s3, s5;
	[dreg:$0x0] =	wrdreg $0x0  }
0xa8: {  	s5 =	sshll.u32 s28, $0x1;
	[dreg:$0x2] =	wrdreg s3  }
0xa9: {  	[dreg:$0x3] =	wrdreg s5  }
0xaa: {  	[dreg:$0x4] =	wrdreg $0xC0  }
0xab: {  	_ =	task [dreg:s7], $0x5FFFF  }
0xac: {  	[dreg:$0x1] =	wrdreg $0xFFFFFFFF  }
0xad: {  	[dreg:$0x0] =	wrdreg $0x60  }
0xae: {  	[dreg:$0x2] =	wrdreg s24  }
0xaf: {  	[dreg:$0x3] =	wrdreg s2  }
0xb0: {  	[dreg:$0x4] =	wrdreg $0x7F000  }
0xb1: {  	[dreg:$0x5] =	wrdreg $0x9  }
0xb2: {  	_ =	task.clear_ibuf [dreg:s7], $0x6FFFF;
	_ =	strace $0x90000049  }
0xb3: {  	s29 =	simm.s32 $0x9;
	_ =	strace $0x8000004B  }
0xb4: {  	_ =	swait.ge [sflag:s29], $0x1  }
0xb5: {  	[sflag:s29] =	ssyncadd.s32 $0xFFFFFFFF  }
0xb6: {  	_ =	strace $0x9000004B  }
0xb7: {  	_ =	sfence  }
0xb8: {  	s30 =	sld [smem:$0x0];
	_ =	sdelay $0x2  }
0xb9: {  	s31 =	sshll.u32 s1, $0xD;
	s1 =	sshrl.u32 s1, $0x2  }
0xba: {  	s3 =	sand.u32 $0x4000, s31;
	s1 =	sadd.s32 s1, s30  }
0xbb: {  	s0 =	sor.u32 s3, s0;
	s1 =	sshll.u32 s1, $0x11  }
0xbc: {  	s0 =	sor.u32 s1, s0  }
0xbd: {  	s0 =	sadd.s32 $0x8F2B, s0  }
0xbe: {  	[sflag:s0] =	ssyncadd.remote.s32 $0x1  }
0xbf: {  	_ =	sfence.sel $0xFFFF  }
0xc0: {  	[dreg:$0x0] =	wrdreg $0xFFFFFFFF;
	(pc) =	sbr.abs _section_cstart, $3  }
0xc1: {  	[dreg:$0x1] =	wrdreg $0xFFFFFFFF  }
0xc2: {  	_ =	task.clear_ibuf [dreg:s7], $0x2FFFF;
	_ =	strace $0x9FFFFFFF  }
0xc3: {  	(tm) =	ssettm $0x7FFFFFFF  }
tec
execute0_lowered:
.L_overlay_start_1:
0x0: {  	(tag) =	ssettag $0x1  }
0x1: {  	s0 =	rddreg [dreg:$0x0]  }
0x2: {  	s1 =	rddreg [dreg:$0x1]  }
0x3: {  	s2 =	rddreg [dreg:$0x2];
	s3 =	simm.s32 $0x0  }
0x4: {  	s14 =	stileid.u32;
	s5 =	srdreg.scid;
	s16 =	simm.s32 $0x80  }
0x5: {  	s28 =	simm.s32 $0x1;
	s29 =	simm.s32 $0x2;
	s30 =	simm.s32 $0x7  }
0x6: {  	s31 =	simm.s32 $0x4;
	s15 =	simm.s32 $0xB;
	[smem:$0x7FF] =	sst s3  }
0x7: {  	s8 =	smul.u32 $0x2800, s14;
	s4 =	sadd.s32 $0x16600, s0;
	s9 =	sadd.s32 $0x2C00, s0  }
0x8: {  	s6 =	sand.u32 $0x1, s5;
	s10 =	sshll.u32 s14, $0x1;
	s20 =	sshll.u32 s14, $0x6  }
0x9: {  	p0 =	sgt.u32 s14, $0x1;
	s14 =	simm.s32 $0xD;
	_ =	strace $0x8000004A  }
0xa: {  	s7 =	ssub.s32 $0x2, s6;
	s10 =	sor.u32 s6, s10;
	s11 =	smul.u32 $0x28000, s6  }
0xb: {  	s6 =	sor.u32 $0x1C0D, s20;
	s20 =	simm.s32 $0x0;
	s17 =	sshrl.u32 s8, $0x3  }
0xc: {  	s18 =	sshrl.u32 s7, $0x1;
	s13 =	sadd.s32 s8, s2;
	s19 =	smul.u32 $0x2700, s10  }
0xd: {  	s10 =	sshll.u32 s10, $0x4;
	s0 =	sadd.s32 s17, s0;
	s12 =	ssub.s32 s7, s18  }
0xe: {  	s23 =	sadd.s32 s10, s9;
	s24 =	sadd.s32 s8, s11;
	s13 =	sshrl.u32 s13, $0x3  }
0xf: {  	s17 =	simm.s32 $0x4F00;
	s18 =	simm.s32 $0x5700;
	s0 =	sadd.s32 $0x1B600, s0  }
0x10: {  	s21 =	sshrl.u32 s19, $0x3;
	s25 =	sadd.s32 $0x9C00, s23;
	s11 =	sshrl.u32 s24, $0x3  }
0x11: {  	s12 =	smax.u32 s12, $0x1;
	s24 =	simm.s32 $0x6F00;
	[dreg:$0x4] =	wrdreg s0  }
.Ltmp0:
0x12: {  	s22 =	sadd.s32 s9, s21;
	[dreg:$0x7] =	wrdreg s25;
	(pc) =	sbr.rel .LBB2_1-.Ltmp0, $4  }
0x13: {  	s19 =	simm.s32 $0xC;
	s0 =	sadd.s32 $0x13840, s23;
	[dreg:$0x5] =	wrdreg s22  }
0x14: {  	s26 =	sadd.s32 s1, s11;
	s1 =	simm.s32 $0x6;
	[dreg:$0x8] =	wrdreg s0  }
0x15: {  	s5 =	sadd.s32 $0x9C40, s22;
	[dreg:$0x9] =	wrdreg s26;
	s22 =	simm.s32 $0x6700  }
0x16: {  	s26 =	simm.s32 $0x7700;
	s0 =	simm.s32 $0x9;
	[dreg:$0x6] =	wrdreg s5  }
.LBB2_4:
0x17: {  	_ =	swait.ge [sflag:s19], $0x800  }
0x18: {  	s5 =	simm.s32 @!p0 $0x80;
	[sflag:s19] =	ssyncset.done $0x0  }
0x19: {  	s7 =	simm.s32 @!p0 $0x2700;
	s8 =	simm.s32 @!p0 $0x4F00;
	[sflag:s19] =	ssyncadd.s32 $0xFFFFF800  }
0x1a: {  	[tilespmem:s8], [sflag:$0x1] =	stream.indirect.gather @!p0 [hbm4b:s4+s5], $0x10, s7, s5, $0xb8;
	[tilespmem:$0xA700] =	vst v63  }
0x1b: {  	s7 =	simm.s32 @!p0 $0x1  }
0x1c: {  	_ =	swait.ge @!p0 [sflag:s7], $0x800  }
0x1d: {  	[sflag:s7] =	ssyncset.done @!p0 $0x0  }
0x1e: {  	[sflag:s7] =	ssyncadd.s32 @!p0 $0xFFFFF800;
	s7 =	simm.s32 @!p0 $0x4E80  }
0x1f: {  	[spmem:s2] =	stream.indirect.scatter.add.f32 @!p0 [tilespmem:s8], [sflag:$0x7], $0x10, s7, s5, $0xb8;
	[tilespmem:$0xA700] =	vst v63  }
0x20: {  	s5 =	simm.s32 @!p0 $0x7  }
0x21: {  	_ =	swait.ge @!p0 [sflag:s5], $0x800  }
0x22: {  	[sflag:s5] =	ssyncset.done @!p0 $0x0  }
0x23: {  	s20 =	sadd.s32 $0x1, s20;
	[sflag:s5] =	ssyncadd.s32 @!p0 $0xFFFFF800  }
0x24: {  	p1 =	sne.s32 s20, s12;
	[bflag:$0x0] =	sbarrier.arrive $0xFFFF  }
.Ltmp1:
0x25: {  	s25 =	rddreg [dreg:$0x9];
	(pc) =	sbr.rel @!p1 .LBB2_5-.Ltmp1, $4  }
0x26: {  	[hbm:s25], [sflag:s6] =	dma.local [spmem:s13], $0x500  }
0x27: {  	_ =	swait.ge [sflag:s14], $0x500  }
0x28: {  	[sflag:s14] =	ssyncset.done $0x0  }
0x29: {  	[sflag:s14] =	ssyncadd.s32 $0xFFFFFB00  }
.LBB2_1:
0x2a: {  	s5 =	rddreg [dreg:$0x4]  }
0x2b: {  	[spmem:s13], [sflag:s6] =	dma.local [hbm:s5], $0x500  }
0x2c: {  	_ =	swait.ge [sflag:s14], $0x500  }
0x2d: {  	[sflag:s14] =	ssyncset.done $0x0  }
0x2e: {  	s8 =	rddreg [dreg:$0x5];
	[sflag:s14] =	ssyncadd.s32 $0xFFFFFB00  }
0x2f: {  	[tilespmem:s3], [sflag:$0xD] =	stream.linear.gather [hbm4b:s8+s3], $0x2700, $0x38;
	[tilespmem:$0xA700] =	vst v63  }
0x30: {  	_ =	swait.ge [sflag:s14], $0x2700  }
0x31: {  	[sflag:s14] =	ssyncset.done $0x0  }
0x32: {  	s7 =	simm.s32 $0x2780;
	s9 =	rddreg [dreg:$0x6];
	[sflag:s14] =	ssyncadd.s32 $0xFFFFD900  }
0x33: {  	[tilespmem:s7], [sflag:$0xD] =	stream.linear.gather [hbm4b:s9+s3], $0x2700, $0x38;
	[tilespmem:$0xA700] =	vst v63  }
0x34: {  	_ =	swait.ge [sflag:s14], $0x2700  }
0x35: {  	s21 =	simm.s32 @!p0 $0x0;
	[sflag:s14] =	ssyncset.done $0x0  }
0x36: {  	s23 =	simm.s32 @!p0 $0x2700;
	s5 =	rddreg [dreg:$0x7];
	[sflag:s14] =	ssyncadd.s32 $0xFFFFD900  }
0x37: {  	[tilespmem:s23], [sflag:$0xD] =	stream.linear.gather @!p0 [hbm4b:s5+s21], $0x80, $0x38;
	[tilespmem:$0xA700] =	vst v63  }
0x38: {  	s23 =	simm.s32 @!p0 $0xD  }
0x39: {  	_ =	swait.ge @!p0 [sflag:s23], $0x80  }
0x3a: {  	[sflag:s23] =	ssyncset.done @!p0 $0x0  }
0x3b: {  	s25 =	simm.s32 @!p0 $0x4E80;
	s5 =	rddreg [dreg:$0x8];
	[sflag:s23] =	ssyncadd.s32 @!p0 $0xFFFFFF80  }
0x3c: {  	[tilespmem:s25], [sflag:$0xD] =	stream.linear.gather @!p0 [hbm4b:s5+s21], $0x80, $0x38;
	[tilespmem:$0xA700] =	vst v63  }
0x3d: {  	_ =	swait.ge @!p0 [sflag:s23], $0x80  }
0x3e: {  	[sflag:s23] =	ssyncset.done @!p0 $0x0  }
0x3f: {  	[sflag:s23] =	ssyncadd.s32 @!p0 $0xFFFFFF80  }
0x40: {  	[bflag:$0x0] =	sbarrier.arrive $0xFFFF  }
0x41: {  	[tilespmem:s17], [sflag:$0x1] =	stream.indirect.gather [hbm4b:s4+s16], $0x10, s3, s16, $0xb8;
	[tilespmem:$0xA700] =	vst v63  }
0x42: {  	_ = 	snop  }
0x43: {  	[tilespmem:s18], [sflag:$0x2] =	stream.indirect.gather [hbm4b:s4+s16], $0x10, s16, s16, $0xb8;
	[tilespmem:$0xA700] =	vst v63  }
0x44: {  	s10 =	simm.s32 $0x100;
	s11 =	simm.s32 $0x5F00  }
0x45: {  	[tilespmem:s11], [sflag:$0x3] =	stream.indirect.gather [hbm4b:s4+s16], $0x10, s10, s16, $0xb8;
	[tilespmem:$0xA700] =	vst v63  }
0x46: {  	s21 =	simm.s32 $0x180  }
0x47: {  	[tilespmem:s22], [sflag:$0x4] =	stream.indirect.gather [hbm4b:s4+s16], $0x10, s21, s16, $0xb8;
	[tilespmem:$0xA700] =	vst v63  }
0x48: {  	s23 =	simm.s32 $0x200  }
0x49: {  	[tilespmem:s24], [sflag:$0x5] =	stream.indirect.gather [hbm4b:s4+s16], $0x10, s23, s16, $0xb8;
	[tilespmem:$0xA700] =	vst v63  }
0x4a: {  	s25 =	simm.s32 $0x280;
	s21 =	simm.s32 $0x0  }
0x4b: {  	[tilespmem:s26], [sflag:$0x6] =	stream.indirect.gather [hbm4b:s4+s16], $0x10, s25, s16, $0xb8;
	[tilespmem:$0xA700] =	vst v63  }
.LBB2_2:
0x4c: {  	_ =	swait.ge [sflag:s28], $0x800  }
0x4d: {  	s23 =	sshra.s32 s21, $0x2;
	[sflag:s28] =	ssyncset.done $0x0  }
0x4e: {  	p1 =	seq.s32 s21, $0x0;
	s25 =	sadd.s32 $0x2780, s23;
	[sflag:s28] =	ssyncadd.s32 $0xFFFFF800  }
0x4f: {  	[spmem:s2] =	stream.indirect.scatter.add.f32 [tilespmem:s17], [sflag:$0x7], $0x10, s25, s16, $0xb8;
	[tilespmem:$0xA700] =	vst v63  }
0x50: {  	s25 =	simm.s32 @!p1 $0xC  }
0x51: {  	_ =	swait.ge @!p1 [sflag:s25], $0x800  }
0x52: {  	[sflag:s25] =	ssyncset.done @!p1 $0x0  }
0x53: {  	[sflag:s25] =	ssyncadd.s32 @!p1 $0xFFFFF800;
	s25 =	sshra.s32 @!p1 s21, $0x2  }
0x54: {  	s5 =	simm.s32 @!p1 $0x80;
	s8 =	simm.s32 @!p1 $0x7700;
	s25 =	sadd.s32 @!p1 $0x280, s25  }
0x55: {  	[tilespmem:s8], [sflag:$0x6] =	stream.indirect.gather @!p1 [hbm4b:s4+s5], $0x10, s25, s5, $0xb8;
	[tilespmem:$0xA700] =	vst v63  }
0x56: {  	_ =	swait.ge [sflag:s29], $0x800  }
0x57: {  	[sflag:s29] =	ssyncset.done $0x0  }
0x58: {  	s10 =	sadd.s32 $0x2800, s23;
	[sflag:s29] =	ssyncadd.s32 $0xFFFFF800  }
0x59: {  	[spmem:s2] =	stream.indirect.scatter.add.f32 [tilespmem:s18], [sflag:$0x8], $0x10, s10, s16, $0xb8;
	[tilespmem:$0xA700] =	vst v63  }
0x5a: {  	_ =	swait.ge [sflag:s30], $0x800  }
0x5b: {  	p1 =	seq.s32 s21, $0x9000;
	[sflag:s30] =	ssyncset.done $0x0  }
0x5c: {  	s5 =	simm.s32 @p1 $0x3;
	[sflag:s30] =	ssyncadd.s32 $0xFFFFF800  }
0x5d: {  	_ =	swait.ge @p1 [sflag:s5], $0x800  }
0x5e: {  	[sflag:s5] =	ssyncset.done @p1 $0x0  }
0x5f: {  	[sflag:s5] =	ssyncadd.s32 @p1 $0xFFFFF800;
	s5 =	sshra.s32 @p1 s21, $0x2  }
0x60: {  	s25 =	simm.s32 @p1 $0x80;
	s9 =	simm.s32 @p1 $0x5F00;
	s8 =	sadd.s32 @p1 $0x2880, s5  }
0x61: {  	[spmem:s2] =	stream.indirect.scatter.add.f32 @p1 [tilespmem:s9], [sflag:$0x9], $0x10, s8, s25, $0xb8;
	[tilespmem:$0xA700] =	vst v63  }
0x62: {  	s8 =	simm.s32 @p1 $0x8  }
0x63: {  	_ =	swait.ge @p1 [sflag:s8], $0x800  }
0x64: {  	[sflag:s8] =	ssyncset.done @p1 $0x0  }
0x65: {  	[sflag:s8] =	ssyncadd.s32 @p1 $0xFFFFF800;
	s8 =	sshra.s32 @!p1 s21, $0x2  }
0x66: {  	s7 =	simm.s32 @!p1 $0x4F00;
	s10 =	simm.s32 @!p1 $0x80;
	s9 =	sadd.s32 @!p1 $0x300, s8  }
0x67: {  	[tilespmem:s7], [sflag:$0x1] =	stream.indirect.gather @!p1 [hbm4b:s4+s10], $0x10, s9, s10, $0xb8;
	[tilespmem:$0xA700] =	vst v63  }
0x68: {  	s7 =	simm.s32 @!p1 $0x3  }
0x69: {  	_ =	swait.ge @!p1 [sflag:s7], $0x800  }
0x6a: {  	[sflag:s7] =	ssyncset.done @!p1 $0x0  }
0x6b: {  	s9 =	simm.s32 @!p1 $0x5F00;
	[sflag:s7] =	ssyncadd.s32 @!p1 $0xFFFFF800;
	s7 =	sadd.s32 @!p1 $0x2880, s8  }
0x6c: {  	[spmem:s2] =	stream.indirect.scatter.add.f32 @!p1 [tilespmem:s9], [sflag:$0x9], $0x10, s7, s10, $0xb8;
	[tilespmem:$0xA700] =	vst v63  }
0x6d: {  	s7 =	simm.s32 @!p1 $0x8  }
0x6e: {  	_ =	swait.ge @!p1 [sflag:s7], $0x800  }
0x6f: {  	[sflag:s7] =	ssyncset.done @!p1 $0x0  }
0x70: {  	s11 =	simm.s32 @!p1 $0x5700;
	[sflag:s7] =	ssyncadd.s32 @!p1 $0xFFFFF800;
	s7 =	sadd.s32 @!p1 $0x380, s8  }
0x71: {  	[tilespmem:s11], [sflag:$0x2] =	stream.indirect.gather @!p1 [hbm4b:s4+s10], $0x10, s7, s10, $0xb8;
	[tilespmem:$0xA700] =	vst v63  }
0x72: {  	_ =	swait.ge [sflag:s31], $0x800  }
0x73: {  	[sflag:s31] =	ssyncset.done $0x0  }
0x74: {  	s11 =	sadd.s32 $0x2900, s23;
	[sflag:s31] =	ssyncadd.s32 $0xFFFFF800  }
0x75: {  	[spmem:s2] =	stream.indirect.scatter.add.f32 [tilespmem:s22], [sflag:$0xA], $0x10, s11, s16, $0xb8;
	[tilespmem:$0xA700] =	vst v63  }
0x76: {  	_ =	swait.ge [sflag:s0], $0x800  }
0x77: {  	[sflag:s0] =	ssyncset.done $0x0  }
0x78: {  	s7 =	simm.s32 @p1 $0x5;
	[sflag:s0] =	ssyncadd.s32 $0xFFFFF800  }
0x79: {  	_ =	swait.ge @p1 [sflag:s7], $0x800  }
0x7a: {  	[sflag:s7] =	ssyncset.done @p1 $0x0  }
0x7b: {  	s5 =	sadd.s32 @p1 $0x2980, s5;
	[sflag:s7] =	ssyncadd.s32 @p1 $0xFFFFF800;
	s7 =	simm.s32 @p1 $0x6F00  }
0x7c: {  	[spmem:s2] =	stream.indirect.scatter.add.f32 @p1 [tilespmem:s7], [sflag:$0xB], $0x10, s5, s25, $0xb8;
	[tilespmem:$0xA700] =	vst v63  }
0x7d: {  	s5 =	simm.s32 @p1 $0xA  }
0x7e: {  	_ =	swait.ge @p1 [sflag:s5], $0x800  }
0x7f: {  	[sflag:s5] =	ssyncset.done @p1 $0x0  }
0x80: {  	[sflag:s5] =	ssyncadd.s32 @p1 $0xFFFFF800;
	s5 =	sadd.s32 @!p1 $0x400, s8  }
0x81: {  	[tilespmem:s9], [sflag:$0x3] =	stream.indirect.gather @!p1 [hbm4b:s4+s10], $0x10, s5, s10, $0xb8;
	[tilespmem:$0xA700] =	vst v63  }
0x82: {  	s5 =	simm.s32 @!p1 $0x5  }
0x83: {  	_ =	swait.ge @!p1 [sflag:s5], $0x800  }
0x84: {  	[sflag:s5] =	ssyncset.done @!p1 $0x0  }
0x85: {  	s7 =	simm.s32 @!p1 $0x6F00;
	[sflag:s5] =	ssyncadd.s32 @!p1 $0xFFFFF800;
	s5 =	sadd.s32 @!p1 $0x2980, s8  }
0x86: {  	[spmem:s2] =	stream.indirect.scatter.add.f32 @!p1 [tilespmem:s7], [sflag:$0xB], $0x10, s5, s10, $0xb8;
	[tilespmem:$0xA700] =	vst v63  }
0x87: {  	s5 =	simm.s32 @!p1 $0xA  }
0x88: {  	_ =	swait.ge @!p1 [sflag:s5], $0x800  }
0x89: {  	[sflag:s5] =	ssyncset.done @!p1 $0x0  }
0x8a: {  	s7 =	simm.s32 @!p1 $0x6700;
	[sflag:s5] =	ssyncadd.s32 @!p1 $0xFFFFF800;
	s5 =	sadd.s32 @!p1 $0x480, s8  }
0x8b: {  	[tilespmem:s7], [sflag:$0x4] =	stream.indirect.gather @!p1 [hbm4b:s4+s10], $0x10, s5, s10, $0xb8;
	[tilespmem:$0xA700] =	vst v63  }
0x8c: {  	_ =	swait.ge [sflag:s1], $0x800  }
0x8d: {  	[sflag:s1] =	ssyncset.done $0x0  }
.Ltmp2:
0x8e: {  	s25 =	sadd.s32 $0x2A00, s23;
	[sflag:s1] =	ssyncadd.s32 $0xFFFFF800;
	(pc) =	sbr.rel @p1 .LBB2_4-.Ltmp2, $4  }
0x8f: {  	[spmem:s2] =	stream.indirect.scatter.add.f32 [tilespmem:s26], [sflag:$0xC], $0x10, s25, s16, $0xb8;
	[tilespmem:$0xA700] =	vst v63  }
0x90: {  	_ =	swait.ge [sflag:s15], $0x800  }
0x91: {  	[sflag:s15] =	ssyncset.done $0x0  }
0x92: {  	[sflag:s15] =	ssyncadd.s32 $0xFFFFF800  }
.Ltmp3:
0x93: {  	(pc) =	sbr.rel .LBB2_2-.Ltmp3, $3  }
0x94: {  	_ =	sdelay $0x1  }
0x95: {  	s5 =	sadd.s32 $0x500, s23;
	s21 =	sadd.s32 $0xC00, s21  }
0x96: {  	[tilespmem:s24], [sflag:$0x5] =	stream.indirect.gather [hbm4b:s4+s16], $0x10, s5, s16, $0xb8;
	[tilespmem:$0xA700] =	vst v63  }
.LBB2_5:
0x97: {  	_ =	sfence.sel $0x180000  }
0x98: {  	[bflag:$0x0] =	sbarrier.arrive $0xFFFF  }
0x99: {  	_ =	strace $0x9000004A  }
0x9a: {  	s0 =	stileid.u32;
	[bflag:$0x2] =	sbarrier.arrive $0xFFFF  }
0x9b: {  	p0 =	sne.s32 s0, $0x0;
	s0 =	rddreg [dreg:$0x3]  }
0x9c: {  	s0 =	sadd.s32 @!p0 $0x100000, s0  }
0x9d: {  	[sflag:s0] =	ssyncadd.tile.s32 @!p0 $0x1;
	_ =	shalt  }
.Lfunc_end2:
_tile_overlayer_lowered:
.L_overlay_start_2:
0x9e: {  	(tag) =	ssettag $0x2  }
0x9f: {  	s0 =	rddreg [dreg:$0x0];
	s2 =	stileid.u32  }
0xa0: {  	s1 =	rddreg [dreg:$0x1];
	p0 =	sne.s32 s2, $0x0  }
0xa1: {  	s3 =	rddreg [dreg:$0x2];
	[bflag:$0x3] =	sbarrier.arrive $0xFFFF;
	s2 =	simm.s32 @!p0 $0x1C0D  }
0xa2: {  	[timem:s3], [sflag:s2] =	dma.local @!p0 [hbm:s0], s1  }
0xa3: {  	s0 =	simm.s32 @!p0 $0xD  }
0xa4: {  	_ =	swait.ge @!p0 [sflag:s0], s1  }
0xa5: {  	s1 =	ssub.s32 @!p0 $0x0, s1;
	[sflag:s0] =	ssyncset.done @!p0 $0x0  }
0xa6: {  	[sflag:s0] =	ssyncadd.s32 @!p0 s1  }
0xa7: {  	[bflag:$0x3] =	sbarrier.arrive $0xFFFF  }
0xa8: {  	_ =	shalt  }

// kernel: kernel.7.cloned.1.call-start
scs
__scs_entry_jumppad:
0x0: {  	(pc) =	sbr.rel $0x88, $3  }
0x1: {  	(tag) =	ssettag $0x0;
	lr =	simm.s32 $0x1  }
0x2: {  	[smem:$0x3F99] =	sst lr;
	_ =	strace $0xD0000000  }
0x3: {  	_ = 	snop  }
0x4: {  	_ = 	snop  }
0x5: {  	_ = 	snop  }
0x6: {  	_ = 	snop  }
0x7: {  	_ = 	snop  }
__scs_overlays_trampoline_lowered:
0x8: {  	[smem:$0x3FA8] =	sst s0  }
0x9: {  	[smem:$0x3FA9] =	sst s1  }
0xa: {  	[smem:$0x3FAA] =	sst s2  }
0xb: {  	[smem:$0x3FAB] =	sst s3  }
0xc: {  	[smem:$0x3FAC] =	sst s4  }
0xd: {  	[smem:$0x3FAD] =	sst s5  }
0xe: {  	[smem:$0x3FAE] =	sst s6  }
0xf: {  	[smem:$0x3FAF] =	sst s7  }
0x10: {  	[smem:$0x3FB0] =	sst s8  }
0x11: {  	[smem:$0x3FB1] =	sst s9;
	s0 =	simm.s32 @!p0 $0x0  }
0x12: {  	s1 =	sld [smem:$0x3F97];
	s0 =	simm.s32 @p0 $0x1  }
0x13: {  	[smem:$0x3FB2] =	sst s0;
	s0 =	simm.s32 @!p1 $0x0  }
0x14: {  	s2 =	sld [smem:$0x3F96];
	s0 =	simm.s32 @p1 $0x1  }
0x15: {  	[smem:$0x3FB3] =	sst s0;
	s0 =	simm.s32 @!p2 $0x0  }
0x16: {  	s3 =	sld [smem:$0x3FDB];
	s0 =	simm.s32 @p2 $0x1  }
0x17: {  	s4 =	simm.s32 $0x1BF5;
	[smem:$0x3FB5] =	sst s0  }
0x18: {  	s0 =	sld [smem:$0x3F98];
	_ =	swait.ge [sflag:s4], $0x0  }
0x19: {  	s7 =	sld [smem:$0x3F99]  }
0x1a: {  	s8 =	sadd.s32 $0xFFFFE003, lr  }
0x1b: {  	s9 =	sadd.s32 $0xFFFFFEF7, lr;
	s5 =	simm.s32 $0xFFFFFFFF;
	p2 =	slt.u32 s8, $0xFFFFF086  }
0x1c: {  	p1 =	slt.u32 s9, $0xF7A;
	s5 =	simm.s32 @!p2 $0x0  }
0x1d: {  	s5 =	simm.s32 @p1 $0x1;
	p0 =	seq.s32 s7, s2  }
0x1e: {  	s7 =	smul.u32 @!p0 $0xF7A, s2;
	p2 =	seq.s32 @!p0 s5, $0x0  }
0x1f: {  	s9 =	smul.u32 $0xF7A, s1;
	s8 =	simm.s32 @!p0 $0x1BF5;
	p2 =	por !p2, p0  }
0x20: {  	[sflag:s8] =	ssyncset.s32 @!p0 $0xFFFFF086;
	s6 =	sadd.s32 @!p0 s3, s7;
	s7 =	simm.s32 @!p0 $0x108  }
0x21: {  	s3 =	sadd.s32 s3, s9;
	s6 =	sadd.s32 @!p0 $0x88, s6;
	s7 =	simm.s32 @p2 $0x1082  }
0x22: {  	[simem:s7], [sflag:s8] =	dma.local @!p0 [hbm:s6], $0xF7A  }
0x23: {  	s9 =	sor.u32 $0xD0000000, s2;
	s6 =	simm.s32 $0x108;
	_ =	swait.ge @!p0 [sflag:s8], $0x0  }
0x24: {  	s3 =	sadd.s32 $0x88, s3;
	s6 =	simm.s32 @!p1 $0x1082;
	[sflag:s4] =	ssyncset.s32 $0xFFFFF086  }
0x25: {  	[simem:s6], [sflag:s4] =	dma.local [hbm:s3], $0xF7A  }
0x26: {  	[smem:$0x3F99] =	sst s1;
	(tag) =	ssettag s2;
	_ =	strace s9  }
0x27: {  	s1 =	sld [smem:$0x3FA9]  }
0x28: {  	s2 =	sld [smem:$0x3FAA]  }
0x29: {  	s4 =	sld [smem:$0x3FAC]  }
0x2a: {  	p0 =	seq.s32 s5, $0x0;
	s5 =	sld [smem:$0x3FAD]  }
0x2b: {  	s6 =	sld [smem:$0x3FAE]  }
0x2c: {  	s7 =	sld [smem:$0x3FAF]  }
0x2d: {  	s3 =	simm.s32 $0x108;
	s8 =	sld [smem:$0x3FB0]  }
0x2e: {  	s3 =	simm.s32 @!p0 $0x1082;
	s9 =	sld [smem:$0x3FB1]  }
0x2f: {  	lr =	sadd.s32 s0, s3;
	s0 =	sld [smem:$0x3FA8]  }
0x30: {  	s3 =	sld [smem:$0x3FAB]  }
0x31: {  	[smem:$0x3FB4] =	sst s10  }
0x32: {  	s10 =	sld [smem:$0x3FB2];
	_ =	sdelay $0x3  }
0x33: {  	p0 =	seq.s32 s10, $0x1;
	s10 =	sld [smem:$0x3FB4];
	_ =	sdelay $0x3  }
0x34: {  	[smem:$0x3FB4] =	sst s10  }
0x35: {  	s10 =	sld [smem:$0x3FB3];
	_ =	sdelay $0x3  }
0x36: {  	p1 =	seq.s32 s10, $0x1;
	s10 =	sld [smem:$0x3FB4];
	_ =	sdelay $0x3  }
0x37: {  	[smem:$0x3FB4] =	sst s10  }
0x38: {  	s10 =	sld [smem:$0x3FB5]  }
0x39: {  	_ = 	snop;
	(pc) =	sbr.ind lr, $3  }
0x3a: {  	_ = 	snop  }
0x3b: {  	_ = 	snop  }
0x3c: {  	p2 =	seq.s32 s10, $0x1;
	s10 =	sld [smem:$0x3FB4]  }
0x3d: {  	_ =	shalt  }
0x3e: {  	_ =	shalt  }
0x3f: {  	_ =	shalt  }
0x40: {  	_ =	shalt  }
0x41: {  	_ =	shalt  }
0x42: {  	_ =	shalt  }
0x43: {  	_ =	shalt  }
0x44: {  	_ =	shalt  }
0x45: {  	_ =	shalt  }
0x46: {  	_ =	shalt  }
0x47: {  	_ =	shalt  }
0x48: {  	_ =	shalt  }
0x49: {  	_ =	shalt  }
0x4a: {  	_ =	shalt  }
0x4b: {  	_ =	shalt  }
0x4c: {  	_ =	shalt  }
0x4d: {  	_ =	shalt  }
0x4e: {  	_ =	shalt  }
0x4f: {  	_ =	shalt  }
0x50: {  	_ =	shalt  }
0x51: {  	_ =	shalt  }
0x52: {  	_ =	shalt  }
0x53: {  	_ =	shalt  }
0x54: {  	_ =	shalt  }
0x55: {  	_ =	shalt  }
0x56: {  	_ =	shalt  }
0x57: {  	_ =	shalt  }
0x58: {  	_ =	shalt  }
0x59: {  	_ =	shalt  }
0x5a: {  	_ =	shalt  }
0x5b: {  	_ =	shalt  }
0x5c: {  	_ =	shalt  }
0x5d: {  	_ =	shalt  }
0x5e: {  	_ =	shalt  }
0x5f: {  	_ =	shalt  }
0x60: {  	_ =	shalt  }
0x61: {  	_ =	shalt  }
0x62: {  	_ =	shalt  }
0x63: {  	_ =	shalt  }
0x64: {  	_ =	shalt  }
0x65: {  	_ =	shalt  }
0x66: {  	_ =	shalt  }
0x67: {  	_ =	shalt  }
0x68: {  	_ =	shalt  }
0x69: {  	_ =	shalt  }
0x6a: {  	_ =	shalt  }
0x6b: {  	_ =	shalt  }
0x6c: {  	_ =	shalt  }
0x6d: {  	_ =	shalt  }
0x6e: {  	_ =	shalt  }
0x6f: {  	_ =	shalt  }
0x70: {  	_ =	shalt  }
0x71: {  	_ =	shalt  }
0x72: {  	_ =	shalt  }
0x73: {  	_ =	shalt  }
0x74: {  	_ =	shalt  }
0x75: {  	_ =	shalt  }
0x76: {  	_ =	shalt  }
0x77: {  	_ =	shalt  }
0x78: {  	_ =	shalt  }
0x79: {  	_ =	shalt  }
0x7a: {  	_ =	shalt  }
0x7b: {  	_ =	shalt  }
0x7c: {  	_ =	shalt  }
0x7d: {  	_ =	shalt  }
0x7e: {  	_ =	shalt  }
0x7f: {  	_ =	shalt  }
0x80: {  	_ =	shalt  }
0x81: {  	_ =	shalt  }
0x82: {  	_ =	shalt  }
0x83: {  	_ =	shalt  }
0x84: {  	_ =	shalt  }
0x85: {  	_ =	shalt  }
0x86: {  	_ =	shalt  }
0x87: {  	_ =	shalt  }
.Lfunc_end0:
.L_simem_size_0:
called_computation_lowered:
.L_overlay_start_0:
0x88: {  	s2 =	sld [smem:$0x3FD9]  }
0x89: {  	s3 =	sld [smem:$0x3FFE];
	_ =	sdelay $0x1  }
0x8a: {  	s1 =	srdreg.scid  }
0x8b: {  	s0 =	sand.u32 $0x1, s1  }
0x8c: {  	s17 =	sshll.u32 s0, $0xA;
	s2 =	sadd.s32 s3, s2  }
0x8d: {  	s2 =	sadd.s32 s2, s17  }
0x8e: {  	[smem:$0x3FC0] =	sst s2  }
0x8f: {  	_ = 	snop  }
0x90: {  	s2 =	sld [smem:$0x3FD0];
	(tm) =	ssettm $0x1  }
0x91: {  	s18 =	sld [smem:$0x3FFB];
	_ =	sdelay $0x3  }
0x92: {  	_ =	strace s18  }
0x93: {  	s3 =	sld [smem:$0x3FFC];
	_ =	sdelay $0x3  }
0x94: {  	_ =	strace s3  }
0x95: {  	s3 =	sld [smem:$0x3FFD];
	_ =	sdelay $0x3  }
0x96: {  	_ =	strace s3  }
0x97: {  	_ =	strace $0x8FFFFFFF  }
0x98: {  	s19 =	sld [smem:$0x3FDB];
	_ =	sdelay $0x1  }
0x99: {  	s4 =	simm.s32 $_scs_section_size  }
0x9a: {  	s5 =	simm.s32 $_size__tile_overlayer_lowered;
	s6 =	simm.s32 $_tile_overlayer_lowered  }
0x9b: {  	s22 =	simm.s32 $0x1BFF;
	s21 =	sshll.u32 s6, $0x1;
	s3 =	sadd.s32 s4, s19  }
0x9c: {  	s7 =	simm.s32 $0x0;
	s20 =	sshll.u32 s5, $0x1;
	s5 =	sadd.s32 s21, s3  }
0x9d: {  	[timem:s7], [sflag:s22] =	dma.local [hbm:s5], s20  }
0x9e: {  	_ =	swait.ge [sflag:s22], s20  }
0x9f: {  	s4 =	ssub.s32 $0x0, s20;
	[sflag:s22] =	ssyncset.done $0x0  }
0xa0: {  	[sflag:s22] =	ssyncadd.s32 s4;
	_ =	sdelay $0x1  }
0xa1: {  	s23 =	simm.s32 $0x1B8B  }
0xa2: {  	_ =	swait.ge [sflag:s23], $0x1  }
0xa3: {  	[sflag:s23] =	ssyncset.done $0x0  }
0xa4: {  	s25 =	simm.s32 $0x1B8E;
	s24 =	sld [smem:$0x3FFE];
	[sflag:s23] =	ssyncadd.s32 $0xFFFFFFFF  }
0xa5: {  	s26 =	simm.s32 $execute0_lowered;
	[smem:$0x3FD2] =	sst s25  }
0xa6: {  	s5 =	sshll.u32 s26, $0x1;
	_ =	strace $0x80000046;
	[dreg:$0x1] =	wrdreg $0xFFFFFFFF  }
0xa7: {  	s28 =	simm.s32 $_size_execute0_lowered;
	s3 =	sadd.s32 s3, s5;
	[dreg:$0x0] =	wrdreg $0x0  }
0xa8: {  	s5 =	sshll.u32 s28, $0x1;
	[dreg:$0x2] =	wrdreg s3  }
0xa9: {  	[dreg:$0x3] =	wrdreg s5  }
0xaa: {  	[dreg:$0x4] =	wrdreg $0xC0  }
0xab: {  	_ =	task [dreg:s7], $0x5FFFF  }
0xac: {  	[dreg:$0x1] =	wrdreg $0xFFFFFFFF  }
0xad: {  	[dreg:$0x0] =	wrdreg $0x60  }
0xae: {  	[dreg:$0x2] =	wrdreg s24  }
0xaf: {  	[dreg:$0x3] =	wrdreg s2  }
0xb0: {  	[dreg:$0x4] =	wrdreg $0x7F000  }
0xb1: {  	[dreg:$0x5] =	wrdreg $0xAF000  }
0xb2: {  	[dreg:$0x6] =	wrdreg $0x9  }
0xb3: {  	_ =	task.clear_ibuf [dreg:s7], $0x7FFFF;
	_ =	strace $0x90000046  }
0xb4: {  	s29 =	simm.s32 $0x9;
	_ =	strace $0x80000048  }
0xb5: {  	_ =	swait.ge [sflag:s29], $0x1  }
0xb6: {  	[sflag:s29] =	ssyncadd.s32 $0xFFFFFFFF  }
0xb7: {  	_ =	strace $0x90000048  }
0xb8: {  	_ =	sfence  }
0xb9: {  	s30 =	sld [smem:$0x0];
	_ =	sdelay $0x2  }
0xba: {  	s31 =	sshll.u32 s1, $0xD;
	s1 =	sshrl.u32 s1, $0x2  }
0xbb: {  	s3 =	sand.u32 $0x4000, s31;
	s1 =	sadd.s32 s1, s30  }
0xbc: {  	s0 =	sor.u32 s3, s0;
	s1 =	sshll.u32 s1, $0x11  }
0xbd: {  	s0 =	sor.u32 s1, s0  }
0xbe: {  	s0 =	sadd.s32 $0x8F2B, s0  }
0xbf: {  	[sflag:s0] =	ssyncadd.remote.s32 $0x1  }
0xc0: {  	_ =	sfence.sel $0xFFFF  }
0xc1: {  	[dreg:$0x0] =	wrdreg $0xFFFFFFFF;
	(pc) =	sbr.abs _section_cstart, $3  }
0xc2: {  	[dreg:$0x1] =	wrdreg $0xFFFFFFFF  }
0xc3: {  	_ =	task.clear_ibuf [dreg:s7], $0x2FFFF;
	_ =	strace $0x9FFFFFFF  }
0xc4: {  	(tm) =	ssettm $0x7FFFFFFF  }
0xc5: {  	_ =	shalt  }
tec
execute0_lowered:
.L_overlay_start_1:
0x0: {  	(tag) =	ssettag $0x1  }
0x1: {  	s0 =	rddreg [dreg:$0x0]  }
0x2: {  	s2 =	rddreg [dreg:$0x1]  }
0x3: {  	s1 =	rddreg [dreg:$0x2]  }
0x4: {  	s3 =	rddreg [dreg:$0x3];
	s4 =	simm.s32 $0x0  }
0x5: {  	s13 =	stileid.u32;
	s5 =	srdreg.scid;
	s28 =	simm.s32 $0x13  }
0x6: {  	s18 =	simm.s32 $0x2;
	s29 =	simm.s32 $0x3;
	s31 =	simm.s32 $0x8  }
0x7: {  	s15 =	simm.s32 $0x10;
	s30 =	simm.s32 $0x7700;
	[smem:$0x7FF] =	sst s4  }
0x8: {  	s20 =	smul.u32 $0x2800, s13;
	s6 =	sand.u32 $0x1, s5;
	s5 =	sadd.s32 $0x16600, s0  }
0x9: {  	s9 =	sadd.s32 $0x2C00, s0;
	s10 =	sshll.u32 s13, $0x1;
	s14 =	sadd.s32 $0x20600, s0  }
0xa: {  	s24 =	sshll.u32 s13, $0x6;
	p0 =	sgt.u32 s13, $0x1;
	s13 =	simm.s32 $0x5  }
0xb: {  	_ =	strace $0x80000047;
	s8 =	smul.u32 $0x28000, s6;
	s11 =	ssub.s32 $0x2, s6  }
0xc: {  	s6 =	sor.u32 s6, s10;
	[dreg:$0x5] =	wrdreg s14;
	s14 =	simm.s32 $0xA  }
0xd: {  	s7 =	sshrl.u32 s20, $0x3;
	s21 =	sshrl.u32 s11, $0x1;
	s12 =	smul.u32 $0x2700, s6  }
0xe: {  	s22 =	sadd.s32 s20, s1;
	s6 =	sshll.u32 s6, $0x4;
	s4 =	sadd.s32 s20, s3  }
0xf: {  	s7 =	sadd.s32 s7, s0;
	s8 =	sadd.s32 s20, s8;
	s10 =	ssub.s32 s11, s21  }
0x10: {  	s6 =	sadd.s32 s6, s9;
	s16 =	sshrl.u32 s22, $0x3;
	s17 =	sshrl.u32 s4, $0x3  }
0x11: {  	s20 =	simm.s32 $0xA700;
	s21 =	simm.s32 $0x80;
	s11 =	simm.s32 $0x9  }
0x12: {  	s4 =	simm.s32 $0xB;
	s8 =	sshrl.u32 s8, $0x3;
	[dreg:$0xf] =	wrdreg s16  }
0x13: {  	s7 =	sadd.s32 $0x1B600, s7;
	s23 =	sshrl.u32 s12, $0x3;
	[dreg:$0x10] =	wrdreg s17  }
0x14: {  	s25 =	sadd.s32 $0x9C00, s6;
	s6 =	sadd.s32 $0x13840, s6;
	[dreg:$0x6] =	wrdreg s7  }
0x15: {  	s26 =	smax.u32 s10, $0x1;
	s10 =	simm.s32 $0x4;
	[dreg:$0xa] =	wrdreg s25  }
0x16: {  	s12 =	simm.s32 $0xF;
	s0 =	sadd.s32 s8, s0;
	[dreg:$0xb] =	wrdreg s6  }
0x17: {  	s7 =	sadd.s32 s9, s23;
	s23 =	sor.u32 $0x1C13, s24;
	[dreg:$0xe] =	wrdreg s26  }
0x18: {  	s2 =	sadd.s32 s2, s8;
	s24 =	simm.s32 $0x7;
	[dreg:$0x7] =	wrdreg s7  }
0x19: {  	s26 =	simm.s32 $0xD;
	s6 =	simm.s32 $0xE;
	[dreg:$0xc] =	wrdreg s2  }
0x1a: {  	s8 =	simm.s32 $0x6;
	s7 =	sadd.s32 $0x9C40, s7;
	[dreg:$0x8] =	wrdreg s23  }
0x1b: {  	s0 =	sadd.s32 $0x20800, s0;
	s2 =	simm.s32 $0x1;
	[dreg:$0x9] =	wrdreg s7  }
0x1c: {  	[dreg:$0xd] =	wrdreg s0;
	s7 =	simm.s32 $0x11;
	s0 =	simm.s32 $0x0  }
.LBB2_1:
0x1d: {  	[dreg:$0x11] =	wrdreg s0  }
0x1e: {  	s22 =	rddreg [dreg:$0x6]  }
0x1f: {  	[spmem:s16], [sflag:s23] =	dma.local [hbm:s22], $0x500  }
0x20: {  	_ =	swait.ge [sflag:s28], $0x500  }
0x21: {  	[sflag:s28] =	ssyncset.done $0x0  }
0x22: {  	s19 =	simm.s32 $0x0;
	s9 =	rddreg [dreg:$0x7];
	[sflag:s28] =	ssyncadd.s32 $0xFFFFFB00  }
0x23: {  	[tilespmem:s19], [sflag:$0x13] =	stream.linear.gather [hbm4b:s9+s19], $0x2700, $0x38;
	[tilespmem:$0xD700] =	vst v63  }
0x24: {  	_ =	swait.ge [sflag:s28], $0x2700  }
0x25: {  	[sflag:s28] =	ssyncset.done $0x0  }
0x26: {  	s0 =	simm.s32 $0x2780;
	s25 =	rddreg [dreg:$0x9];
	[sflag:s28] =	ssyncadd.s32 $0xFFFFD900  }
0x27: {  	[tilespmem:s0], [sflag:$0x13] =	stream.linear.gather [hbm4b:s25+s19], $0x2700, $0x38;
	[tilespmem:$0xD700] =	vst v63  }
0x28: {  	_ =	swait.ge [sflag:s28], $0x2700  }
0x29: {  	s16 =	simm.s32 @!p0 $0x2700;
	s9 =	smov.u32 s17;
	[sflag:s28] =	ssyncset.done $0x0  }
0x2a: {  	s0 =	simm.s32 @!p0 $0x0;
	s17 =	rddreg [dreg:$0xa];
	[sflag:s28] =	ssyncadd.s32 $0xFFFFD900  }
0x2b: {  	[tilespmem:s16], [sflag:$0x13] =	stream.linear.gather @!p0 [hbm4b:s17+s0], $0x80, $0x38;
	[tilespmem:$0xD700] =	vst v63  }
0x2c: {  	s16 =	simm.s32 @!p0 $0x13  }
0x2d: {  	_ =	swait.ge @!p0 [sflag:s16], $0x80  }
0x2e: {  	[sflag:s16] =	ssyncset.done @!p0 $0x0  }
0x2f: {  	s17 =	simm.s32 @!p0 $0x4E80;
	s25 =	rddreg [dreg:$0xb];
	[sflag:s16] =	ssyncadd.s32 @!p0 $0xFFFFFF80  }
0x30: {  	[tilespmem:s17], [sflag:$0x13] =	stream.linear.gather @!p0 [hbm4b:s25+s0], $0x80, $0x38;
	[tilespmem:$0xD700] =	vst v63  }
0x31: {  	_ =	swait.ge @!p0 [sflag:s16], $0x80  }
0x32: {  	[sflag:s16] =	ssyncset.done @!p0 $0x0  }
0x33: {  	[sflag:s16] =	ssyncadd.s32 @!p0 $0xFFFFFF80  }
0x34: {  	[spmem:s9], [sflag:s23] =	dma.local [hbm:s22], $0x500  }
0x35: {  	_ =	swait.ge [sflag:s28], $0x500  }
0x36: {  	[sflag:s28] =	ssyncset.done $0x0  }
0x37: {  	s23 =	rddreg [dreg:$0x5];
	[sflag:s28] =	ssyncadd.s32 $0xFFFFFB00  }
0x38: {  	[tilespmem:s20], [sflag:$0x13] =	stream.linear.gather [hbm4b:s23+s19], $0x800, $0x38;
	[tilespmem:$0xD700] =	vst v63  }
0x39: {  	_ =	swait.ge [sflag:s28], $0x800  }
0x3a: {  	[sflag:s28] =	ssyncset.done $0x0  }
0x3b: {  	[sflag:s28] =	ssyncadd.s32 $0xFFFFF800  }
0x3c: {  	s16 =	simm.s32 $0x4F00;
	[bflag:$0x0] =	sbarrier.arrive $0xFFFF  }
0x3d: {  	[tilespmem:s16], [sflag:$0x1] =	stream.indirect.gather [hbm4b:s5+s21], $0x10, s19, s21, $0xb8;
	[tilespmem:$0xD700] =	vst v63  }
0x3e: {  	s19 =	simm.s32 $0x5700  }
0x3f: {  	[tilespmem:s19], [sflag:$0x2] =	stream.indirect.gather [hbm4b:s5+s21], $0x10, s21, s21, $0xb8;
	[tilespmem:$0xD700] =	vst v63  }
0x40: {  	s25 =	simm.s32 $0x100;
	s22 =	simm.s32 $0x5F00  }
0x41: {  	[tilespmem:s22], [sflag:$0x3] =	stream.indirect.gather [hbm4b:s5+s21], $0x10, s25, s21, $0xb8;
	[tilespmem:$0xD700] =	vst v63  }
0x42: {  	s23 =	simm.s32 $0x6700;
	s28 =	simm.s32 $0x180  }
0x43: {  	[tilespmem:s23], [sflag:$0x4] =	stream.indirect.gather [hbm4b:s5+s21], $0x10, s28, s21, $0xb8;
	[tilespmem:$0xD700] =	vst v63  }
0x44: {  	s0 =	simm.s32 $0x200;
	s25 =	simm.s32 $0x6F00  }
0x45: {  	[tilespmem:s25], [sflag:$0x5] =	stream.indirect.gather [hbm4b:s5+s21], $0x10, s0, s21, $0xb8;
	[tilespmem:$0xD700] =	vst v63  }
0x46: {  	s17 =	simm.s32 $0x280;
	s0 =	simm.s32 $0x7700  }
0x47: {  	[tilespmem:s0], [sflag:$0x6] =	stream.indirect.gather [hbm4b:s5+s21], $0x10, s17, s21, $0xb8;
	[tilespmem:$0xD700] =	vst v63  }
0x48: {  	_ =	swait.ge [sflag:s2], $0x800  }
0x49: {  	[sflag:s2] =	ssyncset.done $0x0  }
0x4a: {  	p1 =	por $0x1, $0x1;
	s28 =	simm.s32 $0x2780;
	[sflag:s2] =	ssyncadd.s32 $0xFFFFF800  }
0x4b: {  	[spmem:s1] =	stream.indirect.scatter.add.f32 [tilespmem:s16], [sflag:$0x7], $0x10, s28, s21, $0xb8;
	[tilespmem:$0xD700] =	vst v63  }
0x4c: {  	s9 =	simm.s32 @!p1 $0xC  }
0x4d: {  	[spmem:s3] =	stream.indirect.scatter.add.f32 [tilespmem:s20], [sflag:$0xD], $0x10, s28, s21, $0xb8;
	[tilespmem:$0xD700] =	vst v63  }
0x4e: {  	_ =	swait.ge @!p1 [sflag:s9], $0x800  }
0x4f: {  	s17 =	simm.s32 @!p1 $0x80;
	[sflag:s9] =	ssyncset.done @!p1 $0x0  }
0x50: {  	s16 =	simm.s32 @!p1 $0x280;
	[sflag:s9] =	ssyncadd.s32 @!p1 $0xFFFFF800;
	s9 =	simm.s32 @!p1 $0x7700  }
0x51: {  	[tilespmem:s9], [sflag:$0x6] =	stream.indirect.gather @!p1 [hbm4b:s5+s17], $0x10, s16, s17, $0xb8;
	[tilespmem:$0xD700] =	vst v63  }
0x52: {  	s9 =	simm.s32 @!p1 $0x12  }
0x53: {  	_ =	swait.ge @!p1 [sflag:s9], $0x800  }
0x54: {  	[sflag:s9] =	ssyncset.done @!p1 $0x0  }
0x55: {  	[sflag:s9] =	ssyncadd.s32 @!p1 $0xFFFFF800  }
0x56: {  	_ =	swait.ge [sflag:s18], $0x800  }
0x57: {  	[sflag:s18] =	ssyncset.done $0x0  }
0x58: {  	s17 =	simm.s32 $0x2800;
	[sflag:s18] =	ssyncadd.s32 $0xFFFFF800  }
0x59: {  	[spmem:s1] =	stream.indirect.scatter.add.f32 [tilespmem:s19], [sflag:$0x8], $0x10, s17, s21, $0xb8;
	[tilespmem:$0xD700] =	vst v63  }
0x5a: {  	_ = 	snop  }
0x5b: {  	[spmem:s3] =	stream.indirect.scatter.add.f32 [tilespmem:s20], [sflag:$0xE], $0x10, s17, s21, $0xb8;
	[tilespmem:$0xD700] =	vst v63  }
0x5c: {  	p1 =	por $0x0, $0x0;
	_ =	swait.ge [sflag:s24], $0x800  }
0x5d: {  	s9 =	simm.s32 @!p1 $0x4F00;
	[sflag:s24] =	ssyncset.done $0x0  }
0x5e: {  	s16 =	simm.s32 @!p1 $0x300;
	s17 =	simm.s32 @!p1 $0x80;
	[sflag:s24] =	ssyncadd.s32 $0xFFFFF800  }
0x5f: {  	[tilespmem:s9], [sflag:$0x1] =	stream.indirect.gather @!p1 [hbm4b:s5+s17], $0x10, s16, s17, $0xb8;
	[tilespmem:$0xD700] =	vst v63  }
0x60: {  	_ =	swait.ge [sflag:s26], $0x800  }
0x61: {  	[sflag:s26] =	ssyncset.done $0x0  }
0x62: {  	[sflag:s26] =	ssyncadd.s32 $0xFFFFF800  }
0x63: {  	_ =	swait.ge [sflag:s29], $0x800  }
0x64: {  	[sflag:s29] =	ssyncset.done $0x0  }
0x65: {  	s19 =	simm.s32 $0x2880;
	[sflag:s29] =	ssyncadd.s32 $0xFFFFF800  }
0x66: {  	[spmem:s1] =	stream.indirect.scatter.add.f32 [tilespmem:s22], [sflag:$0x9], $0x10, s19, s21, $0xb8;
	[tilespmem:$0xD700] =	vst v63  }
0x67: {  	_ = 	snop  }
0x68: {  	[spmem:s3] =	stream.indirect.scatter.add.f32 [tilespmem:s20], [sflag:$0xF], $0x10, s19, s21, $0xb8;
	[tilespmem:$0xD700] =	vst v63  }
0x69: {  	_ =	swait.ge [sflag:s31], $0x800  }
0x6a: {  	[sflag:s31] =	ssyncset.done $0x0  }
0x6b: {  	s9 =	simm.s32 @!p1 $0x380;
	s16 =	simm.s32 @!p1 $0x5700;
	[sflag:s31] =	ssyncadd.s32 $0xFFFFF800  }
0x6c: {  	[tilespmem:s16], [sflag:$0x2] =	stream.indirect.gather @!p1 [hbm4b:s5+s17], $0x10, s9, s17, $0xb8;
	[tilespmem:$0xD700] =	vst v63  }
0x6d: {  	_ =	swait.ge [sflag:s6], $0x800  }
0x6e: {  	[sflag:s6] =	ssyncset.done $0x0  }
0x6f: {  	[sflag:s6] =	ssyncadd.s32 $0xFFFFF800  }
0x70: {  	_ =	swait.ge [sflag:s10], $0x800  }
0x71: {  	[sflag:s10] =	ssyncset.done $0x0  }
0x72: {  	s22 =	simm.s32 $0x2900;
	[sflag:s10] =	ssyncadd.s32 $0xFFFFF800  }
0x73: {  	[spmem:s1] =	stream.indirect.scatter.add.f32 [tilespmem:s23], [sflag:$0xA], $0x10, s22, s21, $0xb8;
	[tilespmem:$0xD700] =	vst v63  }
0x74: {  	_ = 	snop  }
0x75: {  	[spmem:s3] =	stream.indirect.scatter.add.f32 [tilespmem:s20], [sflag:$0x10], $0x10, s22, s21, $0xb8;
	[tilespmem:$0xD700] =	vst v63  }
0x76: {  	_ =	swait.ge [sflag:s11], $0x800  }
0x77: {  	[sflag:s11] =	ssyncset.done $0x0  }
0x78: {  	s9 =	simm.s32 @!p1 $0x400;
	s16 =	simm.s32 @!p1 $0x5F00;
	[sflag:s11] =	ssyncadd.s32 $0xFFFFF800  }
0x79: {  	[tilespmem:s16], [sflag:$0x3] =	stream.indirect.gather @!p1 [hbm4b:s5+s17], $0x10, s9, s17, $0xb8;
	[tilespmem:$0xD700] =	vst v63  }
0x7a: {  	_ =	swait.ge [sflag:s12], $0x800  }
0x7b: {  	[sflag:s12] =	ssyncset.done $0x0  }
0x7c: {  	[sflag:s12] =	ssyncadd.s32 $0xFFFFF800  }
0x7d: {  	_ =	swait.ge [sflag:s13], $0x800  }
0x7e: {  	[sflag:s13] =	ssyncset.done $0x0  }
0x7f: {  	s23 =	simm.s32 $0x2980;
	[sflag:s13] =	ssyncadd.s32 $0xFFFFF800  }
0x80: {  	[spmem:s1] =	stream.indirect.scatter.add.f32 [tilespmem:s25], [sflag:$0xB], $0x10, s23, s21, $0xb8;
	[tilespmem:$0xD700] =	vst v63  }
0x81: {  	_ = 	snop  }
0x82: {  	[spmem:s3] =	stream.indirect.scatter.add.f32 [tilespmem:s20], [sflag:$0x11], $0x10, s23, s21, $0xb8;
	[tilespmem:$0xD700] =	vst v63  }
0x83: {  	_ =	swait.ge [sflag:s14], $0x800  }
0x84: {  	[sflag:s14] =	ssyncset.done $0x0  }
0x85: {  	s9 =	simm.s32 @!p1 $0x480;
	s16 =	simm.s32 @!p1 $0x6700;
	[sflag:s14] =	ssyncadd.s32 $0xFFFFF800  }
0x86: {  	[tilespmem:s16], [sflag:$0x4] =	stream.indirect.gather @!p1 [hbm4b:s5+s17], $0x10, s9, s17, $0xb8;
	[tilespmem:$0xD700] =	vst v63  }
0x87: {  	_ =	swait.ge [sflag:s15], $0x800  }
0x88: {  	[sflag:s15] =	ssyncset.done $0x0  }
0x89: {  	[sflag:s15] =	ssyncadd.s32 $0xFFFFF800  }
0x8a: {  	_ =	swait.ge [sflag:s8], $0x800  }
0x8b: {  	[sflag:s8] =	ssyncset.done $0x0  }
0x8c: {  	s28 =	simm.s32 $0x2A00;
	[sflag:s8] =	ssyncadd.s32 $0xFFFFF800  }
0x8d: {  	[spmem:s1] =	stream.indirect.scatter.add.f32 [tilespmem:s0], [sflag:$0xC], $0x10, s28, s21, $0xb8;
	[tilespmem:$0xD700] =	vst v63  }
0x8e: {  	_ = 	snop  }
0x8f: {  	[spmem:s3] =	stream.indirect.scatter.add.f32 [tilespmem:s20], [sflag:$0x12], $0x10, s28, s21, $0xb8;
	[tilespmem:$0xD700] =	vst v63  }
0x90: {  	_ =	swait.ge [sflag:s4], $0x800  }
0x91: {  	[sflag:s4] =	ssyncset.done $0x0  }
0x92: {  	s9 =	simm.s32 @!p1 $0x500;
	s16 =	simm.s32 @!p1 $0x6F00;
	[sflag:s4] =	ssyncadd.s32 $0xFFFFF800  }
0x93: {  	[tilespmem:s16], [sflag:$0x5] =	stream.indirect.gather @!p1 [hbm4b:s5+s17], $0x10, s9, s17, $0xb8;
	[tilespmem:$0xD700] =	vst v63  }
0x94: {  	s19 =	simm.s32 $0xC00;
	_ =	swait.ge [sflag:s7], $0x800  }
.LBB2_2:
0x95: {  	[sflag:s7] =	ssyncset.done $0x0;
	s16 =	smov.u32 s19;
	s19 =	sadd.s32 $0xC00, s19  }
0x96: {  	p1 =	sne.s32 s19, $0x9C00;
	[sflag:s7] =	ssyncadd.s32 $0xFFFFF800  }
0x97: {  	_ =	swait.ge [sflag:s2], $0x800  }
0x98: {  	s9 =	sshra.s32 s16, $0x2;
	[sflag:s2] =	ssyncset.done $0x0  }
0x99: {  	s22 =	simm.s32 $0x4F00;
	s17 =	sadd.s32 $0x2780, s9;
	[sflag:s2] =	ssyncadd.s32 $0xFFFFF800  }
0x9a: {  	[spmem:s1] =	stream.indirect.scatter.add.f32 [tilespmem:s22], [sflag:$0x7], $0x10, s17, s21, $0xb8;
	[tilespmem:$0xD700] =	vst v63  }
0x9b: {  	p2 =	seq.s32 s16, $0x0  }
0x9c: {  	[spmem:s3] =	stream.indirect.scatter.add.f32 [tilespmem:s20], [sflag:$0xD], $0x10, s17, s21, $0xb8;
	[tilespmem:$0xD700] =	vst v63  }
0x9d: {  	s22 =	sshra.s32 @!p2 s16, $0x2;
	s17 =	simm.s32 @!p2 $0xC  }
0x9e: {  	s22 =	sadd.s32 @!p2 $0x280, s22;
	_ =	swait.ge @!p2 [sflag:s17], $0x800  }
0x9f: {  	s23 =	simm.s32 @!p2 $0x80;
	s25 =	simm.s32 @!p2 $0x7700;
	[sflag:s17] =	ssyncset.done @!p2 $0x0  }
0xa0: {  	[sflag:s17] =	ssyncadd.s32 @!p2 $0xFFFFF800;
	s17 =	simm.s32 @!p2 $0x12  }
0xa1: {  	[tilespmem:s25], [sflag:$0x6] =	stream.indirect.gather @!p2 [hbm4b:s5+s23], $0x10, s22, s23, $0xb8;
	[tilespmem:$0xD700] =	vst v63  }
0xa2: {  	_ =	swait.ge @!p2 [sflag:s17], $0x800  }
0xa3: {  	[sflag:s17] =	ssyncset.done @!p2 $0x0  }
0xa4: {  	[sflag:s17] =	ssyncadd.s32 @!p2 $0xFFFFF800  }
0xa5: {  	_ =	swait.ge [sflag:s18], $0x800  }
0xa6: {  	s17 =	sadd.s32 $0x2800, s9;
	[sflag:s18] =	ssyncset.done $0x0  }
0xa7: {  	s22 =	simm.s32 $0x5700;
	[sflag:s18] =	ssyncadd.s32 $0xFFFFF800  }
0xa8: {  	[spmem:s1] =	stream.indirect.scatter.add.f32 [tilespmem:s22], [sflag:$0x8], $0x10, s17, s21, $0xb8;
	[tilespmem:$0xD700] =	vst v63  }
0xa9: {  	p2 =	seq.s32 s16, $0x9000  }
0xaa: {  	[spmem:s3] =	stream.indirect.scatter.add.f32 [tilespmem:s20], [sflag:$0xE], $0x10, s17, s21, $0xb8;
	[tilespmem:$0xD700] =	vst v63  }
0xab: {  	s22 =	simm.s32 @!p2 $0x4F00;
	s17 =	sshra.s32 @!p2 s16, $0x2;
	_ =	swait.ge [sflag:s24], $0x800  }
0xac: {  	s16 =	simm.s32 @!p2 $0x80;
	s23 =	sadd.s32 @!p2 $0x300, s17;
	[sflag:s24] =	ssyncset.done $0x0  }
0xad: {  	s25 =	sadd.s32 @!p2 $0x380, s17;
	s28 =	sadd.s32 @!p2 $0x400, s17;
	[sflag:s24] =	ssyncadd.s32 $0xFFFFF800  }
0xae: {  	[tilespmem:s22], [sflag:$0x1] =	stream.indirect.gather @!p2 [hbm4b:s5+s16], $0x10, s23, s16, $0xb8;
	[tilespmem:$0xD700] =	vst v63  }
0xaf: {  	s22 =	sadd.s32 @!p2 $0x480, s17;
	s17 =	sadd.s32 @!p2 $0x500, s17;
	_ =	swait.ge [sflag:s26], $0x800  }
0xb0: {  	[sflag:s26] =	ssyncset.done $0x0  }
0xb1: {  	[sflag:s26] =	ssyncadd.s32 $0xFFFFF800  }
0xb2: {  	_ =	swait.ge [sflag:s29], $0x800  }
0xb3: {  	s23 =	sadd.s32 $0x2880, s9;
	[sflag:s29] =	ssyncset.done $0x0  }
0xb4: {  	s0 =	simm.s32 $0x5F00;
	[sflag:s29] =	ssyncadd.s32 $0xFFFFF800  }
0xb5: {  	[spmem:s1] =	stream.indirect.scatter.add.f32 [tilespmem:s0], [sflag:$0x9], $0x10, s23, s21, $0xb8;
	[tilespmem:$0xD700] =	vst v63  }
0xb6: {  	_ = 	snop  }
0xb7: {  	[spmem:s3] =	stream.indirect.scatter.add.f32 [tilespmem:s20], [sflag:$0xF], $0x10, s23, s21, $0xb8;
	[tilespmem:$0xD700] =	vst v63  }
0xb8: {  	_ =	swait.ge [sflag:s31], $0x800  }
0xb9: {  	s23 =	simm.s32 @!p2 $0x5700;
	[sflag:s31] =	ssyncset.done $0x0  }
0xba: {  	[sflag:s31] =	ssyncadd.s32 $0xFFFFF800  }
0xbb: {  	[tilespmem:s23], [sflag:$0x2] =	stream.indirect.gather @!p2 [hbm4b:s5+s16], $0x10, s25, s16, $0xb8;
	[tilespmem:$0xD700] =	vst v63  }
0xbc: {  	_ =	swait.ge [sflag:s6], $0x800  }
0xbd: {  	[sflag:s6] =	ssyncset.done $0x0  }
0xbe: {  	[sflag:s6] =	ssyncadd.s32 $0xFFFFF800  }
0xbf: {  	_ =	swait.ge [sflag:s10], $0x800  }
0xc0: {  	s23 =	sadd.s32 $0x2900, s9;
	[sflag:s10] =	ssyncset.done $0x0  }
0xc1: {  	s0 =	simm.s32 $0x6700;
	[sflag:s10] =	ssyncadd.s32 $0xFFFFF800  }
0xc2: {  	[spmem:s1] =	stream.indirect.scatter.add.f32 [tilespmem:s0], [sflag:$0xA], $0x10, s23, s21, $0xb8;
	[tilespmem:$0xD700] =	vst v63  }
0xc3: {  	_ = 	snop  }
0xc4: {  	[spmem:s3] =	stream.indirect.scatter.add.f32 [tilespmem:s20], [sflag:$0x10], $0x10, s23, s21, $0xb8;
	[tilespmem:$0xD700] =	vst v63  }
0xc5: {  	_ =	swait.ge [sflag:s11], $0x800  }
0xc6: {  	s23 =	simm.s32 @!p2 $0x5F00;
	[sflag:s11] =	ssyncset.done $0x0  }
0xc7: {  	[sflag:s11] =	ssyncadd.s32 $0xFFFFF800  }
0xc8: {  	[tilespmem:s23], [sflag:$0x3] =	stream.indirect.gather @!p2 [hbm4b:s5+s16], $0x10, s28, s16, $0xb8;
	[tilespmem:$0xD700] =	vst v63  }
0xc9: {  	_ =	swait.ge [sflag:s12], $0x800  }
0xca: {  	[sflag:s12] =	ssyncset.done $0x0  }
0xcb: {  	[sflag:s12] =	ssyncadd.s32 $0xFFFFF800  }
0xcc: {  	_ =	swait.ge [sflag:s13], $0x800  }
0xcd: {  	s23 =	sadd.s32 $0x2980, s9;
	[sflag:s13] =	ssyncset.done $0x0  }
0xce: {  	s0 =	simm.s32 $0x6F00;
	[sflag:s13] =	ssyncadd.s32 $0xFFFFF800  }
0xcf: {  	[spmem:s1] =	stream.indirect.scatter.add.f32 [tilespmem:s0], [sflag:$0xB], $0x10, s23, s21, $0xb8;
	[tilespmem:$0xD700] =	vst v63  }
0xd0: {  	_ = 	snop  }
0xd1: {  	[spmem:s3] =	stream.indirect.scatter.add.f32 [tilespmem:s20], [sflag:$0x11], $0x10, s23, s21, $0xb8;
	[tilespmem:$0xD700] =	vst v63  }
0xd2: {  	_ =	swait.ge [sflag:s14], $0x800  }
0xd3: {  	s23 =	simm.s32 @!p2 $0x6700;
	[sflag:s14] =	ssyncset.done $0x0  }
0xd4: {  	[sflag:s14] =	ssyncadd.s32 $0xFFFFF800  }
0xd5: {  	[tilespmem:s23], [sflag:$0x4] =	stream.indirect.gather @!p2 [hbm4b:s5+s16], $0x10, s22, s16, $0xb8;
	[tilespmem:$0xD700] =	vst v63  }
0xd6: {  	_ =	swait.ge [sflag:s15], $0x800  }
0xd7: {  	[sflag:s15] =	ssyncset.done $0x0  }
0xd8: {  	[sflag:s15] =	ssyncadd.s32 $0xFFFFF800  }
0xd9: {  	_ =	swait.ge [sflag:s8], $0x800  }
0xda: {  	s9 =	sadd.s32 $0x2A00, s9;
	[sflag:s8] =	ssyncset.done $0x0  }
0xdb: {  	[sflag:s8] =	ssyncadd.s32 $0xFFFFF800  }
0xdc: {  	[spmem:s1] =	stream.indirect.scatter.add.f32 [tilespmem:s30], [sflag:$0xC], $0x10, s9, s21, $0xb8;
	[tilespmem:$0xD700] =	vst v63  }
0xdd: {  	_ = 	snop  }
0xde: {  	[spmem:s3] =	stream.indirect.scatter.add.f32 [tilespmem:s20], [sflag:$0x12], $0x10, s9, s21, $0xb8;
	[tilespmem:$0xD700] =	vst v63  }
.Ltmp0:
0xdf: {  	_ =	swait.ge [sflag:s4], $0x800;
	(pc) =	sbr.rel @p1 .LBB2_2-.Ltmp0, $4  }
0xe0: {  	s9 =	simm.s32 @!p2 $0x6F00;
	[sflag:s4] =	ssyncset.done $0x0  }
0xe1: {  	[sflag:s4] =	ssyncadd.s32 $0xFFFFF800  }
0xe2: {  	[tilespmem:s9], [sflag:$0x5] =	stream.indirect.gather @!p2 [hbm4b:s5+s16], $0x10, s17, s16, $0xb8;
	[tilespmem:$0xD700] =	vst v63  }
0xe3: {  	_ =	swait.ge [sflag:s7], $0x800  }
0xe4: {  	[sflag:s7] =	ssyncset.done $0x0  }
0xe5: {  	s0 =	simm.s32 $0xC;
	[sflag:s7] =	ssyncadd.s32 $0xFFFFF800  }
0xe6: {  	_ =	swait.ge [sflag:s0], $0x800  }
0xe7: {  	[sflag:s0] =	ssyncset.done $0x0  }
0xe8: {  	s16 =	simm.s32 $0x12;
	[sflag:s0] =	ssyncadd.s32 $0xFFFFF800  }
0xe9: {  	_ =	swait.ge [sflag:s16], $0x800  }
0xea: {  	s9 =	simm.s32 @!p0 $0x80;
	[sflag:s16] =	ssyncset.done $0x0  }
0xeb: {  	s17 =	simm.s32 @!p0 $0x4F00;
	[sflag:s16] =	ssyncadd.s32 $0xFFFFF800;
	s16 =	simm.s32 @!p0 $0x2700  }
0xec: {  	[tilespmem:s17], [sflag:$0x1] =	stream.indirect.gather @!p0 [hbm4b:s5+s9], $0x10, s16, s9, $0xb8;
	[tilespmem:$0xD700] =	vst v63  }
0xed: {  	s16 =	simm.s32 @!p0 $0x1  }
0xee: {  	_ =	swait.ge @!p0 [sflag:s16], $0x800  }
0xef: {  	[sflag:s16] =	ssyncset.done @!p0 $0x0  }
0xf0: {  	[sflag:s16] =	ssyncadd.s32 @!p0 $0xFFFFF800;
	s16 =	simm.s32 @!p0 $0x4E80  }
0xf1: {  	[spmem:s1] =	stream.indirect.scatter.add.f32 @!p0 [tilespmem:s17], [sflag:$0x7], $0x10, s16, s9, $0xb8;
	[tilespmem:$0xD700] =	vst v63  }
0xf2: {  	s17 =	simm.s32 @!p0 $0xA700  }
0xf3: {  	[spmem:s3] =	stream.indirect.scatter.add.f32 @!p0 [tilespmem:s17], [sflag:$0xD], $0x10, s16, s9, $0xb8;
	[tilespmem:$0xD700] =	vst v63  }
0xf4: {  	s9 =	simm.s32 @!p0 $0xD  }
0xf5: {  	_ =	swait.ge @!p0 [sflag:s9], $0x800  }
0xf6: {  	[sflag:s9] =	ssyncset.done @!p0 $0x0  }
0xf7: {  	[sflag:s9] =	ssyncadd.s32 @!p0 $0xFFFFF800;
	s9 =	simm.s32 @!p0 $0x7  }
0xf8: {  	_ =	swait.ge @!p0 [sflag:s9], $0x800  }
0xf9: {  	[sflag:s9] =	ssyncset.done @!p0 $0x0  }
0xfa: {  	[sflag:s9] =	ssyncadd.s32 @!p0 $0xFFFFF800  }
0xfb: {  	[bflag:$0x0] =	sbarrier.arrive $0xFFFF  }
0xfc: {  	s23 =	rddreg [dreg:$0x8]  }
0xfd: {  	s17 =	rddreg [dreg:$0xc]  }
0xfe: {  	s28 =	simm.s32 $0x13;
	s16 =	rddreg [dreg:$0xf]  }
0xff: {  	[hbm:s17], [sflag:s23] =	dma.local [spmem:s16], $0x500  }
0x100: {  	_ =	swait.ge [sflag:s28], $0x500  }
0x101: {  	[sflag:s28] =	ssyncset.done $0x0;
	s19 =	rddreg [dreg:$0xd]  }
0x102: {  	s17 =	rddreg [dreg:$0x10];
	[sflag:s28] =	ssyncadd.s32 $0xFFFFFB00  }
0x103: {  	[hbm:s19], [sflag:s23] =	dma.local [spmem:s17], $0x500  }
0x104: {  	_ =	swait.ge [sflag:s28], $0x500  }
0x105: {  	s22 =	rddreg [dreg:$0x11]  }
0x106: {  	s25 =	rddreg [dreg:$0xe];
	s0 =	sadd.s32 $0x1, s22  }
0x107: {  	p1 =	sne.s32 s0, s25  }
.Ltmp1:
0x108: {  	_ = 	snop;
	(pc) =	sbr.rel @p1 .LBB2_1-.Ltmp1, $3  }
0x109: {  	_ =	sdelay $0x1  }
0x10a: {  	[sflag:s28] =	ssyncset.done $0x0  }
0x10b: {  	[sflag:s28] =	ssyncadd.s32 $0xFFFFFB00  }
0x10c: {  	_ =	sfence.sel $0x180000  }
0x10d: {  	[bflag:$0x0] =	sbarrier.arrive $0xFFFF  }
0x10e: {  	_ =	strace $0x90000047  }
0x10f: {  	s0 =	stileid.u32;
	[bflag:$0x2] =	sbarrier.arrive $0xFFFF  }
0x110: {  	p0 =	sne.s32 s0, $0x0;
	s0 =	rddreg [dreg:$0x4]  }
0x111: {  	s0 =	sadd.s32 @!p0 $0x100000, s0  }
0x112: {  	[sflag:s0] =	ssyncadd.tile.s32 @!p0 $0x1;
	_ =	shalt  }
.Lfunc_end2:
_tile_overlayer_lowered:
.L_overlay_start_2:
0x113: {  	(tag) =	ssettag $0x2  }
0x114: {  	s0 =	rddreg [dreg:$0x0];
	s2 =	stileid.u32  }
0x115: {  	s1 =	rddreg [dreg:$0x1];
	p0 =	sne.s32 s2, $0x0  }
0x116: {  	s3 =	rddreg [dreg:$0x2];
	[bflag:$0x3] =	sbarrier.arrive $0xFFFF;
	s2 =	simm.s32 @!p0 $0x1C13  }
0x117: {  	[timem:s3], [sflag:s2] =	dma.local @!p0 [hbm:s0], s1  }
0x118: {  	s0 =	simm.s32 @!p0 $0x13  }
0x119: {  	_ =	swait.ge @!p0 [sflag:s0], s1  }
0x11a: {  	s1 =	ssub.s32 @!p0 $0x0, s1;
	[sflag:s0] =	ssyncset.done @!p0 $0x0  }
0x11b: {  	[sflag:s0] =	ssyncadd.s32 @!p0 s1  }
0x11c: {  	[bflag:$0x3] =	sbarrier.arrive $0xFFFF  }
0x11d: {  	_ =	shalt  }

</sc_bundles>
